<compile_context>
chip_gen: v7x
topology: tpu7x:2x2x1
jax: 0.10.2.dev20260603
libtpu: 0.0.44.dev20260713+nightly
codegen_flags: <defaults>
</compile_context>

<pallas_src>
import functools

import jax
import jax.numpy as jnp
from jax import lax
from jax.experimental import pallas as pl
from jax.experimental.pallas import tpu as pltpu
from jax.experimental.pallas import tpu_sc as plsc

B = 16384
D = 64
NC = 2
NS = 16
NW = NC * NS
BPW = B // NW
R = 16
NBL = BPW // R

_mesh = plsc.VectorSubcoreMesh(core_axis_name="c", subcore_axis_name="s")
_params = pltpu.CompilerParams(needs_layout_passes=False,
                               disable_bounds_checks=True)


@functools.partial(
    pl.kernel,
    mesh=_mesh,
    out_type=tuple(jax.ShapeDtypeStruct((B, D), jnp.float32)
                   for _ in range(4)),
    scratch_types=[
        tuple(pltpu.VMEM((BPW,), jnp.int32) for _ in range(4)),
        tuple(pltpu.SemaphoreType.DMA for _ in range(16)),
    ],
    compiler_params=_params,
)
def _gather(user_t, item_t, users_hbm, pos_hbm, pot_hbm, neg_hbm,
            out_u, out_p, out_t, out_n, ibufs, sems):
    wid = lax.axis_index("s") * NC + lax.axis_index("c")
    b0 = wid * BPW

    streams = ((users_hbm, user_t, out_u, 0),
               (pos_hbm, item_t, out_p, 1),
               (pot_hbm, item_t, out_t, 2),
               (neg_hbm, item_t, out_n, 3))

    for idx_hbm, _, _, k in streams:
        pltpu.sync_copy(idx_hbm.at[pl.ds(b0, BPW)], ibufs[k])

    for _, tab, out, k in streams:
        ib = ibufs[k]

        def wait(s, tab=tab, out=out):
            pltpu.make_async_copy(tab.at[pl.ds(0, 1)],
                                  out.at[pl.ds(b0, 1)], sems[s]).wait()

        def body(g, _, tab=tab, out=out, ib=ib):
            iv16 = ib[pl.ds(g * R, R)]

            @pl.when(g > 0)
            def _():
                for s in range(R):
                    wait(s)

            for s in range(R):
                pltpu.async_copy(tab.at[pl.ds(iv16[s], 1)],
                                 out.at[pl.ds(b0 + g * R + s, 1)], sems[s])
            return 0

        lax.fori_loop(0, NBL, body, 0)
        for s in range(R):
            wait(s)


def kernel(user_emb, item_emb, users, pos_items, pot_items, neg_items):
    return _gather(user_emb, item_emb,
                   users.astype(jnp.int32), pos_items.astype(jnp.int32),
                   pot_items.astype(jnp.int32), neg_items.astype(jnp.int32))

# --- scband reference (transcript-rebuilt; emitter-appended) ---
"""Pipeline reference for scband-set-rank-6176162972141 (READ-ONLY COPY).

The authoritative reference and input builder live on the scoring server;
editing this copy changes nothing except your own understanding.
"""

import jax, jax.numpy as jnp
import numpy as np

N_USERS = 1000000
N_ITEMS = 1000000
EMBED = 64
BATCH = 16384

def setup_inputs(seed: int = 0) -> dict:
    key = jax.random.key(seed)
    k1, k2, k3, k4, k5, k6 = jax.random.split(key, 6)
    # xavier_uniform init for embedding tables
    bound_u = float(np.sqrt(6.0 / (N_USERS + EMBED)))
    bound_i = float(np.sqrt(6.0 / (N_ITEMS + EMBED)))
    user_emb = jax.random.uniform(k1, (N_USERS, EMBED), dtype=jnp.float32, minval=-bound_u, maxval=bound_u)
    item_emb = jax.random.uniform(k2, (N_ITEMS, EMBED), dtype=jnp.float32, minval=-bound_i, maxval=bound_i)
    users = jax.random.randint(k3, (BATCH,), 0, N_USERS, dtype=jnp.int64 if jax.config.jax_enable_x64 else jnp.int32)
    pos_items = jax.random.randint(k4, (BATCH,), 0, N_ITEMS, dtype=users.dtype)
    pot_items = jax.random.randint(k5, (BATCH,), 0, N_ITEMS, dtype=users.dtype)
    neg_items = jax.random.randint(k6, (BATCH,), 0, N_ITEMS, dtype=users.dtype)
    return {"user_emb": user_emb, "item_emb": item_emb, "users": users, "pos_items": pos_items, "pot_items": pot_items, "neg_items": neg_items}

def reference(user_emb, item_emb, users, pos_items, pot_items, neg_items):
    user_embedding = jnp.take(user_emb, users, axis=0)
    pos_i_embedding = jnp.take(item_emb, pos_items, axis=0)
    pot_i_embedding = jnp.take(item_emb, pot_items, axis=0)
    neg_i_embedding = jnp.take(item_emb, neg_items, axis=0)
    return (user_embedding, pos_i_embedding, pot_i_embedding, neg_i_embedding)

if __name__ == "__main__":
    import jax
    _d = setup_inputs()
    print(jax.jit(kernel)(*tuple(_d.values())))

</pallas_src>

<mosaic_0001>
#map = affine_map<(d0, d1) -> (0, 0)>
#map1 = affine_map<(d0, d1) -> (0)>
module attributes {stable_mosaic.version = 14 : i64} {
  func.func @_gather(%arg0: i32, %arg1: i32, %arg2: memref<1000000x64xf32, #tpu.memory_space<hbm>>, %arg3: memref<1000000x64xf32, #tpu.memory_space<hbm>>, %arg4: memref<16384xi32, #tpu.memory_space<hbm>>, %arg5: memref<16384xi32, #tpu.memory_space<hbm>>, %arg6: memref<16384xi32, #tpu.memory_space<hbm>>, %arg7: memref<16384xi32, #tpu.memory_space<hbm>>, %arg8: memref<16384x64xf32, #tpu.memory_space<hbm>>, %arg9: memref<16384x64xf32, #tpu.memory_space<hbm>>, %arg10: memref<16384x64xf32, #tpu.memory_space<hbm>>, %arg11: memref<16384x64xf32, #tpu.memory_space<hbm>>, %arg12: memref<512xi32, #tpu.memory_space<vmem>>, %arg13: memref<512xi32, #tpu.memory_space<vmem>>, %arg14: memref<512xi32, #tpu.memory_space<vmem>>, %arg15: memref<512xi32, #tpu.memory_space<vmem>>, %arg16: memref<!tpu.dma_semaphore, #tpu.memory_space<semaphore_mem>>, %arg17: memref<!tpu.dma_semaphore, #tpu.memory_space<semaphore_mem>>, %arg18: memref<!tpu.dma_semaphore, #tpu.memory_space<semaphore_mem>>, %arg19: memref<!tpu.dma_semaphore, #tpu.memory_space<semaphore_mem>>, %arg20: memref<!tpu.dma_semaphore, #tpu.memory_space<semaphore_mem>>, %arg21: memref<!tpu.dma_semaphore, #tpu.memory_space<semaphore_mem>>, %arg22: memref<!tpu.dma_semaphore, #tpu.memory_space<semaphore_mem>>, %arg23: memref<!tpu.dma_semaphore, #tpu.memory_space<semaphore_mem>>, %arg24: memref<!tpu.dma_semaphore, #tpu.memory_space<semaphore_mem>>, %arg25: memref<!tpu.dma_semaphore, #tpu.memory_space<semaphore_mem>>, %arg26: memref<!tpu.dma_semaphore, #tpu.memory_space<semaphore_mem>>, %arg27: memref<!tpu.dma_semaphore, #tpu.memory_space<semaphore_mem>>, %arg28: memref<!tpu.dma_semaphore, #tpu.memory_space<semaphore_mem>>, %arg29: memref<!tpu.dma_semaphore, #tpu.memory_space<semaphore_mem>>, %arg30: memref<!tpu.dma_semaphore, #tpu.memory_space<semaphore_mem>>, %arg31: memref<!tpu.dma_semaphore, #tpu.memory_space<semaphore_mem>>) attributes {dimension_semantics = [#tpu.dimension_semantics<core_parallel>, #tpu.dimension_semantics<subcore_parallel>], iteration_bounds = array<i64: 2, 16>, scalar_prefetch = 0 : i64, scratch_operands = 20 : i64, tpu.core_type = #tpu.core_type<sc_vector_subcore>, window_params = [{transform_indices = #map}, {transform_indices = #map}, {transform_indices = #map1}, {transform_indices = #map1}, {transform_indices = #map1}, {transform_indices = #map1}, {transform_indices = #map}, {transform_indices = #map}, {transform_indices = #map}, {transform_indices = #map}]} {
    %mul3A = arith.constant 2 : i32
    %mul3A_0 = arith.muli %arg1, %mul3A : i32
    %add3A = arith.addi %mul3A_0, %arg0 : i32
    %mul3A_1 = arith.constant 512 : i32
    %mul3A_2 = arith.muli %add3A, %mul3A_1 : i32
    "tpu.region"() ({
      %run_scoped3A = tpu.sem_alloc : memref<!tpu.dma_semaphore, #tpu.memory_space<semaphore_mem>>
      %dma_start3A = tpu.memref_slice %arg4[%mul3A_2] : memref<16384xi32, #tpu.memory_space<hbm>> -> memref<512xi32, #tpu.memory_space<hbm>>
      %dma_start3A_349 = tpu.memref_slice %arg4[%mul3A_2] : memref<16384xi32, #tpu.memory_space<hbm>> -> memref<512xi32, #tpu.memory_space<hbm>>
      tpu.enqueue_dma source(%dma_start3A_349 : memref<512xi32, #tpu.memory_space<hbm>>) target(%arg12 : memref<512xi32, #tpu.memory_space<vmem>>) target_semaphore(%run_scoped3A : memref<!tpu.dma_semaphore, #tpu.memory_space<semaphore_mem>>)
      %dma_wait3A_350 = tpu.memref_slice %arg4[%mul3A_2] : memref<16384xi32, #tpu.memory_space<hbm>> -> memref<512xi32, #tpu.memory_space<hbm>>
      %dma_wait3A_351 = tpu.memref_slice %arg4[%mul3A_2] : memref<16384xi32, #tpu.memory_space<hbm>> -> memref<512xi32, #tpu.memory_space<hbm>>
      tpu.wait_dma2 semaphore(%run_scoped3A : memref<!tpu.dma_semaphore, #tpu.memory_space<semaphore_mem>>) src(%dma_wait3A_351 : memref<512xi32, #tpu.memory_space<hbm>>) dst(%arg12 : memref<512xi32, #tpu.memory_space<vmem>>)
      tpu.yield
    }) : () -> ()
    "tpu.region"() ({
      %run_scoped3A = tpu.sem_alloc : memref<!tpu.dma_semaphore, #tpu.memory_space<semaphore_mem>>
      %dma_start3A = tpu.memref_slice %arg5[%mul3A_2] : memref<16384xi32, #tpu.memory_space<hbm>> -> memref<512xi32, #tpu.memory_space<hbm>>
      %dma_start3A_349 = tpu.memref_slice %arg5[%mul3A_2] : memref<16384xi32, #tpu.memory_space<hbm>> -> memref<512xi32, #tpu.memory_space<hbm>>
      tpu.enqueue_dma source(%dma_start3A_349 : memref<512xi32, #tpu.memory_space<hbm>>) target(%arg13 : memref<512xi32, #tpu.memory_space<vmem>>) target_semaphore(%run_scoped3A : memref<!tpu.dma_semaphore, #tpu.memory_space<semaphore_mem>>)
      %dma_wait3A_350 = tpu.memref_slice %arg5[%mul3A_2] : memref<16384xi32, #tpu.memory_space<hbm>> -> memref<512xi32, #tpu.memory_space<hbm>>
      %dma_wait3A_351 = tpu.memref_slice %arg5[%mul3A_2] : memref<16384xi32, #tpu.memory_space<hbm>> -> memref<512xi32, #tpu.memory_space<hbm>>
      tpu.wait_dma2 semaphore(%run_scoped3A : memref<!tpu.dma_semaphore, #tpu.memory_space<semaphore_mem>>) src(%dma_wait3A_351 : memref<512xi32, #tpu.memory_space<hbm>>) dst(%arg13 : memref<512xi32, #tpu.memory_space<vmem>>)
      tpu.yield
    }) : () -> ()
    "tpu.region"() ({
      %run_scoped3A = tpu.sem_alloc : memref<!tpu.dma_semaphore, #tpu.memory_space<semaphore_mem>>
      %dma_start3A = tpu.memref_slice %arg6[%mul3A_2] : memref<16384xi32, #tpu.memory_space<hbm>> -> memref<512xi32, #tpu.memory_space<hbm>>
      %dma_start3A_349 = tpu.memref_slice %arg6[%mul3A_2] : memref<16384xi32, #tpu.memory_space<hbm>> -> memref<512xi32, #tpu.memory_space<hbm>>
      tpu.enqueue_dma source(%dma_start3A_349 : memref<512xi32, #tpu.memory_space<hbm>>) target(%arg14 : memref<512xi32, #tpu.memory_space<vmem>>) target_semaphore(%run_scoped3A : memref<!tpu.dma_semaphore, #tpu.memory_space<semaphore_mem>>)
      %dma_wait3A_350 = tpu.memref_slice %arg6[%mul3A_2] : memref<16384xi32, #tpu.memory_space<hbm>> -> memref<512xi32, #tpu.memory_space<hbm>>
      %dma_wait3A_351 = tpu.memref_slice %arg6[%mul3A_2] : memref<16384xi32, #tpu.memory_space<hbm>> -> memref<512xi32, #tpu.memory_space<hbm>>
      tpu.wait_dma2 semaphore(%run_scoped3A : memref<!tpu.dma_semaphore, #tpu.memory_space<semaphore_mem>>) src(%dma_wait3A_351 : memref<512xi32, #tpu.memory_space<hbm>>) dst(%arg14 : memref<512xi32, #tpu.memory_space<vmem>>)
      tpu.yield
    }) : () -> ()
    "tpu.region"() ({
      %run_scoped3A = tpu.sem_alloc : memref<!tpu.dma_semaphore, #tpu.memory_space<semaphore_mem>>
      %dma_start3A = tpu.memref_slice %arg7[%mul3A_2] : memref<16384xi32, #tpu.memory_space<hbm>> -> memref<512xi32, #tpu.memory_space<hbm>>
      %dma_start3A_349 = tpu.memref_slice %arg7[%mul3A_2] : memref<16384xi32, #tpu.memory_space<hbm>> -> memref<512xi32, #tpu.memory_space<hbm>>
      tpu.enqueue_dma source(%dma_start3A_349 : memref<512xi32, #tpu.memory_space<hbm>>) target(%arg15 : memref<512xi32, #tpu.memory_space<vmem>>) target_semaphore(%run_scoped3A : memref<!tpu.dma_semaphore, #tpu.memory_space<semaphore_mem>>)
      %dma_wait3A_350 = tpu.memref_slice %arg7[%mul3A_2] : memref<16384xi32, #tpu.memory_space<hbm>> -> memref<512xi32, #tpu.memory_space<hbm>>
      %dma_wait3A_351 = tpu.memref_slice %arg7[%mul3A_2] : memref<16384xi32, #tpu.memory_space<hbm>> -> memref<512xi32, #tpu.memory_space<hbm>>
      tpu.wait_dma2 semaphore(%run_scoped3A : memref<!tpu.dma_semaphore, #tpu.memory_space<semaphore_mem>>) src(%dma_wait3A_351 : memref<512xi32, #tpu.memory_space<hbm>>) dst(%arg15 : memref<512xi32, #tpu.memory_space<vmem>>)
      tpu.yield
    }) : () -> ()
    %scan3A = arith.constant 0 : i32
    %scan3A_3 = arith.constant 0 : i32
    %scan3A_4 = arith.constant 32 : i32
    %scan3A_5 = arith.addi %scan3A_3, %scan3A_4 : i32
    %scan3A_6 = arith.constant 1 : i32
    %scan3A_7 = scf.for %scan3A_349 = %scan3A_3 to %scan3A_5 step %scan3A_6 iter_args(%scan3A_350 = %scan3A) -> (i32)  : i32 {
      %mul3A_351 = arith.constant 16 : i32
      %mul3A_352 = arith.muli %scan3A_349, %mul3A_351 : i32
      %get3A = arith.index_cast %mul3A_352 : i32 to index
      %get3A_353 = tpu.vector_load %arg12[%get3A] {strides = array<i32>} : memref<512xi32, #tpu.memory_space<vmem>>, vector<16xi32>,
      %gt3A = arith.constant 0 : i32
      %gt3A_354 = arith.cmpi sgt, %scan3A_349, %gt3A : i32
      %convert_element_type3A = arith.extui %gt3A_354 : i1 to i32
      %cond3A = arith.constant 0 : i32
      %cond3A_355 = arith.cmpi ne, %convert_element_type3A, %cond3A : i32
      scf.if %cond3A_355 {
        %dma_wait3A_530 = arith.constant 0 : i32
        %dma_wait3A_531 = tpu.memref_slice %arg8[%mul3A_2, %dma_wait3A_530] : memref<16384x64xf32, #tpu.memory_space<hbm>> -> memref<1x64xf32, #tpu.memory_space<hbm>>
        %dma_wait3A_532 = arith.constant 0 : i32
        %dma_wait3A_533 = arith.constant 0 : i32
        %dma_wait3A_534 = tpu.memref_slice %arg2[%dma_wait3A_532, %dma_wait3A_533] : memref<1000000x64xf32, #tpu.memory_space<hbm>> -> memref<1x64xf32, #tpu.memory_space<hbm>>
        tpu.wait_dma2 semaphore(%arg16 : memref<!tpu.dma_semaphore, #tpu.memory_space<semaphore_mem>>) src(%dma_wait3A_534 : memref<1x64xf32, #tpu.memory_space<hbm>>) dst(%dma_wait3A_531 : memref<1x64xf32, #tpu.memory_space<hbm>>)
        %dma_wait3A_535 = arith.constant 0 : i32
        %dma_wait3A_536 = tpu.memref_slice %arg8[%mul3A_2, %dma_wait3A_535] : memref<16384x64xf32, #tpu.memory_space<hbm>> -> memref<1x64xf32, #tpu.memory_space<hbm>>
        %dma_wait3A_537 = arith.constant 0 : i32
        %dma_wait3A_538 = arith.constant 0 : i32
        %dma_wait3A_539 = tpu.memref_slice %arg2[%dma_wait3A_537, %dma_wait3A_538] : memref<1000000x64xf32, #tpu.memory_space<hbm>> -> memref<1x64xf32, #tpu.memory_space<hbm>>
        tpu.wait_dma2 semaphore(%arg17 : memref<!tpu.dma_semaphore, #tpu.memory_space<semaphore_mem>>) src(%dma_wait3A_539 : memref<1x64xf32, #tpu.memory_space<hbm>>) dst(%dma_wait3A_536 : memref<1x64xf32, #tpu.memory_space<hbm>>)
        %dma_wait3A_540 = arith.constant 0 : i32
        %dma_wait3A_541 = tpu.memref_slice %arg8[%mul3A_2, %dma_wait3A_540] : memref<16384x64xf32, #tpu.memory_space<hbm>> -> memref<1x64xf32, #tpu.memory_space<hbm>>
        %dma_wait3A_542 = arith.constant 0 : i32
        %dma_wait3A_543 = arith.constant 0 : i32
        %dma_wait3A_544 = tpu.memref_slice %arg2[%dma_wait3A_542, %dma_wait3A_543] : memref<1000000x64xf32, #tpu.memory_space<hbm>> -> memref<1x64xf32, #tpu.memory_space<hbm>>
        tpu.wait_dma2 semaphore(%arg18 : memref<!tpu.dma_semaphore, #tpu.memory_space<semaphore_mem>>) src(%dma_wait3A_544 : memref<1x64xf32, #tpu.memory_space<hbm>>) dst(%dma_wait3A_541 : memref<1x64xf32, #tpu.memory_space<hbm>>)
        %dma_wait3A_545 = arith.constant 0 : i32
        %dma_wait3A_546 = tpu.memref_slice %arg8[%mul3A_2, %dma_wait3A_545] : memref<16384x64xf32, #tpu.memory_space<hbm>> -> memref<1x64xf32, #tpu.memory_space<hbm>>
        %dma_wait3A_547 = arith.constant 0 : i32
        %dma_wait3A_548 = arith.constant 0 : i32
        %dma_wait3A_549 = tpu.memref_slice %arg2[%dma_wait3A_547, %dma_wait3A_548] : memref<1000000x64xf32, #tpu.memory_space<hbm>> -> memref<1x64xf32, #tpu.memory_space<hbm>>
        tpu.wait_dma2 semaphore(%arg19 : memref<!tpu.dma_semaphore, #tpu.memory_space<semaphore_mem>>) src(%dma_wait3A_549 : memref<1x64xf32, #tpu.memory_space<hbm>>) dst(%dma_wait3A_546 : memref<1x64xf32, #tpu.memory_space<hbm>>)
        %dma_wait3A_550 = arith.constant 0 : i32
        %dma_wait3A_551 = tpu.memref_slice %arg8[%mul3A_2, %dma_wait3A_550] : memref<16384x64xf32, #tpu.memory_space<hbm>> -> memref<1x64xf32, #tpu.memory_space<hbm>>
        %dma_wait3A_552 = arith.constant 0 : i32
        %dma_wait3A_553 = arith.constant 0 : i32
        %dma_wait3A_554 = tpu.memref_slice %arg2[%dma_wait3A_552, %dma_wait3A_553] : memref<1000000x64xf32, #tpu.memory_space<hbm>> -> memref<1x64xf32, #tpu.memory_space<hbm>>
        tpu.wait_dma2 semaphore(%arg20 : memref<!tpu.dma_semaphore, #tpu.memory_space<semaphore_mem>>) src(%dma_wait3A_554 : memref<1x64xf32, #tpu.memory_space<hbm>>) dst(%dma_wait3A_551 : memref<1x64xf32, #tpu.memory_space<hbm>>)
        %dma_wait3A_555 = arith.constant 0 : i32
        %dma_wait3A_556 = tpu.memref_slice %arg8[%mul3A_2, %dma_wait3A_555] : memref<16384x64xf32, #tpu.memory_space<hbm>> -> memref<1x64xf32, #tpu.memory_space<hbm>>
        %dma_wait3A_557 = arith.constant 0 : i32
        %dma_wait3A_558 = arith.constant 0 : i32
        %dma_wait3A_559 = tpu.memref_slice %arg2[%dma_wait3A_557, %dma_wait3A_558] : memref<1000000x64xf32, #tpu.memory_space<hbm>> -> memref<1x64xf32, #tpu.memory_space<hbm>>
        tpu.wait_dma2 semaphore(%arg21 : memref<!tpu.dma_semaphore, #tpu.memory_space<semaphore_mem>>) src(%dma_wait3A_559 : memref<1x64xf32, #tpu.memory_space<hbm>>) dst(%dma_wait3A_556 : memref<1x64xf32, #tpu.memory_space<hbm>>)
        %dma_wait3A_560 = arith.constant 0 : i32
        %dma_wait3A_561 = tpu.memref_slice %arg8[%mul3A_2, %dma_wait3A_560] : memref<16384x64xf32, #tpu.memory_space<hbm>> -> memref<1x64xf32, #tpu.memory_space<hbm>>
        %dma_wait3A_562 = arith.constant 0 : i32
        %dma_wait3A_563 = arith.constant 0 : i32
        %dma_wait3A_564 = tpu.memref_slice %arg2[%dma_wait3A_562, %dma_wait3A_563] : memref<1000000x64xf32, #tpu.memory_space<hbm>> -> memref<1x64xf32, #tpu.memory_space<hbm>>
        tpu.wait_dma2 semaphore(%arg22 : memref<!tpu.dma_semaphore, #tpu.memory_space<semaphore_mem>>) src(%dma_wait3A_564 : memref<1x64xf32, #tpu.memory_space<hbm>>) dst(%dma_wait3A_561 : memref<1x64xf32, #tpu.memory_space<hbm>>)
        %dma_wait3A_565 = arith.constant 0 : i32
        %dma_wait3A_566 = tpu.memref_slice %arg8[%mul3A_2, %dma_wait3A_565] : memref<16384x64xf32, #tpu.memory_space<hbm>> -> memref<1x64xf32, #tpu.memory_space<hbm>>
        %dma_wait3A_567 = arith.constant 0 : i32
        %dma_wait3A_568 = arith.constant 0 : i32
        %dma_wait3A_569 = tpu.memref_slice %arg2[%dma_wait3A_567, %dma_wait3A_568] : memref<1000000x64xf32, #tpu.memory_space<hbm>> -> memref<1x64xf32, #tpu.memory_space<hbm>>
        tpu.wait_dma2 semaphore(%arg23 : memref<!tpu.dma_semaphore, #tpu.memory_space<semaphore_mem>>) src(%dma_wait3A_569 : memref<1x64xf32, #tpu.memory_space<hbm>>) dst(%dma_wait3A_566 : memref<1x64xf32, #tpu.memory_space<hbm>>)
        %dma_wait3A_570 = arith.constant 0 : i32
        %dma_wait3A_571 = tpu.memref_slice %arg8[%mul3A_2, %dma_wait3A_570] : memref<16384x64xf32, #tpu.memory_space<hbm>> -> memref<1x64xf32, #tpu.memory_space<hbm>>
        %dma_wait3A_572 = arith.constant 0 : i32
        %dma_wait3A_573 = arith.constant 0 : i32
        %dma_wait3A_574 = tpu.memref_slice %arg2[%dma_wait3A_572, %dma_wait3A_573] : memref<1000000x64xf32, #tpu.memory_space<hbm>> -> memref<1x64xf32, #tpu.memory_space<hbm>>
        tpu.wait_dma2 semaphore(%arg24 : memref<!tpu.dma_semaphore, #tpu.memory_space<semaphore_mem>>) src(%dma_wait3A_574 : memref<1x64xf32, #tpu.memory_space<hbm>>) dst(%dma_wait3A_571 : memref<1x64xf32, #tpu.memory_space<hbm>>)
        %dma_wait3A_575 = arith.constant 0 : i32
        %dma_wait3A_576 = tpu.memref_slice %arg8[%mul3A_2, %dma_wait3A_575] : memref<16384x64xf32, #tpu.memory_space<hbm>> -> memref<1x64xf32, #tpu.memory_space<hbm>>
        %dma_wait3A_577 = arith.constant 0 : i32
        %dma_wait3A_578 = arith.constant 0 : i32
        %dma_wait3A_579 = tpu.memref_slice %arg2[%dma_wait3A_577, %dma_wait3A_578] : memref<1000000x64xf32, #tpu.memory_space<hbm>> -> memref<1x64xf32, #tpu.memory_space<hbm>>
        tpu.wait_dma2 semaphore(%arg25 : memref<!tpu.dma_semaphore, #tpu.memory_space<semaphore_mem>>) src(%dma_wait3A_579 : memref<1x64xf32, #tpu.memory_space<hbm>>) dst(%dma_wait3A_576 : memref<1x64xf32, #tpu.memory_space<hbm>>)
        %dma_wait3A_580 = arith.constant 0 : i32
        %dma_wait3A_581 = tpu.memref_slice %arg8[%mul3A_2, %dma_wait3A_580] : memref<16384x64xf32, #tpu.memory_space<hbm>> -> memref<1x64xf32, #tpu.memory_space<hbm>>
        %dma_wait3A_582 = arith.constant 0 : i32
        %dma_wait3A_583 = arith.constant 0 : i32
        %dma_wait3A_584 = tpu.memref_slice %arg2[%dma_wait3A_582, %dma_wait3A_583] : memref<1000000x64xf32, #tpu.memory_space<hbm>> -> memref<1x64xf32, #tpu.memory_space<hbm>>
        tpu.wait_dma2 semaphore(%arg26 : memref<!tpu.dma_semaphore, #tpu.memory_space<semaphore_mem>>) src(%dma_wait3A_584 : memref<1x64xf32, #tpu.memory_space<hbm>>) dst(%dma_wait3A_581 : memref<1x64xf32, #tpu.memory_space<hbm>>)
        %dma_wait3A_585 = arith.constant 0 : i32
        %dma_wait3A_586 = tpu.memref_slice %arg8[%mul3A_2, %dma_wait3A_585] : memref<16384x64xf32, #tpu.memory_space<hbm>> -> memref<1x64xf32, #tpu.memory_space<hbm>>
        %dma_wait3A_587 = arith.constant 0 : i32
        %dma_wait3A_588 = arith.constant 0 : i32
        %dma_wait3A_589 = tpu.memref_slice %arg2[%dma_wait3A_587, %dma_wait3A_588] : memref<1000000x64xf32, #tpu.memory_space<hbm>> -> memref<1x64xf32, #tpu.memory_space<hbm>>
        tpu.wait_dma2 semaphore(%arg27 : memref<!tpu.dma_semaphore, #tpu.memory_space<semaphore_mem>>) src(%dma_wait3A_589 : memref<1x64xf32, #tpu.memory_space<hbm>>) dst(%dma_wait3A_586 : memref<1x64xf32, #tpu.memory_space<hbm>>)
        %dma_wait3A_590 = arith.constant 0 : i32
        %dma_wait3A_591 = tpu.memref_slice %arg8[%mul3A_2, %dma_wait3A_590] : memref<16384x64xf32, #tpu.memory_space<hbm>> -> memref<1x64xf32, #tpu.memory_space<hbm>>
        %dma_wait3A_592 = arith.constant 0 : i32
        %dma_wait3A_593 = arith.constant 0 : i32
        %dma_wait3A_594 = tpu.memref_slice %arg2[%dma_wait3A_592, %dma_wait3A_593] : memref<1000000x64xf32, #tpu.memory_space<hbm>> -> memref<1x64xf32, #tpu.memory_space<hbm>>
        tpu.wait_dma2 semaphore(%arg28 : memref<!tpu.dma_semaphore, #tpu.memory_space<semaphore_mem>>) src(%dma_wait3A_594 : memref<1x64xf32, #tpu.memory_space<hbm>>) dst(%dma_wait3A_591 : memref<1x64xf32, #tpu.memory_space<hbm>>)
        %dma_wait3A_595 = arith.constant 0 : i32
        %dma_wait3A_596 = tpu.memref_slice %arg8[%mul3A_2, %dma_wait3A_595] : memref<16384x64xf32, #tpu.memory_space<hbm>> -> memref<1x64xf32, #tpu.memory_space<hbm>>
        %dma_wait3A_597 = arith.constant 0 : i32
        %dma_wait3A_598 = arith.constant 0 : i32
        %dma_wait3A_599 = tpu.memref_slice %arg2[%dma_wait3A_597, %dma_wait3A_598] : memref<1000000x64xf32, #tpu.memory_space<hbm>> -> memref<1x64xf32, #tpu.memory_space<hbm>>
        tpu.wait_dma2 semaphore(%arg29 : memref<!tpu.dma_semaphore, #tpu.memory_space<semaphore_mem>>) src(%dma_wait3A_599 : memref<1x64xf32, #tpu.memory_space<hbm>>) dst(%dma_wait3A_596 : memref<1x64xf32, #tpu.memory_space<hbm>>)
        %dma_wait3A_600 = arith.constant 0 : i32
        %dma_wait3A_601 = tpu.memref_slice %arg8[%mul3A_2, %dma_wait3A_600] : memref<16384x64xf32, #tpu.memory_space<hbm>> -> memref<1x64xf32, #tpu.memory_space<hbm>>
        %dma_wait3A_602 = arith.constant 0 : i32
        %dma_wait3A_603 = arith.constant 0 : i32
        %dma_wait3A_604 = tpu.memref_slice %arg2[%dma_wait3A_602, %dma_wait3A_603] : memref<1000000x64xf32, #tpu.memory_space<hbm>> -> memref<1x64xf32, #tpu.memory_space<hbm>>
        tpu.wait_dma2 semaphore(%arg30 : memref<!tpu.dma_semaphore, #tpu.memory_space<semaphore_mem>>) src(%dma_wait3A_604 : memref<1x64xf32, #tpu.memory_space<hbm>>) dst(%dma_wait3A_601 : memref<1x64xf32, #tpu.memory_space<hbm>>)
        %dma_wait3A_605 = arith.constant 0 : i32
        %dma_wait3A_606 = tpu.memref_slice %arg8[%mul3A_2, %dma_wait3A_605] : memref<16384x64xf32, #tpu.memory_space<hbm>> -> memref<1x64xf32, #tpu.memory_space<hbm>>
        %dma_wait3A_607 = arith.constant 0 : i32
        %dma_wait3A_608 = arith.constant 0 : i32
        %dma_wait3A_609 = tpu.memref_slice %arg2[%dma_wait3A_607, %dma_wait3A_608] : memref<1000000x64xf32, #tpu.memory_space<hbm>> -> memref<1x64xf32, #tpu.memory_space<hbm>>
        tpu.wait_dma2 semaphore(%arg31 : memref<!tpu.dma_semaphore, #tpu.memory_space<semaphore_mem>>) src(%dma_wait3A_609 : memref<1x64xf32, #tpu.memory_space<hbm>>) dst(%dma_wait3A_606 : memref<1x64xf32, #tpu.memory_space<hbm>>)
      } else {
      }
      %slice3A = vector.extract_strided_slice %get3A_353 {offsets = [0], sizes = [1], strides = [1]} : vector<16xi32> to vector<1xi32>
      %squeeze3A = vector.extract %slice3A[0] : i32 from vector<1xi32>
      %mul3A_356 = arith.constant 16 : i32
      %mul3A_357 = arith.muli %scan3A_349, %mul3A_356 : i32
      %add3A_358 = arith.addi %mul3A_2, %mul3A_357 : i32
      %add3A_359 = arith.constant 0 : i32
      %add3A_360 = arith.addi %add3A_358, %add3A_359 : i32
      %dma_start3A = arith.constant 0 : i32
      %dma_start3A_361 = tpu.memref_slice %arg8[%add3A_360, %dma_start3A] : memref<16384x64xf32, #tpu.memory_space<hbm>> -> memref<1x64xf32, #tpu.memory_space<hbm>>
      %dma_start3A_362 = arith.constant 0 : i32
      %dma_start3A_363 = tpu.memref_slice %arg2[%squeeze3A, %dma_start3A_362] : memref<1000000x64xf32, #tpu.memory_space<hbm>> -> memref<1x64xf32, #tpu.memory_space<hbm>>
      tpu.enqueue_dma source(%dma_start3A_363 : memref<1x64xf32, #tpu.memory_space<hbm>>) target(%dma_start3A_361 : memref<1x64xf32, #tpu.memory_space<hbm>>) target_semaphore(%arg16 : memref<!tpu.dma_semaphore, #tpu.memory_space<semaphore_mem>>)
      %slice3A_364 = vector.extract_strided_slice %get3A_353 {offsets = [1], sizes = [1], strides = [1]} : vector<16xi32> to vector<1xi32>
      %squeeze3A_365 = vector.extract %slice3A_364[0] : i32 from vector<1xi32>
      %mul3A_366 = arith.constant 16 : i32
      %mul3A_367 = arith.muli %scan3A_349, %mul3A_366 : i32
      %add3A_368 = arith.addi %mul3A_2, %mul3A_367 : i32
      %add3A_369 = arith.constant 1 : i32
      %add3A_370 = arith.addi %add3A_368, %add3A_369 : i32
      %dma_start3A_371 = arith.constant 0 : i32
      %dma_start3A_372 = tpu.memref_slice %arg8[%add3A_370, %dma_start3A_371] : memref<16384x64xf32, #tpu.memory_space<hbm>> -> memref<1x64xf32, #tpu.memory_space<hbm>>
      %dma_start3A_373 = arith.constant 0 : i32
      %dma_start3A_374 = tpu.memref_slice %arg2[%squeeze3A_365, %dma_start3A_373] : memref<1000000x64xf32, #tpu.memory_space<hbm>> -> memref<1x64xf32, #tpu.memory_space<hbm>>
      tpu.enqueue_dma source(%dma_start3A_374 : memref<1x64xf32, #tpu.memory_space<hbm>>) target(%dma_start3A_372 : memref<1x64xf32, #tpu.memory_space<hbm>>) target_semaphore(%arg17 : memref<!tpu.dma_semaphore, #tpu.memory_space<semaphore_mem>>)
      %slice3A_375 = vector.extract_strided_slice %get3A_353 {offsets = [2], sizes = [1], strides = [1]} : vector<16xi32> to vector<1xi32>
      %squeeze3A_376 = vector.extract %slice3A_375[0] : i32 from vector<1xi32>
      %mul3A_377 = arith.constant 16 : i32
      %mul3A_378 = arith.muli %scan3A_349, %mul3A_377 : i32
      %add3A_379 = arith.addi %mul3A_2, %mul3A_378 : i32
      %add3A_380 = arith.constant 2 : i32
      %add3A_381 = arith.addi %add3A_379, %add3A_380 : i32
      %dma_start3A_382 = arith.constant 0 : i32
      %dma_start3A_383 = tpu.memref_slice %arg8[%add3A_381, %dma_start3A_382] : memref<16384x64xf32, #tpu.memory_space<hbm>> -> memref<1x64xf32, #tpu.memory_space<hbm>>
      %dma_start3A_384 = arith.constant 0 : i32
      %dma_start3A_385 = tpu.memref_slice %arg2[%squeeze3A_376, %dma_start3A_384] : memref<1000000x64xf32, #tpu.memory_space<hbm>> -> memref<1x64xf32, #tpu.memory_space<hbm>>
      tpu.enqueue_dma source(%dma_start3A_385 : memref<1x64xf32, #tpu.memory_space<hbm>>) target(%dma_start3A_383 : memref<1x64xf32, #tpu.memory_space<hbm>>) target_semaphore(%arg18 : memref<!tpu.dma_semaphore, #tpu.memory_space<semaphore_mem>>)
      %slice3A_386 = vector.extract_strided_slice %get3A_353 {offsets = [3], sizes = [1], strides = [1]} : vector<16xi32> to vector<1xi32>
      %squeeze3A_387 = vector.extract %slice3A_386[0] : i32 from vector<1xi32>
      %mul3A_388 = arith.constant 16 : i32
      %mul3A_389 = arith.muli %scan3A_349, %mul3A_388 : i32
      %add3A_390 = arith.addi %mul3A_2, %mul3A_389 : i32
      %add3A_391 = arith.constant 3 : i32
      %add3A_392 = arith.addi %add3A_390, %add3A_391 : i32
      %dma_start3A_393 = arith.constant 0 : i32
      %dma_start3A_394 = tpu.memref_slice %arg8[%add3A_392, %dma_start3A_393] : memref<16384x64xf32, #tpu.memory_space<hbm>> -> memref<1x64xf32, #tpu.memory_space<hbm>>
      %dma_start3A_395 = arith.constant 0 : i32
      %dma_start3A_396 = tpu.memref_slice %arg2[%squeeze3A_387, %dma_start3A_395] : memref<1000000x64xf32, #tpu.memory_space<hbm>> -> memref<1x64xf32, #tpu.memory_space<hbm>>
      tpu.enqueue_dma source(%dma_start3A_396 : memref<1x64xf32, #tpu.memory_space<hbm>>) target(%dma_start3A_394 : memref<1x64xf32, #tpu.memory_space<hbm>>) target_semaphore(%arg19 : memref<!tpu.dma_semaphore, #tpu.memory_space<semaphore_mem>>)
      %slice3A_397 = vector.extract_strided_slice %get3A_353 {offsets = [4], sizes = [1], strides = [1]} : vector<16xi32> to vector<1xi32>
      %squeeze3A_398 = vector.extract %slice3A_397[0] : i32 from vector<1xi32>
      %mul3A_399 = arith.constant 16 : i32
      %mul3A_400 = arith.muli %scan3A_349, %mul3A_399 : i32
      %add3A_401 = arith.addi %mul3A_2, %mul3A_400 : i32
      %add3A_402 = arith.constant 4 : i32
      %add3A_403 = arith.addi %add3A_401, %add3A_402 : i32
      %dma_start3A_404 = arith.constant 0 : i32
      %dma_start3A_405 = tpu.memref_slice %arg8[%add3A_403, %dma_start3A_404] : memref<16384x64xf32, #tpu.memory_space<hbm>> -> memref<1x64xf32, #tpu.memory_space<hbm>>
      %dma_start3A_406 = arith.constant 0 : i32
      %dma_start3A_407 = tpu.memref_slice %arg2[%squeeze3A_398, %dma_start3A_406] : memref<1000000x64xf32, #tpu.memory_space<hbm>> -> memref<1x64xf32, #tpu.memory_space<hbm>>
      tpu.enqueue_dma source(%dma_start3A_407 : memref<1x64xf32, #tpu.memory_space<hbm>>) target(%dma_start3A_405 : memref<1x64xf32, #tpu.memory_space<hbm>>) target_semaphore(%arg20 : memref<!tpu.dma_semaphore, #tpu.memory_space<semaphore_mem>>)
      %slice3A_408 = vector.extract_strided_slice %get3A_353 {offsets = [5], sizes = [1], strides = [1]} : vector<16xi32> to vector<1xi32>
      %squeeze3A_409 = vector.extract %slice3A_408[0] : i32 from vector<1xi32>
      %mul3A_410 = arith.constant 16 : i32
      %mul3A_411 = arith.muli %scan3A_349, %mul3A_410 : i32
      %add3A_412 = arith.addi %mul3A_2, %mul3A_411 : i32
      %add3A_413 = arith.constant 5 : i32
      %add3A_414 = arith.addi %add3A_412, %add3A_413 : i32
      %dma_start3A_415 = arith.constant 0 : i32
      %dma_start3A_416 = tpu.memref_slice %arg8[%add3A_414, %dma_start3A_415] : memref<16384x64xf32, #tpu.memory_space<hbm>> -> memref<1x64xf32, #tpu.memory_space<hbm>>
      %dma_start3A_417 = arith.constant 0 : i32
      %dma_start3A_418 = tpu.memref_slice %arg2[%squeeze3A_409, %dma_start3A_417] : memref<1000000x64xf32, #tpu.memory_space<hbm>> -> memref<1x64xf32, #tpu.memory_space<hbm>>
      tpu.enqueue_dma source(%dma_start3A_418 : memref<1x64xf32, #tpu.memory_space<hbm>>) target(%dma_start3A_416 : memref<1x64xf32, #tpu.memory_space<hbm>>) target_semaphore(%arg21 : memref<!tpu.dma_semaphore, #tpu.memory_space<semaphore_mem>>)
      %slice3A_419 = vector.extract_strided_slice %get3A_353 {offsets = [6], sizes = [1], strides = [1]} : vector<16xi32> to vector<1xi32>
      %squeeze3A_420 = vector.extract %slice3A_419[0] : i32 from vector<1xi32>
      %mul3A_421 = arith.constant 16 : i32
      %mul3A_422 = arith.muli %scan3A_349, %mul3A_421 : i32
      %add3A_423 = arith.addi %mul3A_2, %mul3A_422 : i32
      %add3A_424 = arith.constant 6 : i32
      %add3A_425 = arith.addi %add3A_423, %add3A_424 : i32
      %dma_start3A_426 = arith.constant 0 : i32
      %dma_start3A_427 = tpu.memref_slice %arg8[%add3A_425, %dma_start3A_426] : memref<16384x64xf32, #tpu.memory_space<hbm>> -> memref<1x64xf32, #tpu.memory_space<hbm>>
      %dma_start3A_428 = arith.constant 0 : i32
      %dma_start3A_429 = tpu.memref_slice %arg2[%squeeze3A_420, %dma_start3A_428] : memref<1000000x64xf32, #tpu.memory_space<hbm>> -> memref<1x64xf32, #tpu.memory_space<hbm>>
      tpu.enqueue_dma source(%dma_start3A_429 : memref<1x64xf32, #tpu.memory_space<hbm>>) target(%dma_start3A_427 : memref<1x64xf32, #tpu.memory_space<hbm>>) target_semaphore(%arg22 : memref<!tpu.dma_semaphore, #tpu.memory_space<semaphore_mem>>)
      %slice3A_430 = vector.extract_strided_slice %get3A_353 {offsets = [7], sizes = [1], strides = [1]} : vector<16xi32> to vector<1xi32>
      %squeeze3A_431 = vector.extract %slice3A_430[0] : i32 from vector<1xi32>
      %mul3A_432 = arith.constant 16 : i32
      %mul3A_433 = arith.muli %scan3A_349, %mul3A_432 : i32
      %add3A_434 = arith.addi %mul3A_2, %mul3A_433 : i32
      %add3A_435 = arith.constant 7 : i32
      %add3A_436 = arith.addi %add3A_434, %add3A_435 : i32
      %dma_start3A_437 = arith.constant 0 : i32
      %dma_start3A_438 = tpu.memref_slice %arg8[%add3A_436, %dma_start3A_437] : memref<16384x64xf32, #tpu.memory_space<hbm>> -> memref<1x64xf32, #tpu.memory_space<hbm>>
      %dma_start3A_439 = arith.constant 0 : i32
      %dma_start3A_440 = tpu.memref_slice %arg2[%squeeze3A_431, %dma_start3A_439] : memref<1000000x64xf32, #tpu.memory_space<hbm>> -> memref<1x64xf32, #tpu.memory_space<hbm>>
      tpu.enqueue_dma source(%dma_start3A_440 : memref<1x64xf32, #tpu.memory_space<hbm>>) target(%dma_start3A_438 : memref<1x64xf32, #tpu.memory_space<hbm>>) target_semaphore(%arg23 : memref<!tpu.dma_semaphore, #tpu.memory_space<semaphore_mem>>)
      %slice3A_441 = vector.extract_strided_slice %get3A_353 {offsets = [8], sizes = [1], strides = [1]} : vector<16xi32> to vector<1xi32>
      %squeeze3A_442 = vector.extract %slice3A_441[0] : i32 from vector<1xi32>
      %mul3A_443 = arith.constant 16 : i32
      %mul3A_444 = arith.muli %scan3A_349, %mul3A_443 : i32
      %add3A_445 = arith.addi %mul3A_2, %mul3A_444 : i32
      %add3A_446 = arith.constant 8 : i32
      %add3A_447 = arith.addi %add3A_445, %add3A_446 : i32
      %dma_start3A_448 = arith.constant 0 : i32
      %dma_start3A_449 = tpu.memref_slice %arg8[%add3A_447, %dma_start3A_448] : memref<16384x64xf32, #tpu.memory_space<hbm>> -> memref<1x64xf32, #tpu.memory_space<hbm>>
      %dma_start3A_450 = arith.constant 0 : i32
      %dma_start3A_451 = tpu.memref_slice %arg2[%squeeze3A_442, %dma_start3A_450] : memref<1000000x64xf32, #tpu.memory_space<hbm>> -> memref<1x64xf32, #tpu.memory_space<hbm>>
      tpu.enqueue_dma source(%dma_start3A_451 : memref<1x64xf32, #tpu.memory_space<hbm>>) target(%dma_start3A_449 : memref<1x64xf32, #tpu.memory_space<hbm>>) target_semaphore(%arg24 : memref<!tpu.dma_semaphore, #tpu.memory_space<semaphore_mem>>)
      %slice3A_452 = vector.extract_strided_slice %get3A_353 {offsets = [9], sizes = [1], strides = [1]} : vector<16xi32> to vector<1xi32>
      %squeeze3A_453 = vector.extract %slice3A_452[0] : i32 from vector<1xi32>
      %mul3A_454 = arith.constant 16 : i32
      %mul3A_455 = arith.muli %scan3A_349, %mul3A_454 : i32
      %add3A_456 = arith.addi %mul3A_2, %mul3A_455 : i32
      %add3A_457 = arith.constant 9 : i32
      %add3A_458 = arith.addi %add3A_456, %add3A_457 : i32
      %dma_start3A_459 = arith.constant 0 : i32
      %dma_start3A_460 = tpu.memref_slice %arg8[%add3A_458, %dma_start3A_459] : memref<16384x64xf32, #tpu.memory_space<hbm>> -> memref<1x64xf32, #tpu.memory_space<hbm>>
      %dma_start3A_461 = arith.constant 0 : i32
      %dma_start3A_462 = tpu.memref_slice %arg2[%squeeze3A_453, %dma_start3A_461] : memref<1000000x64xf32, #tpu.memory_space<hbm>> -> memref<1x64xf32, #tpu.memory_space<hbm>>
      tpu.enqueue_dma source(%dma_start3A_462 : memref<1x64xf32, #tpu.memory_space<hbm>>) target(%dma_start3A_460 : memref<1x64xf32, #tpu.memory_space<hbm>>) target_semaphore(%arg25 : memref<!tpu.dma_semaphore, #tpu.memory_space<semaphore_mem>>)
      %slice3A_463 = vector.extract_strided_slice %get3A_353 {offsets = [10], sizes = [1], strides = [1]} : vector<16xi32> to vector<1xi32>
      %squeeze3A_464 = vector.extract %slice3A_463[0] : i32 from vector<1xi32>
      %mul3A_465 = arith.constant 16 : i32
      %mul3A_466 = arith.muli %scan3A_349, %mul3A_465 : i32
      %add3A_467 = arith.addi %mul3A_2, %mul3A_466 : i32
      %add3A_468 = arith.constant 10 : i32
      %add3A_469 = arith.addi %add3A_467, %add3A_468 : i32
      %dma_start3A_470 = arith.constant 0 : i32
      %dma_start3A_471 = tpu.memref_slice %arg8[%add3A_469, %dma_start3A_470] : memref<16384x64xf32, #tpu.memory_space<hbm>> -> memref<1x64xf32, #tpu.memory_space<hbm>>
      %dma_start3A_472 = arith.constant 0 : i32
      %dma_start3A_473 = tpu.memref_slice %arg2[%squeeze3A_464, %dma_start3A_472] : memref<1000000x64xf32, #tpu.memory_space<hbm>> -> memref<1x64xf32, #tpu.memory_space<hbm>>
      tpu.enqueue_dma source(%dma_start3A_473 : memref<1x64xf32, #tpu.memory_space<hbm>>) target(%dma_start3A_471 : memref<1x64xf32, #tpu.memory_space<hbm>>) target_semaphore(%arg26 : memref<!tpu.dma_semaphore, #tpu.memory_space<semaphore_mem>>)
      %slice3A_474 = vector.extract_strided_slice %get3A_353 {offsets = [11], sizes = [1], strides = [1]} : vector<16xi32> to vector<1xi32>
      %squeeze3A_475 = vector.extract %slice3A_474[0] : i32 from vector<1xi32>
      %mul3A_476 = arith.constant 16 : i32
      %mul3A_477 = arith.muli %scan3A_349, %mul3A_476 : i32
      %add3A_478 = arith.addi %mul3A_2, %mul3A_477 : i32
      %add3A_479 = arith.constant 11 : i32
      %add3A_480 = arith.addi %add3A_478, %add3A_479 : i32
      %dma_start3A_481 = arith.constant 0 : i32
      %dma_start3A_482 = tpu.memref_slice %arg8[%add3A_480, %dma_start3A_481] : memref<16384x64xf32, #tpu.memory_space<hbm>> -> memref<1x64xf32, #tpu.memory_space<hbm>>
      %dma_start3A_483 = arith.constant 0 : i32
      %dma_start3A_484 = tpu.memref_slice %arg2[%squeeze3A_475, %dma_start3A_483] : memref<1000000x64xf32, #tpu.memory_space<hbm>> -> memref<1x64xf32, #tpu.memory_space<hbm>>
      tpu.enqueue_dma source(%dma_start3A_484 : memref<1x64xf32, #tpu.memory_space<hbm>>) target(%dma_start3A_482 : memref<1x64xf32, #tpu.memory_space<hbm>>) target_semaphore(%arg27 : memref<!tpu.dma_semaphore, #tpu.memory_space<semaphore_mem>>)
      %slice3A_485 = vector.extract_strided_slice %get3A_353 {offsets = [12], sizes = [1], strides = [1]} : vector<16xi32> to vector<1xi32>
      %squeeze3A_486 = vector.extract %slice3A_485[0] : i32 from vector<1xi32>
      %mul3A_487 = arith.constant 16 : i32
      %mul3A_488 = arith.muli %scan3A_349, %mul3A_487 : i32
      %add3A_489 = arith.addi %mul3A_2, %mul3A_488 : i32
      %add3A_490 = arith.constant 12 : i32
      %add3A_491 = arith.addi %add3A_489, %add3A_490 : i32
      %dma_start3A_492 = arith.constant 0 : i32
      %dma_start3A_493 = tpu.memref_slice %arg8[%add3A_491, %dma_start3A_492] : memref<16384x64xf32, #tpu.memory_space<hbm>> -> memref<1x64xf32, #tpu.memory_space<hbm>>
      %dma_start3A_494 = arith.constant 0 : i32
      %dma_start3A_495 = tpu.memref_slice %arg2[%squeeze3A_486, %dma_start3A_494] : memref<1000000x64xf32, #tpu.memory_space<hbm>> -> memref<1x64xf32, #tpu.memory_space<hbm>>
      tpu.enqueue_dma source(%dma_start3A_495 : memref<1x64xf32, #tpu.memory_space<hbm>>) target(%dma_start3A_493 : memref<1x64xf32, #tpu.memory_space<hbm>>) target_semaphore(%arg28 : memref<!tpu.dma_semaphore, #tpu.memory_space<semaphore_mem>>)
      %slice3A_496 = vector.extract_strided_slice %get3A_353 {offsets = [13], sizes = [1], strides = [1]} : vector<16xi32> to vector<1xi32>
      %squeeze3A_497 = vector.extract %slice3A_496[0] : i32 from vector<1xi32>
      %mul3A_498 = arith.constant 16 : i32
      %mul3A_499 = arith.muli %scan3A_349, %mul3A_498 : i32
      %add3A_500 = arith.addi %mul3A_2, %mul3A_499 : i32
      %add3A_501 = arith.constant 13 : i32
      %add3A_502 = arith.addi %add3A_500, %add3A_501 : i32
      %dma_start3A_503 = arith.constant 0 : i32
      %dma_start3A_504 = tpu.memref_slice %arg8[%add3A_502, %dma_start3A_503] : memref<16384x64xf32, #tpu.memory_space<hbm>> -> memref<1x64xf32, #tpu.memory_space<hbm>>
      %dma_start3A_505 = arith.constant 0 : i32
      %dma_start3A_506 = tpu.memref_slice %arg2[%squeeze3A_497, %dma_start3A_505] : memref<1000000x64xf32, #tpu.memory_space<hbm>> -> memref<1x64xf32, #tpu.memory_space<hbm>>
      tpu.enqueue_dma source(%dma_start3A_506 : memref<1x64xf32, #tpu.memory_space<hbm>>) target(%dma_start3A_504 : memref<1x64xf32, #tpu.memory_space<hbm>>) target_semaphore(%arg29 : memref<!tpu.dma_semaphore, #tpu.memory_space<semaphore_mem>>)
      %slice3A_507 = vector.extract_strided_slice %get3A_353 {offsets = [14], sizes = [1], strides = [1]} : vector<16xi32> to vector<1xi32>
      %squeeze3A_508 = vector.extract %slice3A_507[0] : i32 from vector<1xi32>
      %mul3A_509 = arith.constant 16 : i32
      %mul3A_510 = arith.muli %scan3A_349, %mul3A_509 : i32
      %add3A_511 = arith.addi %mul3A_2, %mul3A_510 : i32
      %add3A_512 = arith.constant 14 : i32
      %add3A_513 = arith.addi %add3A_511, %add3A_512 : i32
      %dma_start3A_514 = arith.constant 0 : i32
      %dma_start3A_515 = tpu.memref_slice %arg8[%add3A_513, %dma_start3A_514] : memref<16384x64xf32, #tpu.memory_space<hbm>> -> memref<1x64xf32, #tpu.memory_space<hbm>>
      %dma_start3A_516 = arith.constant 0 : i32
      %dma_start3A_517 = tpu.memref_slice %arg2[%squeeze3A_508, %dma_start3A_516] : memref<1000000x64xf32, #tpu.memory_space<hbm>> -> memref<1x64xf32, #tpu.memory_space<hbm>>
      tpu.enqueue_dma source(%dma_start3A_517 : memref<1x64xf32, #tpu.memory_space<hbm>>) target(%dma_start3A_515 : memref<1x64xf32, #tpu.memory_space<hbm>>) target_semaphore(%arg30 : memref<!tpu.dma_semaphore, #tpu.memory_space<semaphore_mem>>)
      %slice3A_518 = vector.extract_strided_slice %get3A_353 {offsets = [15], sizes = [1], strides = [1]} : vector<16xi32> to vector<1xi32>
      %squeeze3A_519 = vector.extract %slice3A_518[0] : i32 from vector<1xi32>
      %mul3A_520 = arith.constant 16 : i32
      %mul3A_521 = arith.muli %scan3A_349, %mul3A_520 : i32
      %add3A_522 = arith.addi %mul3A_2, %mul3A_521 : i32
      %add3A_523 = arith.constant 15 : i32
      %add3A_524 = arith.addi %add3A_522, %add3A_523 : i32
      %dma_start3A_525 = arith.constant 0 : i32
      %dma_start3A_526 = tpu.memref_slice %arg8[%add3A_524, %dma_start3A_525] : memref<16384x64xf32, #tpu.memory_space<hbm>> -> memref<1x64xf32, #tpu.memory_space<hbm>>
      %dma_start3A_527 = arith.constant 0 : i32
      %dma_start3A_528 = tpu.memref_slice %arg2[%squeeze3A_519, %dma_start3A_527] : memref<1000000x64xf32, #tpu.memory_space<hbm>> -> memref<1x64xf32, #tpu.memory_space<hbm>>
      tpu.enqueue_dma source(%dma_start3A_528 : memref<1x64xf32, #tpu.memory_space<hbm>>) target(%dma_start3A_526 : memref<1x64xf32, #tpu.memory_space<hbm>>) target_semaphore(%arg31 : memref<!tpu.dma_semaphore, #tpu.memory_space<semaphore_mem>>)
      %scan3A_529 = arith.constant 0 : i32
      scf.yield %scan3A_529 : i32
    }
    %scan3A_8 = arith.constant 32 : i32
    %dma_wait3A = arith.constant 0 : i32
    %dma_wait3A_9 = tpu.memref_slice %arg8[%mul3A_2, %dma_wait3A] : memref<16384x64xf32, #tpu.memory_space<hbm>> -> memref<1x64xf32, #tpu.memory_space<hbm>>
    %dma_wait3A_10 = arith.constant 0 : i32
    %dma_wait3A_11 = arith.constant 0 : i32
    %dma_wait3A_12 = tpu.memref_slice %arg2[%dma_wait3A_10, %dma_wait3A_11] : memref<1000000x64xf32, #tpu.memory_space<hbm>> -> memref<1x64xf32, #tpu.memory_space<hbm>>
    tpu.wait_dma2 semaphore(%arg16 : memref<!tpu.dma_semaphore, #tpu.memory_space<semaphore_mem>>) src(%dma_wait3A_12 : memref<1x64xf32, #tpu.memory_space<hbm>>) dst(%dma_wait3A_9 : memref<1x64xf32, #tpu.memory_space<hbm>>)
    %dma_wait3A_13 = arith.constant 0 : i32
    %dma_wait3A_14 = tpu.memref_slice %arg8[%mul3A_2, %dma_wait3A_13] : memref<16384x64xf32, #tpu.memory_space<hbm>> -> memref<1x64xf32, #tpu.memory_space<hbm>>
    %dma_wait3A_15 = arith.constant 0 : i32
    %dma_wait3A_16 = arith.constant 0 : i32
    %dma_wait3A_17 = tpu.memref_slice %arg2[%dma_wait3A_15, %dma_wait3A_16] : memref<1000000x64xf32, #tpu.memory_space<hbm>> -> memref<1x64xf32, #tpu.memory_space<hbm>>
    tpu.wait_dma2 semaphore(%arg17 : memref<!tpu.dma_semaphore, #tpu.memory_space<semaphore_mem>>) src(%dma_wait3A_17 : memref<1x64xf32, #tpu.memory_space<hbm>>) dst(%dma_wait3A_14 : memref<1x64xf32, #tpu.memory_space<hbm>>)
    %dma_wait3A_18 = arith.constant 0 : i32
    %dma_wait3A_19 = tpu.memref_slice %arg8[%mul3A_2, %dma_wait3A_18] : memref<16384x64xf32, #tpu.memory_space<hbm>> -> memref<1x64xf32, #tpu.memory_space<hbm>>
    %dma_wait3A_20 = arith.constant 0 : i32
    %dma_wait3A_21 = arith.constant 0 : i32
    %dma_wait3A_22 = tpu.memref_slice %arg2[%dma_wait3A_20, %dma_wait3A_21] : memref<1000000x64xf32, #tpu.memory_space<hbm>> -> memref<1x64xf32, #tpu.memory_space<hbm>>
    tpu.wait_dma2 semaphore(%arg18 : memref<!tpu.dma_semaphore, #tpu.memory_space<semaphore_mem>>) src(%dma_wait3A_22 : memref<1x64xf32, #tpu.memory_space<hbm>>) dst(%dma_wait3A_19 : memref<1x64xf32, #tpu.memory_space<hbm>>)
    %dma_wait3A_23 = arith.constant 0 : i32
    %dma_wait3A_24 = tpu.memref_slice %arg8[%mul3A_2, %dma_wait3A_23] : memref<16384x64xf32, #tpu.memory_space<hbm>> -> memref<1x64xf32, #tpu.memory_space<hbm>>
    %dma_wait3A_25 = arith.constant 0 : i32
    %dma_wait3A_26 = arith.constant 0 : i32
    %dma_wait3A_27 = tpu.memref_slice %arg2[%dma_wait3A_25, %dma_wait3A_26] : memref<1000000x64xf32, #tpu.memory_space<hbm>> -> memref<1x64xf32, #tpu.memory_space<hbm>>
    tpu.wait_dma2 semaphore(%arg19 : memref<!tpu.dma_semaphore, #tpu.memory_space<semaphore_mem>>) src(%dma_wait3A_27 : memref<1x64xf32, #tpu.memory_space<hbm>>) dst(%dma_wait3A_24 : memref<1x64xf32, #tpu.memory_space<hbm>>)
    %dma_wait3A_28 = arith.constant 0 : i32
    %dma_wait3A_29 = tpu.memref_slice %arg8[%mul3A_2, %dma_wait3A_28] : memref<16384x64xf32, #tpu.memory_space<hbm>> -> memref<1x64xf32, #tpu.memory_space<hbm>>
    %dma_wait3A_30 = arith.constant 0 : i32
    %dma_wait3A_31 = arith.constant 0 : i32
    %dma_wait3A_32 = tpu.memref_slice %arg2[%dma_wait3A_30, %dma_wait3A_31] : memref<1000000x64xf32, #tpu.memory_space<hbm>> -> memref<1x64xf32, #tpu.memory_space<hbm>>
    tpu.wait_dma2 semaphore(%arg20 : memref<!tpu.dma_semaphore, #tpu.memory_space<semaphore_mem>>) src(%dma_wait3A_32 : memref<1x64xf32, #tpu.memory_space<hbm>>) dst(%dma_wait3A_29 : memref<1x64xf32, #tpu.memory_space<hbm>>)
    %dma_wait3A_33 = arith.constant 0 : i32
    %dma_wait3A_34 = tpu.memref_slice %arg8[%mul3A_2, %dma_wait3A_33] : memref<16384x64xf32, #tpu.memory_space<hbm>> -> memref<1x64xf32, #tpu.memory_space<hbm>>
    %dma_wait3A_35 = arith.constant 0 : i32
    %dma_wait3A_36 = arith.constant 0 : i32
    %dma_wait3A_37 = tpu.memref_slice %arg2[%dma_wait3A_35, %dma_wait3A_36] : memref<1000000x64xf32, #tpu.memory_space<hbm>> -> memref<1x64xf32, #tpu.memory_space<hbm>>
    tpu.wait_dma2 semaphore(%arg21 : memref<!tpu.dma_semaphore, #tpu.memory_space<semaphore_mem>>) src(%dma_wait3A_37 : memref<1x64xf32, #tpu.memory_space<hbm>>) dst(%dma_wait3A_34 : memref<1x64xf32, #tpu.memory_space<hbm>>)
    %dma_wait3A_38 = arith.constant 0 : i32
    %dma_wait3A_39 = tpu.memref_slice %arg8[%mul3A_2, %dma_wait3A_38] : memref<16384x64xf32, #tpu.memory_space<hbm>> -> memref<1x64xf32, #tpu.memory_space<hbm>>
    %dma_wait3A_40 = arith.constant 0 : i32
    %dma_wait3A_41 = arith.constant 0 : i32
    %dma_wait3A_42 = tpu.memref_slice %arg2[%dma_wait3A_40, %dma_wait3A_41] : memref<1000000x64xf32, #tpu.memory_space<hbm>> -> memref<1x64xf32, #tpu.memory_space<hbm>>
    tpu.wait_dma2 semaphore(%arg22 : memref<!tpu.dma_semaphore, #tpu.memory_space<semaphore_mem>>) src(%dma_wait3A_42 : memref<1x64xf32, #tpu.memory_space<hbm>>) dst(%dma_wait3A_39 : memref<1x64xf32, #tpu.memory_space<hbm>>)
    %dma_wait3A_43 = arith.constant 0 : i32
    %dma_wait3A_44 = tpu.memref_slice %arg8[%mul3A_2, %dma_wait3A_43] : memref<16384x64xf32, #tpu.memory_space<hbm>> -> memref<1x64xf32, #tpu.memory_space<hbm>>
    %dma_wait3A_45 = arith.constant 0 : i32
    %dma_wait3A_46 = arith.constant 0 : i32
    %dma_wait3A_47 = tpu.memref_slice %arg2[%dma_wait3A_45, %dma_wait3A_46] : memref<1000000x64xf32, #tpu.memory_space<hbm>> -> memref<1x64xf32, #tpu.memory_space<hbm>>
    tpu.wait_dma2 semaphore(%arg23 : memref<!tpu.dma_semaphore, #tpu.memory_space<semaphore_mem>>) src(%dma_wait3A_47 : memref<1x64xf32, #tpu.memory_space<hbm>>) dst(%dma_wait3A_44 : memref<1x64xf32, #tpu.memory_space<hbm>>)
    %dma_wait3A_48 = arith.constant 0 : i32
    %dma_wait3A_49 = tpu.memref_slice %arg8[%mul3A_2, %dma_wait3A_48] : memref<16384x64xf32, #tpu.memory_space<hbm>> -> memref<1x64xf32, #tpu.memory_space<hbm>>
    %dma_wait3A_50 = arith.constant 0 : i32
    %dma_wait3A_51 = arith.constant 0 : i32
    %dma_wait3A_52 = tpu.memref_slice %arg2[%dma_wait3A_50, %dma_wait3A_51] : memref<1000000x64xf32, #tpu.memory_space<hbm>> -> memref<1x64xf32, #tpu.memory_space<hbm>>
    tpu.wait_dma2 semaphore(%arg24 : memref<!tpu.dma_semaphore, #tpu.memory_space<semaphore_mem>>) src(%dma_wait3A_52 : memref<1x64xf32, #tpu.memory_space<hbm>>) dst(%dma_wait3A_49 : memref<1x64xf32, #tpu.memory_space<hbm>>)
    %dma_wait3A_53 = arith.constant 0 : i32
    %dma_wait3A_54 = tpu.memref_slice %arg8[%mul3A_2, %dma_wait3A_53] : memref<16384x64xf32, #tpu.memory_space<hbm>> -> memref<1x64xf32, #tpu.memory_space<hbm>>
    %dma_wait3A_55 = arith.constant 0 : i32
    %dma_wait3A_56 = arith.constant 0 : i32
    %dma_wait3A_57 = tpu.memref_slice %arg2[%dma_wait3A_55, %dma_wait3A_56] : memref<1000000x64xf32, #tpu.memory_space<hbm>> -> memref<1x64xf32, #tpu.memory_space<hbm>>
    tpu.wait_dma2 semaphore(%arg25 : memref<!tpu.dma_semaphore, #tpu.memory_space<semaphore_mem>>) src(%dma_wait3A_57 : memref<1x64xf32, #tpu.memory_space<hbm>>) dst(%dma_wait3A_54 : memref<1x64xf32, #tpu.memory_space<hbm>>)
    %dma_wait3A_58 = arith.constant 0 : i32
    %dma_wait3A_59 = tpu.memref_slice %arg8[%mul3A_2, %dma_wait3A_58] : memref<16384x64xf32, #tpu.memory_space<hbm>> -> memref<1x64xf32, #tpu.memory_space<hbm>>
    %dma_wait3A_60 = arith.constant 0 : i32
    %dma_wait3A_61 = arith.constant 0 : i32
    %dma_wait3A_62 = tpu.memref_slice %arg2[%dma_wait3A_60, %dma_wait3A_61] : memref<1000000x64xf32, #tpu.memory_space<hbm>> -> memref<1x64xf32, #tpu.memory_space<hbm>>
    tpu.wait_dma2 semaphore(%arg26 : memref<!tpu.dma_semaphore, #tpu.memory_space<semaphore_mem>>) src(%dma_wait3A_62 : memref<1x64xf32, #tpu.memory_space<hbm>>) dst(%dma_wait3A_59 : memref<1x64xf32, #tpu.memory_space<hbm>>)
    %dma_wait3A_63 = arith.constant 0 : i32
    %dma_wait3A_64 = tpu.memref_slice %arg8[%mul3A_2, %dma_wait3A_63] : memref<16384x64xf32, #tpu.memory_space<hbm>> -> memref<1x64xf32, #tpu.memory_space<hbm>>
    %dma_wait3A_65 = arith.constant 0 : i32
    %dma_wait3A_66 = arith.constant 0 : i32
    %dma_wait3A_67 = tpu.memref_slice %arg2[%dma_wait3A_65, %dma_wait3A_66] : memref<1000000x64xf32, #tpu.memory_space<hbm>> -> memref<1x64xf32, #tpu.memory_space<hbm>>
    tpu.wait_dma2 semaphore(%arg27 : memref<!tpu.dma_semaphore, #tpu.memory_space<semaphore_mem>>) src(%dma_wait3A_67 : memref<1x64xf32, #tpu.memory_space<hbm>>) dst(%dma_wait3A_64 : memref<1x64xf32, #tpu.memory_space<hbm>>)
    %dma_wait3A_68 = arith.constant 0 : i32
    %dma_wait3A_69 = tpu.memref_slice %arg8[%mul3A_2, %dma_wait3A_68] : memref<16384x64xf32, #tpu.memory_space<hbm>> -> memref<1x64xf32, #tpu.memory_space<hbm>>
    %dma_wait3A_70 = arith.constant 0 : i32
    %dma_wait3A_71 = arith.constant 0 : i32
    %dma_wait3A_72 = tpu.memref_slice %arg2[%dma_wait3A_70, %dma_wait3A_71] : memref<1000000x64xf32, #tpu.memory_space<hbm>> -> memref<1x64xf32, #tpu.memory_space<hbm>>
    tpu.wait_dma2 semaphore(%arg28 : memref<!tpu.dma_semaphore, #tpu.memory_space<semaphore_mem>>) src(%dma_wait3A_72 : memref<1x64xf32, #tpu.memory_space<hbm>>) dst(%dma_wait3A_69 : memref<1x64xf32, #tpu.memory_space<hbm>>)
    %dma_wait3A_73 = arith.constant 0 : i32
    %dma_wait3A_74 = tpu.memref_slice %arg8[%mul3A_2, %dma_wait3A_73] : memref<16384x64xf32, #tpu.memory_space<hbm>> -> memref<1x64xf32, #tpu.memory_space<hbm>>
    %dma_wait3A_75 = arith.constant 0 : i32
    %dma_wait3A_76 = arith.constant 0 : i32
    %dma_wait3A_77 = tpu.memref_slice %arg2[%dma_wait3A_75, %dma_wait3A_76] : memref<1000000x64xf32, #tpu.memory_space<hbm>> -> memref<1x64xf32, #tpu.memory_space<hbm>>
    tpu.wait_dma2 semaphore(%arg29 : memref<!tpu.dma_semaphore, #tpu.memory_space<semaphore_mem>>) src(%dma_wait3A_77 : memref<1x64xf32, #tpu.memory_space<hbm>>) dst(%dma_wait3A_74 : memref<1x64xf32, #tpu.memory_space<hbm>>)
    %dma_wait3A_78 = arith.constant 0 : i32
    %dma_wait3A_79 = tpu.memref_slice %arg8[%mul3A_2, %dma_wait3A_78] : memref<16384x64xf32, #tpu.memory_space<hbm>> -> memref<1x64xf32, #tpu.memory_space<hbm>>
    %dma_wait3A_80 = arith.constant 0 : i32
    %dma_wait3A_81 = arith.constant 0 : i32
    %dma_wait3A_82 = tpu.memref_slice %arg2[%dma_wait3A_80, %dma_wait3A_81] : memref<1000000x64xf32, #tpu.memory_space<hbm>> -> memref<1x64xf32, #tpu.memory_space<hbm>>
    tpu.wait_dma2 semaphore(%arg30 : memref<!tpu.dma_semaphore, #tpu.memory_space<semaphore_mem>>) src(%dma_wait3A_82 : memref<1x64xf32, #tpu.memory_space<hbm>>) dst(%dma_wait3A_79 : memref<1x64xf32, #tpu.memory_space<hbm>>)
    %dma_wait3A_83 = arith.constant 0 : i32
    %dma_wait3A_84 = tpu.memref_slice %arg8[%mul3A_2, %dma_wait3A_83] : memref<16384x64xf32, #tpu.memory_space<hbm>> -> memref<1x64xf32, #tpu.memory_space<hbm>>
    %dma_wait3A_85 = arith.constant 0 : i32
    %dma_wait3A_86 = arith.constant 0 : i32
    %dma_wait3A_87 = tpu.memref_slice %arg2[%dma_wait3A_85, %dma_wait3A_86] : memref<1000000x64xf32, #tpu.memory_space<hbm>> -> memref<1x64xf32, #tpu.memory_space<hbm>>
    tpu.wait_dma2 semaphore(%arg31 : memref<!tpu.dma_semaphore, #tpu.memory_space<semaphore_mem>>) src(%dma_wait3A_87 : memref<1x64xf32, #tpu.memory_space<hbm>>) dst(%dma_wait3A_84 : memref<1x64xf32, #tpu.memory_space<hbm>>)
    %scan3A_88 = arith.constant 0 : i32
    %scan3A_89 = arith.constant 0 : i32
    %scan3A_90 = arith.constant 32 : i32
    %scan3A_91 = arith.addi %scan3A_89, %scan3A_90 : i32
    %scan3A_92 = arith.constant 1 : i32
    %scan3A_93 = scf.for %scan3A_349 = %scan3A_89 to %scan3A_91 step %scan3A_92 iter_args(%scan3A_350 = %scan3A_88) -> (i32)  : i32 {
      %mul3A_351 = arith.constant 16 : i32
      %mul3A_352 = arith.muli %scan3A_349, %mul3A_351 : i32
      %get3A = arith.index_cast %mul3A_352 : i32 to index
      %get3A_353 = tpu.vector_load %arg13[%get3A] {strides = array<i32>} : memref<512xi32, #tpu.memory_space<vmem>>, vector<16xi32>,
      %gt3A = arith.constant 0 : i32
      %gt3A_354 = arith.cmpi sgt, %scan3A_349, %gt3A : i32
      %convert_element_type3A = arith.extui %gt3A_354 : i1 to i32
      %cond3A = arith.constant 0 : i32
      %cond3A_355 = arith.cmpi ne, %convert_element_type3A, %cond3A : i32
      scf.if %cond3A_355 {
        %dma_wait3A_530 = arith.constant 0 : i32
        %dma_wait3A_531 = tpu.memref_slice %arg9[%mul3A_2, %dma_wait3A_530] : memref<16384x64xf32, #tpu.memory_space<hbm>> -> memref<1x64xf32, #tpu.memory_space<hbm>>
        %dma_wait3A_532 = arith.constant 0 : i32
        %dma_wait3A_533 = arith.constant 0 : i32
        %dma_wait3A_534 = tpu.memref_slice %arg3[%dma_wait3A_532, %dma_wait3A_533] : memref<1000000x64xf32, #tpu.memory_space<hbm>> -> memref<1x64xf32, #tpu.memory_space<hbm>>
        tpu.wait_dma2 semaphore(%arg16 : memref<!tpu.dma_semaphore, #tpu.memory_space<semaphore_mem>>) src(%dma_wait3A_534 : memref<1x64xf32, #tpu.memory_space<hbm>>) dst(%dma_wait3A_531 : memref<1x64xf32, #tpu.memory_space<hbm>>)
        %dma_wait3A_535 = arith.constant 0 : i32
        %dma_wait3A_536 = tpu.memref_slice %arg9[%mul3A_2, %dma_wait3A_535] : memref<16384x64xf32, #tpu.memory_space<hbm>> -> memref<1x64xf32, #tpu.memory_space<hbm>>
        %dma_wait3A_537 = arith.constant 0 : i32
        %dma_wait3A_538 = arith.constant 0 : i32
        %dma_wait3A_539 = tpu.memref_slice %arg3[%dma_wait3A_537, %dma_wait3A_538] : memref<1000000x64xf32, #tpu.memory_space<hbm>> -> memref<1x64xf32, #tpu.memory_space<hbm>>
        tpu.wait_dma2 semaphore(%arg17 : memref<!tpu.dma_semaphore, #tpu.memory_space<semaphore_mem>>) src(%dma_wait3A_539 : memref<1x64xf32, #tpu.memory_space<hbm>>) dst(%dma_wait3A_536 : memref<1x64xf32, #tpu.memory_space<hbm>>)
        %dma_wait3A_540 = arith.constant 0 : i32
        %dma_wait3A_541 = tpu.memref_slice %arg9[%mul3A_2, %dma_wait3A_540] : memref<16384x64xf32, #tpu.memory_space<hbm>> -> memref<1x64xf32, #tpu.memory_space<hbm>>
        %dma_wait3A_542 = arith.constant 0 : i32
        %dma_wait3A_543 = arith.constant 0 : i32
        %dma_wait3A_544 = tpu.memref_slice %arg3[%dma_wait3A_542, %dma_wait3A_543] : memref<1000000x64xf32, #tpu.memory_space<hbm>> -> memref<1x64xf32, #tpu.memory_space<hbm>>
        tpu.wait_dma2 semaphore(%arg18 : memref<!tpu.dma_semaphore, #tpu.memory_space<semaphore_mem>>) src(%dma_wait3A_544 : memref<1x64xf32, #tpu.memory_space<hbm>>) dst(%dma_wait3A_541 : memref<1x64xf32, #tpu.memory_space<hbm>>)
        %dma_wait3A_545 = arith.constant 0 : i32
        %dma_wait3A_546 = tpu.memref_slice %arg9[%mul3A_2, %dma_wait3A_545] : memref<16384x64xf32, #tpu.memory_space<hbm>> -> memref<1x64xf32, #tpu.memory_space<hbm>>
        %dma_wait3A_547 = arith.constant 0 : i32
        %dma_wait3A_548 = arith.constant 0 : i32
        %dma_wait3A_549 = tpu.memref_slice %arg3[%dma_wait3A_547, %dma_wait3A_548] : memref<1000000x64xf32, #tpu.memory_space<hbm>> -> memref<1x64xf32, #tpu.memory_space<hbm>>
        tpu.wait_dma2 semaphore(%arg19 : memref<!tpu.dma_semaphore, #tpu.memory_space<semaphore_mem>>) src(%dma_wait3A_549 : memref<1x64xf32, #tpu.memory_space<hbm>>) dst(%dma_wait3A_546 : memref<1x64xf32, #tpu.memory_space<hbm>>)
        %dma_wait3A_550 = arith.constant 0 : i32
        %dma_wait3A_551 = tpu.memref_slice %arg9[%mul3A_2, %dma_wait3A_550] : memref<16384x64xf32, #tpu.memory_space<hbm>> -> memref<1x64xf32, #tpu.memory_space<hbm>>
        %dma_wait3A_552 = arith.constant 0 : i32
        %dma_wait3A_553 = arith.constant 0 : i32
        %dma_wait3A_554 = tpu.memref_slice %arg3[%dma_wait3A_552, %dma_wait3A_553] : memref<1000000x64xf32, #tpu.memory_space<hbm>> -> memref<1x64xf32, #tpu.memory_space<hbm>>
        tpu.wait_dma2 semaphore(%arg20 : memref<!tpu.dma_semaphore, #tpu.memory_space<semaphore_mem>>) src(%dma_wait3A_554 : memref<1x64xf32, #tpu.memory_space<hbm>>) dst(%dma_wait3A_551 : memref<1x64xf32, #tpu.memory_space<hbm>>)
        %dma_wait3A_555 = arith.constant 0 : i32
        %dma_wait3A_556 = tpu.memref_slice %arg9[%mul3A_2, %dma_wait3A_555] : memref<16384x64xf32, #tpu.memory_space<hbm>> -> memref<1x64xf32, #tpu.memory_space<hbm>>
        %dma_wait3A_557 = arith.constant 0 : i32
        %dma_wait3A_558 = arith.constant 0 : i32
        %dma_wait3A_559 = tpu.memref_slice %arg3[%dma_wait3A_557, %dma_wait3A_558] : memref<1000000x64xf32, #tpu.memory_space<hbm>> -> memref<1x64xf32, #tpu.memory_space<hbm>>
        tpu.wait_dma2 semaphore(%arg21 : memref<!tpu.dma_semaphore, #tpu.memory_space<semaphore_mem>>) src(%dma_wait3A_559 : memref<1x64xf32, #tpu.memory_space<hbm>>) dst(%dma_wait3A_556 : memref<1x64xf32, #tpu.memory_space<hbm>>)
        %dma_wait3A_560 = arith.constant 0 : i32
        %dma_wait3A_561 = tpu.memref_slice %arg9[%mul3A_2, %dma_wait3A_560] : memref<16384x64xf32, #tpu.memory_space<hbm>> -> memref<1x64xf32, #tpu.memory_space<hbm>>
        %dma_wait3A_562 = arith.constant 0 : i32
        %dma_wait3A_563 = arith.constant 0 : i32
        %dma_wait3A_564 = tpu.memref_slice %arg3[%dma_wait3A_562, %dma_wait3A_563] : memref<1000000x64xf32, #tpu.memory_space<hbm>> -> memref<1x64xf32, #tpu.memory_space<hbm>>
        tpu.wait_dma2 semaphore(%arg22 : memref<!tpu.dma_semaphore, #tpu.memory_space<semaphore_mem>>) src(%dma_wait3A_564 : memref<1x64xf32, #tpu.memory_space<hbm>>) dst(%dma_wait3A_561 : memref<1x64xf32, #tpu.memory_space<hbm>>)
        %dma_wait3A_565 = arith.constant 0 : i32
        %dma_wait3A_566 = tpu.memref_slice %arg9[%mul3A_2, %dma_wait3A_565] : memref<16384x64xf32, #tpu.memory_space<hbm>> -> memref<1x64xf32, #tpu.memory_space<hbm>>
        %dma_wait3A_567 = arith.constant 0 : i32
        %dma_wait3A_568 = arith.constant 0 : i32
        %dma_wait3A_569 = tpu.memref_slice %arg3[%dma_wait3A_567, %dma_wait3A_568] : memref<1000000x64xf32, #tpu.memory_space<hbm>> -> memref<1x64xf32, #tpu.memory_space<hbm>>
        tpu.wait_dma2 semaphore(%arg23 : memref<!tpu.dma_semaphore, #tpu.memory_space<semaphore_mem>>) src(%dma_wait3A_569 : memref<1x64xf32, #tpu.memory_space<hbm>>) dst(%dma_wait3A_566 : memref<1x64xf32, #tpu.memory_space<hbm>>)
        %dma_wait3A_570 = arith.constant 0 : i32
        %dma_wait3A_571 = tpu.memref_slice %arg9[%mul3A_2, %dma_wait3A_570] : memref<16384x64xf32, #tpu.memory_space<hbm>> -> memref<1x64xf32, #tpu.memory_space<hbm>>
        %dma_wait3A_572 = arith.constant 0 : i32
        %dma_wait3A_573 = arith.constant 0 : i32
        %dma_wait3A_574 = tpu.memref_slice %arg3[%dma_wait3A_572, %dma_wait3A_573] : memref<1000000x64xf32, #tpu.memory_space<hbm>> -> memref<1x64xf32, #tpu.memory_space<hbm>>
        tpu.wait_dma2 semaphore(%arg24 : memref<!tpu.dma_semaphore, #tpu.memory_space<semaphore_mem>>) src(%dma_wait3A_574 : memref<1x64xf32, #tpu.memory_space<hbm>>) dst(%dma_wait3A_571 : memref<1x64xf32, #tpu.memory_space<hbm>>)
        %dma_wait3A_575 = arith.constant 0 : i32
        %dma_wait3A_576 = tpu.memref_slice %arg9[%mul3A_2, %dma_wait3A_575] : memref<16384x64xf32, #tpu.memory_space<hbm>> -> memref<1x64xf32, #tpu.memory_space<hbm>>
        %dma_wait3A_577 = arith.constant 0 : i32
        %dma_wait3A_578 = arith.constant 0 : i32
        %dma_wait3A_579 = tpu.memref_slice %arg3[%dma_wait3A_577, %dma_wait3A_578] : memref<1000000x64xf32, #tpu.memory_space<hbm>> -> memref<1x64xf32, #tpu.memory_space<hbm>>
        tpu.wait_dma2 semaphore(%arg25 : memref<!tpu.dma_semaphore, #tpu.memory_space<semaphore_mem>>) src(%dma_wait3A_579 : memref<1x64xf32, #tpu.memory_space<hbm>>) dst(%dma_wait3A_576 : memref<1x64xf32, #tpu.memory_space<hbm>>)
        %dma_wait3A_580 = arith.constant 0 : i32
        %dma_wait3A_581 = tpu.memref_slice %arg9[%mul3A_2, %dma_wait3A_580] : memref<16384x64xf32, #tpu.memory_space<hbm>> -> memref<1x64xf32, #tpu.memory_space<hbm>>
        %dma_wait3A_582 = arith.constant 0 : i32
        %dma_wait3A_583 = arith.constant 0 : i32
        %dma_wait3A_584 = tpu.memref_slice %arg3[%dma_wait3A_582, %dma_wait3A_583] : memref<1000000x64xf32, #tpu.memory_space<hbm>> -> memref<1x64xf32, #tpu.memory_space<hbm>>
        tpu.wait_dma2 semaphore(%arg26 : memref<!tpu.dma_semaphore, #tpu.memory_space<semaphore_mem>>) src(%dma_wait3A_584 : memref<1x64xf32, #tpu.memory_space<hbm>>) dst(%dma_wait3A_581 : memref<1x64xf32, #tpu.memory_space<hbm>>)
        %dma_wait3A_585 = arith.constant 0 : i32
        %dma_wait3A_586 = tpu.memref_slice %arg9[%mul3A_2, %dma_wait3A_585] : memref<16384x64xf32, #tpu.memory_space<hbm>> -> memref<1x64xf32, #tpu.memory_space<hbm>>
        %dma_wait3A_587 = arith.constant 0 : i32
        %dma_wait3A_588 = arith.constant 0 : i32
        %dma_wait3A_589 = tpu.memref_slice %arg3[%dma_wait3A_587, %dma_wait3A_588] : memref<1000000x64xf32, #tpu.memory_space<hbm>> -> memref<1x64xf32, #tpu.memory_space<hbm>>
        tpu.wait_dma2 semaphore(%arg27 : memref<!tpu.dma_semaphore, #tpu.memory_space<semaphore_mem>>) src(%dma_wait3A_589 : memref<1x64xf32, #tpu.memory_space<hbm>>) dst(%dma_wait3A_586 : memref<1x64xf32, #tpu.memory_space<hbm>>)
        %dma_wait3A_590 = arith.constant 0 : i32
        %dma_wait3A_591 = tpu.memref_slice %arg9[%mul3A_2, %dma_wait3A_590] : memref<16384x64xf32, #tpu.memory_space<hbm>> -> memref<1x64xf32, #tpu.memory_space<hbm>>
        %dma_wait3A_592 = arith.constant 0 : i32
        %dma_wait3A_593 = arith.constant 0 : i32
        %dma_wait3A_594 = tpu.memref_slice %arg3[%dma_wait3A_592, %dma_wait3A_593] : memref<1000000x64xf32, #tpu.memory_space<hbm>> -> memref<1x64xf32, #tpu.memory_space<hbm>>
        tpu.wait_dma2 semaphore(%arg28 : memref<!tpu.dma_semaphore, #tpu.memory_space<semaphore_mem>>) src(%dma_wait3A_594 : memref<1x64xf32, #tpu.memory_space<hbm>>) dst(%dma_wait3A_591 : memref<1x64xf32, #tpu.memory_space<hbm>>)
        %dma_wait3A_595 = arith.constant 0 : i32
        %dma_wait3A_596 = tpu.memref_slice %arg9[%mul3A_2, %dma_wait3A_595] : memref<16384x64xf32, #tpu.memory_space<hbm>> -> memref<1x64xf32, #tpu.memory_space<hbm>>
        %dma_wait3A_597 = arith.constant 0 : i32
        %dma_wait3A_598 = arith.constant 0 : i32
        %dma_wait3A_599 = tpu.memref_slice %arg3[%dma_wait3A_597, %dma_wait3A_598] : memref<1000000x64xf32, #tpu.memory_space<hbm>> -> memref<1x64xf32, #tpu.memory_space<hbm>>
        tpu.wait_dma2 semaphore(%arg29 : memref<!tpu.dma_semaphore, #tpu.memory_space<semaphore_mem>>) src(%dma_wait3A_599 : memref<1x64xf32, #tpu.memory_space<hbm>>) dst(%dma_wait3A_596 : memref<1x64xf32, #tpu.memory_space<hbm>>)
        %dma_wait3A_600 = arith.constant 0 : i32
        %dma_wait3A_601 = tpu.memref_slice %arg9[%mul3A_2, %dma_wait3A_600] : memref<16384x64xf32, #tpu.memory_space<hbm>> -> memref<1x64xf32, #tpu.memory_space<hbm>>
        %dma_wait3A_602 = arith.constant 0 : i32
        %dma_wait3A_603 = arith.constant 0 : i32
        %dma_wait3A_604 = tpu.memref_slice %arg3[%dma_wait3A_602, %dma_wait3A_603] : memref<1000000x64xf32, #tpu.memory_space<hbm>> -> memref<1x64xf32, #tpu.memory_space<hbm>>
        tpu.wait_dma2 semaphore(%arg30 : memref<!tpu.dma_semaphore, #tpu.memory_space<semaphore_mem>>) src(%dma_wait3A_604 : memref<1x64xf32, #tpu.memory_space<hbm>>) dst(%dma_wait3A_601 : memref<1x64xf32, #tpu.memory_space<hbm>>)
        %dma_wait3A_605 = arith.constant 0 : i32
        %dma_wait3A_606 = tpu.memref_slice %arg9[%mul3A_2, %dma_wait3A_605] : memref<16384x64xf32, #tpu.memory_space<hbm>> -> memref<1x64xf32, #tpu.memory_space<hbm>>
        %dma_wait3A_607 = arith.constant 0 : i32
        %dma_wait3A_608 = arith.constant 0 : i32
        %dma_wait3A_609 = tpu.memref_slice %arg3[%dma_wait3A_607, %dma_wait3A_608] : memref<1000000x64xf32, #tpu.memory_space<hbm>> -> memref<1x64xf32, #tpu.memory_space<hbm>>
        tpu.wait_dma2 semaphore(%arg31 : memref<!tpu.dma_semaphore, #tpu.memory_space<semaphore_mem>>) src(%dma_wait3A_609 : memref<1x64xf32, #tpu.memory_space<hbm>>) dst(%dma_wait3A_606 : memref<1x64xf32, #tpu.memory_space<hbm>>)
      } else {
      }
      %slice3A = vector.extract_strided_slice %get3A_353 {offsets = [0], sizes = [1], strides = [1]} : vector<16xi32> to vector<1xi32>
      %squeeze3A = vector.extract %slice3A[0] : i32 from vector<1xi32>
      %mul3A_356 = arith.constant 16 : i32
      %mul3A_357 = arith.muli %scan3A_349, %mul3A_356 : i32
      %add3A_358 = arith.addi %mul3A_2, %mul3A_357 : i32
      %add3A_359 = arith.constant 0 : i32
      %add3A_360 = arith.addi %add3A_358, %add3A_359 : i32
      %dma_start3A = arith.constant 0 : i32
      %dma_start3A_361 = tpu.memref_slice %arg9[%add3A_360, %dma_start3A] : memref<16384x64xf32, #tpu.memory_space<hbm>> -> memref<1x64xf32, #tpu.memory_space<hbm>>
      %dma_start3A_362 = arith.constant 0 : i32
      %dma_start3A_363 = tpu.memref_slice %arg3[%squeeze3A, %dma_start3A_362] : memref<1000000x64xf32, #tpu.memory_space<hbm>> -> memref<1x64xf32, #tpu.memory_space<hbm>>
      tpu.enqueue_dma source(%dma_start3A_363 : memref<1x64xf32, #tpu.memory_space<hbm>>) target(%dma_start3A_361 : memref<1x64xf32, #tpu.memory_space<hbm>>) target_semaphore(%arg16 : memref<!tpu.dma_semaphore, #tpu.memory_space<semaphore_mem>>)
      %slice3A_364 = vector.extract_strided_slice %get3A_353 {offsets = [1], sizes = [1], strides = [1]} : vector<16xi32> to vector<1xi32>
      %squeeze3A_365 = vector.extract %slice3A_364[0] : i32 from vector<1xi32>
      %mul3A_366 = arith.constant 16 : i32
      %mul3A_367 = arith.muli %scan3A_349, %mul3A_366 : i32
      %add3A_368 = arith.addi %mul3A_2, %mul3A_367 : i32
      %add3A_369 = arith.constant 1 : i32
      %add3A_370 = arith.addi %add3A_368, %add3A_369 : i32
      %dma_start3A_371 = arith.constant 0 : i32
      %dma_start3A_372 = tpu.memref_slice %arg9[%add3A_370, %dma_start3A_371] : memref<16384x64xf32, #tpu.memory_space<hbm>> -> memref<1x64xf32, #tpu.memory_space<hbm>>
      %dma_start3A_373 = arith.constant 0 : i32
      %dma_start3A_374 = tpu.memref_slice %arg3[%squeeze3A_365, %dma_start3A_373] : memref<1000000x64xf32, #tpu.memory_space<hbm>> -> memref<1x64xf32, #tpu.memory_space<hbm>>
      tpu.enqueue_dma source(%dma_start3A_374 : memref<1x64xf32, #tpu.memory_space<hbm>>) target(%dma_start3A_372 : memref<1x64xf32, #tpu.memory_space<hbm>>) target_semaphore(%arg17 : memref<!tpu.dma_semaphore, #tpu.memory_space<semaphore_mem>>)
      %slice3A_375 = vector.extract_strided_slice %get3A_353 {offsets = [2], sizes = [1], strides = [1]} : vector<16xi32> to vector<1xi32>
      %squeeze3A_376 = vector.extract %slice3A_375[0] : i32 from vector<1xi32>
      %mul3A_377 = arith.constant 16 : i32
      %mul3A_378 = arith.muli %scan3A_349, %mul3A_377 : i32
      %add3A_379 = arith.addi %mul3A_2, %mul3A_378 : i32
      %add3A_380 = arith.constant 2 : i32
      %add3A_381 = arith.addi %add3A_379, %add3A_380 : i32
      %dma_start3A_382 = arith.constant 0 : i32
      %dma_start3A_383 = tpu.memref_slice %arg9[%add3A_381, %dma_start3A_382] : memref<16384x64xf32, #tpu.memory_space<hbm>> -> memref<1x64xf32, #tpu.memory_space<hbm>>
      %dma_start3A_384 = arith.constant 0 : i32
      %dma_start3A_385 = tpu.memref_slice %arg3[%squeeze3A_376, %dma_start3A_384] : memref<1000000x64xf32, #tpu.memory_space<hbm>> -> memref<1x64xf32, #tpu.memory_space<hbm>>
      tpu.enqueue_dma source(%dma_start3A_385 : memref<1x64xf32, #tpu.memory_space<hbm>>) target(%dma_start3A_383 : memref<1x64xf32, #tpu.memory_space<hbm>>) target_semaphore(%arg18 : memref<!tpu.dma_semaphore, #tpu.memory_space<semaphore_mem>>)
      %slice3A_386 = vector.extract_strided_slice %get3A_353 {offsets = [3], sizes = [1], strides = [1]} : vector<16xi32> to vector<1xi32>
      %squeeze3A_387 = vector.extract %slice3A_386[0] : i32 from vector<1xi32>
      %mul3A_388 = arith.constant 16 : i32
      %mul3A_389 = arith.muli %scan3A_349, %mul3A_388 : i32
      %add3A_390 = arith.addi %mul3A_2, %mul3A_389 : i32
      %add3A_391 = arith.constant 3 : i32
      %add3A_392 = arith.addi %add3A_390, %add3A_391 : i32
      %dma_start3A_393 = arith.constant 0 : i32
      %dma_start3A_394 = tpu.memref_slice %arg9[%add3A_392, %dma_start3A_393] : memref<16384x64xf32, #tpu.memory_space<hbm>> -> memref<1x64xf32, #tpu.memory_space<hbm>>
      %dma_start3A_395 = arith.constant 0 : i32
      %dma_start3A_396 = tpu.memref_slice %arg3[%squeeze3A_387, %dma_start3A_395] : memref<1000000x64xf32, #tpu.memory_space<hbm>> -> memref<1x64xf32, #tpu.memory_space<hbm>>
      tpu.enqueue_dma source(%dma_start3A_396 : memref<1x64xf32, #tpu.memory_space<hbm>>) target(%dma_start3A_394 : memref<1x64xf32, #tpu.memory_space<hbm>>) target_semaphore(%arg19 : memref<!tpu.dma_semaphore, #tpu.memory_space<semaphore_mem>>)
      %slice3A_397 = vector.extract_strided_slice %get3A_353 {offsets = [4], sizes = [1], strides = [1]} : vector<16xi32> to vector<1xi32>
      %squeeze3A_398 = vector.extract %slice3A_397[0] : i32 from vector<1xi32>
      %mul3A_399 = arith.constant 16 : i32
      %mul3A_400 = arith.muli %scan3A_349, %mul3A_399 : i32
      %add3A_401 = arith.addi %mul3A_2, %mul3A_400 : i32
      %add3A_402 = arith.constant 4 : i32
      %add3A_403 = arith.addi %add3A_401, %add3A_402 : i32
      %dma_start3A_404 = arith.constant 0 : i32
      %dma_start3A_405 = tpu.memref_slice %arg9[%add3A_403, %dma_start3A_404] : memref<16384x64xf32, #tpu.memory_space<hbm>> -> memref<1x64xf32, #tpu.memory_space<hbm>>
      %dma_start3A_406 = arith.constant 0 : i32
      %dma_start3A_407 = tpu.memref_slice %arg3[%squeeze3A_398, %dma_start3A_406] : memref<1000000x64xf32, #tpu.memory_space<hbm>> -> memref<1x64xf32, #tpu.memory_space<hbm>>
      tpu.enqueue_dma source(%dma_start3A_407 : memref<1x64xf32, #tpu.memory_space<hbm>>) target(%dma_start3A_405 : memref<1x64xf32, #tpu.memory_space<hbm>>) target_semaphore(%arg20 : memref<!tpu.dma_semaphore, #tpu.memory_space<semaphore_mem>>)
      %slice3A_408 = vector.extract_strided_slice %get3A_353 {offsets = [5], sizes = [1], strides = [1]} : vector<16xi32> to vector<1xi32>
      %squeeze3A_409 = vector.extract %slice3A_408[0] : i32 from vector<1xi32>
      %mul3A_410 = arith.constant 16 : i32
      %mul3A_411 = arith.muli %scan3A_349, %mul3A_410 : i32
      %add3A_412 = arith.addi %mul3A_2, %mul3A_411 : i32
      %add3A_413 = arith.constant 5 : i32
      %add3A_414 = arith.addi %add3A_412, %add3A_413 : i32
      %dma_start3A_415 = arith.constant 0 : i32
      %dma_start3A_416 = tpu.memref_slice %arg9[%add3A_414, %dma_start3A_415] : memref<16384x64xf32, #tpu.memory_space<hbm>> -> memref<1x64xf32, #tpu.memory_space<hbm>>
      %dma_start3A_417 = arith.constant 0 : i32
      %dma_start3A_418 = tpu.memref_slice %arg3[%squeeze3A_409, %dma_start3A_417] : memref<1000000x64xf32, #tpu.memory_space<hbm>> -> memref<1x64xf32, #tpu.memory_space<hbm>>
      tpu.enqueue_dma source(%dma_start3A_418 : memref<1x64xf32, #tpu.memory_space<hbm>>) target(%dma_start3A_416 : memref<1x64xf32, #tpu.memory_space<hbm>>) target_semaphore(%arg21 : memref<!tpu.dma_semaphore, #tpu.memory_space<semaphore_mem>>)
      %slice3A_419 = vector.extract_strided_slice %get3A_353 {offsets = [6], sizes = [1], strides = [1]} : vector<16xi32> to vector<1xi32>
      %squeeze3A_420 = vector.extract %slice3A_419[0] : i32 from vector<1xi32>
      %mul3A_421 = arith.constant 16 : i32
      %mul3A_422 = arith.muli %scan3A_349, %mul3A_421 : i32
      %add3A_423 = arith.addi %mul3A_2, %mul3A_422 : i32
      %add3A_424 = arith.constant 6 : i32
      %add3A_425 = arith.addi %add3A_423, %add3A_424 : i32
      %dma_start3A_426 = arith.constant 0 : i32
      %dma_start3A_427 = tpu.memref_slice %arg9[%add3A_425, %dma_start3A_426] : memref<16384x64xf32, #tpu.memory_space<hbm>> -> memref<1x64xf32, #tpu.memory_space<hbm>>
      %dma_start3A_428 = arith.constant 0 : i32
      %dma_start3A_429 = tpu.memref_slice %arg3[%squeeze3A_420, %dma_start3A_428] : memref<1000000x64xf32, #tpu.memory_space<hbm>> -> memref<1x64xf32, #tpu.memory_space<hbm>>
      tpu.enqueue_dma source(%dma_start3A_429 : memref<1x64xf32, #tpu.memory_space<hbm>>) target(%dma_start3A_427 : memref<1x64xf32, #tpu.memory_space<hbm>>) target_semaphore(%arg22 : memref<!tpu.dma_semaphore, #tpu.memory_space<semaphore_mem>>)
      %slice3A_430 = vector.extract_strided_slice %get3A_353 {offsets = [7], sizes = [1], strides = [1]} : vector<16xi32> to vector<1xi32>
      %squeeze3A_431 = vector.extract %slice3A_430[0] : i32 from vector<1xi32>
      %mul3A_432 = arith.constant 16 : i32
      %mul3A_433 = arith.muli %scan3A_349, %mul3A_432 : i32
      %add3A_434 = arith.addi %mul3A_2, %mul3A_433 : i32
      %add3A_435 = arith.constant 7 : i32
      %add3A_436 = arith.addi %add3A_434, %add3A_435 : i32
      %dma_start3A_437 = arith.constant 0 : i32
      %dma_start3A_438 = tpu.memref_slice %arg9[%add3A_436, %dma_start3A_437] : memref<16384x64xf32, #tpu.memory_space<hbm>> -> memref<1x64xf32, #tpu.memory_space<hbm>>
      %dma_start3A_439 = arith.constant 0 : i32
      %dma_start3A_440 = tpu.memref_slice %arg3[%squeeze3A_431, %dma_start3A_439] : memref<1000000x64xf32, #tpu.memory_space<hbm>> -> memref<1x64xf32, #tpu.memory_space<hbm>>
      tpu.enqueue_dma source(%dma_start3A_440 : memref<1x64xf32, #tpu.memory_space<hbm>>) target(%dma_start3A_438 : memref<1x64xf32, #tpu.memory_space<hbm>>) target_semaphore(%arg23 : memref<!tpu.dma_semaphore, #tpu.memory_space<semaphore_mem>>)
      %slice3A_441 = vector.extract_strided_slice %get3A_353 {offsets = [8], sizes = [1], strides = [1]} : vector<16xi32> to vector<1xi32>
      %squeeze3A_442 = vector.extract %slice3A_441[0] : i32 from vector<1xi32>
      %mul3A_443 = arith.constant 16 : i32
      %mul3A_444 = arith.muli %scan3A_349, %mul3A_443 : i32
      %add3A_445 = arith.addi %mul3A_2, %mul3A_444 : i32
      %add3A_446 = arith.constant 8 : i32
      %add3A_447 = arith.addi %add3A_445, %add3A_446 : i32
      %dma_start3A_448 = arith.constant 0 : i32
      %dma_start3A_449 = tpu.memref_slice %arg9[%add3A_447, %dma_start3A_448] : memref<16384x64xf32, #tpu.memory_space<hbm>> -> memref<1x64xf32, #tpu.memory_space<hbm>>
      %dma_start3A_450 = arith.constant 0 : i32
      %dma_start3A_451 = tpu.memref_slice %arg3[%squeeze3A_442, %dma_start3A_450] : memref<1000000x64xf32, #tpu.memory_space<hbm>> -> memref<1x64xf32, #tpu.memory_space<hbm>>
      tpu.enqueue_dma source(%dma_start3A_451 : memref<1x64xf32, #tpu.memory_space<hbm>>) target(%dma_start3A_449 : memref<1x64xf32, #tpu.memory_space<hbm>>) target_semaphore(%arg24 : memref<!tpu.dma_semaphore, #tpu.memory_space<semaphore_mem>>)
      %slice3A_452 = vector.extract_strided_slice %get3A_353 {offsets = [9], sizes = [1], strides = [1]} : vector<16xi32> to vector<1xi32>
      %squeeze3A_453 = vector.extract %slice3A_452[0] : i32 from vector<1xi32>
      %mul3A_454 = arith.constant 16 : i32
      %mul3A_455 = arith.muli %scan3A_349, %mul3A_454 : i32
      %add3A_456 = arith.addi %mul3A_2, %mul3A_455 : i32
      %add3A_457 = arith.constant 9 : i32
      %add3A_458 = arith.addi %add3A_456, %add3A_457 : i32
      %dma_start3A_459 = arith.constant 0 : i32
      %dma_start3A_460 = tpu.memref_slice %arg9[%add3A_458, %dma_start3A_459] : memref<16384x64xf32, #tpu.memory_space<hbm>> -> memref<1x64xf32, #tpu.memory_space<hbm>>
      %dma_start3A_461 = arith.constant 0 : i32
      %dma_start3A_462 = tpu.memref_slice %arg3[%squeeze3A_453, %dma_start3A_461] : memref<1000000x64xf32, #tpu.memory_space<hbm>> -> memref<1x64xf32, #tpu.memory_space<hbm>>
      tpu.enqueue_dma source(%dma_start3A_462 : memref<1x64xf32, #tpu.memory_space<hbm>>) target(%dma_start3A_460 : memref<1x64xf32, #tpu.memory_space<hbm>>) target_semaphore(%arg25 : memref<!tpu.dma_semaphore, #tpu.memory_space<semaphore_mem>>)
      %slice3A_463 = vector.extract_strided_slice %get3A_353 {offsets = [10], sizes = [1], strides = [1]} : vector<16xi32> to vector<1xi32>
      %squeeze3A_464 = vector.extract %slice3A_463[0] : i32 from vector<1xi32>
      %mul3A_465 = arith.constant 16 : i32
      %mul3A_466 = arith.muli %scan3A_349, %mul3A_465 : i32
      %add3A_467 = arith.addi %mul3A_2, %mul3A_466 : i32
      %add3A_468 = arith.constant 10 : i32
      %add3A_469 = arith.addi %add3A_467, %add3A_468 : i32
      %dma_start3A_470 = arith.constant 0 : i32
      %dma_start3A_471 = tpu.memref_slice %arg9[%add3A_469, %dma_start3A_470] : memref<16384x64xf32, #tpu.memory_space<hbm>> -> memref<1x64xf32, #tpu.memory_space<hbm>>
      %dma_start3A_472 = arith.constant 0 : i32
      %dma_start3A_473 = tpu.memref_slice %arg3[%squeeze3A_464, %dma_start3A_472] : memref<1000000x64xf32, #tpu.memory_space<hbm>> -> memref<1x64xf32, #tpu.memory_space<hbm>>
      tpu.enqueue_dma source(%dma_start3A_473 : memref<1x64xf32, #tpu.memory_space<hbm>>) target(%dma_start3A_471 : memref<1x64xf32, #tpu.memory_space<hbm>>) target_semaphore(%arg26 : memref<!tpu.dma_semaphore, #tpu.memory_space<semaphore_mem>>)
      %slice3A_474 = vector.extract_strided_slice %get3A_353 {offsets = [11], sizes = [1], strides = [1]} : vector<16xi32> to vector<1xi32>
      %squeeze3A_475 = vector.extract %slice3A_474[0] : i32 from vector<1xi32>
      %mul3A_476 = arith.constant 16 : i32
      %mul3A_477 = arith.muli %scan3A_349, %mul3A_476 : i32
      %add3A_478 = arith.addi %mul3A_2, %mul3A_477 : i32
      %add3A_479 = arith.constant 11 : i32
      %add3A_480 = arith.addi %add3A_478, %add3A_479 : i32
      %dma_start3A_481 = arith.constant 0 : i32
      %dma_start3A_482 = tpu.memref_slice %arg9[%add3A_480, %dma_start3A_481] : memref<16384x64xf32, #tpu.memory_space<hbm>> -> memref<1x64xf32, #tpu.memory_space<hbm>>
      %dma_start3A_483 = arith.constant 0 : i32
      %dma_start3A_484 = tpu.memref_slice %arg3[%squeeze3A_475, %dma_start3A_483] : memref<1000000x64xf32, #tpu.memory_space<hbm>> -> memref<1x64xf32, #tpu.memory_space<hbm>>
      tpu.enqueue_dma source(%dma_start3A_484 : memref<1x64xf32, #tpu.memory_space<hbm>>) target(%dma_start3A_482 : memref<1x64xf32, #tpu.memory_space<hbm>>) target_semaphore(%arg27 : memref<!tpu.dma_semaphore, #tpu.memory_space<semaphore_mem>>)
      %slice3A_485 = vector.extract_strided_slice %get3A_353 {offsets = [12], sizes = [1], strides = [1]} : vector<16xi32> to vector<1xi32>
      %squeeze3A_486 = vector.extract %slice3A_485[0] : i32 from vector<1xi32>
      %mul3A_487 = arith.constant 16 : i32
      %mul3A_488 = arith.muli %scan3A_349, %mul3A_487 : i32
      %add3A_489 = arith.addi %mul3A_2, %mul3A_488 : i32
      %add3A_490 = arith.constant 12 : i32
      %add3A_491 = arith.addi %add3A_489, %add3A_490 : i32
      %dma_start3A_492 = arith.constant 0 : i32
      %dma_start3A_493 = tpu.memref_slice %arg9[%add3A_491, %dma_start3A_492] : memref<16384x64xf32, #tpu.memory_space<hbm>> -> memref<1x64xf32, #tpu.memory_space<hbm>>
      %dma_start3A_494 = arith.constant 0 : i32
      %dma_start3A_495 = tpu.memref_slice %arg3[%squeeze3A_486, %dma_start3A_494] : memref<1000000x64xf32, #tpu.memory_space<hbm>> -> memref<1x64xf32, #tpu.memory_space<hbm>>
      tpu.enqueue_dma source(%dma_start3A_495 : memref<1x64xf32, #tpu.memory_space<hbm>>) target(%dma_start3A_493 : memref<1x64xf32, #tpu.memory_space<hbm>>) target_semaphore(%arg28 : memref<!tpu.dma_semaphore, #tpu.memory_space<semaphore_mem>>)
      %slice3A_496 = vector.extract_strided_slice %get3A_353 {offsets = [13], sizes = [1], strides = [1]} : vector<16xi32> to vector<1xi32>
      %squeeze3A_497 = vector.extract %slice3A_496[0] : i32 from vector<1xi32>
      %mul3A_498 = arith.constant 16 : i32
      %mul3A_499 = arith.muli %scan3A_349, %mul3A_498 : i32
      %add3A_500 = arith.addi %mul3A_2, %mul3A_499 : i32
      %add3A_501 = arith.constant 13 : i32
      %add3A_502 = arith.addi %add3A_500, %add3A_501 : i32
      %dma_start3A_503 = arith.constant 0 : i32
      %dma_start3A_504 = tpu.memref_slice %arg9[%add3A_502, %dma_start3A_503] : memref<16384x64xf32, #tpu.memory_space<hbm>> -> memref<1x64xf32, #tpu.memory_space<hbm>>
      %dma_start3A_505 = arith.constant 0 : i32
      %dma_start3A_506 = tpu.memref_slice %arg3[%squeeze3A_497, %dma_start3A_505] : memref<1000000x64xf32, #tpu.memory_space<hbm>> -> memref<1x64xf32, #tpu.memory_space<hbm>>
      tpu.enqueue_dma source(%dma_start3A_506 : memref<1x64xf32, #tpu.memory_space<hbm>>) target(%dma_start3A_504 : memref<1x64xf32, #tpu.memory_space<hbm>>) target_semaphore(%arg29 : memref<!tpu.dma_semaphore, #tpu.memory_space<semaphore_mem>>)
      %slice3A_507 = vector.extract_strided_slice %get3A_353 {offsets = [14], sizes = [1], strides = [1]} : vector<16xi32> to vector<1xi32>
      %squeeze3A_508 = vector.extract %slice3A_507[0] : i32 from vector<1xi32>
      %mul3A_509 = arith.constant 16 : i32
      %mul3A_510 = arith.muli %scan3A_349, %mul3A_509 : i32
      %add3A_511 = arith.addi %mul3A_2, %mul3A_510 : i32
      %add3A_512 = arith.constant 14 : i32
      %add3A_513 = arith.addi %add3A_511, %add3A_512 : i32
      %dma_start3A_514 = arith.constant 0 : i32
      %dma_start3A_515 = tpu.memref_slice %arg9[%add3A_513, %dma_start3A_514] : memref<16384x64xf32, #tpu.memory_space<hbm>> -> memref<1x64xf32, #tpu.memory_space<hbm>>
      %dma_start3A_516 = arith.constant 0 : i32
      %dma_start3A_517 = tpu.memref_slice %arg3[%squeeze3A_508, %dma_start3A_516] : memref<1000000x64xf32, #tpu.memory_space<hbm>> -> memref<1x64xf32, #tpu.memory_space<hbm>>
      tpu.enqueue_dma source(%dma_start3A_517 : memref<1x64xf32, #tpu.memory_space<hbm>>) target(%dma_start3A_515 : memref<1x64xf32, #tpu.memory_space<hbm>>) target_semaphore(%arg30 : memref<!tpu.dma_semaphore, #tpu.memory_space<semaphore_mem>>)
      %slice3A_518 = vector.extract_strided_slice %get3A_353 {offsets = [15], sizes = [1], strides = [1]} : vector<16xi32> to vector<1xi32>
      %squeeze3A_519 = vector.extract %slice3A_518[0] : i32 from vector<1xi32>
      %mul3A_520 = arith.constant 16 : i32
      %mul3A_521 = arith.muli %scan3A_349, %mul3A_520 : i32
      %add3A_522 = arith.addi %mul3A_2, %mul3A_521 : i32
      %add3A_523 = arith.constant 15 : i32
      %add3A_524 = arith.addi %add3A_522, %add3A_523 : i32
      %dma_start3A_525 = arith.constant 0 : i32
      %dma_start3A_526 = tpu.memref_slice %arg9[%add3A_524, %dma_start3A_525] : memref<16384x64xf32, #tpu.memory_space<hbm>> -> memref<1x64xf32, #tpu.memory_space<hbm>>
      %dma_start3A_527 = arith.constant 0 : i32
      %dma_start3A_528 = tpu.memref_slice %arg3[%squeeze3A_519, %dma_start3A_527] : memref<1000000x64xf32, #tpu.memory_space<hbm>> -> memref<1x64xf32, #tpu.memory_space<hbm>>
      tpu.enqueue_dma source(%dma_start3A_528 : memref<1x64xf32, #tpu.memory_space<hbm>>) target(%dma_start3A_526 : memref<1x64xf32, #tpu.memory_space<hbm>>) target_semaphore(%arg31 : memref<!tpu.dma_semaphore, #tpu.memory_space<semaphore_mem>>)
      %scan3A_529 = arith.constant 0 : i32
      scf.yield %scan3A_529 : i32
    }
    %scan3A_94 = arith.constant 32 : i32
    %dma_wait3A_95 = arith.constant 0 : i32
    %dma_wait3A_96 = tpu.memref_slice %arg9[%mul3A_2, %dma_wait3A_95] : memref<16384x64xf32, #tpu.memory_space<hbm>> -> memref<1x64xf32, #tpu.memory_space<hbm>>
    %dma_wait3A_97 = arith.constant 0 : i32
    %dma_wait3A_98 = arith.constant 0 : i32
    %dma_wait3A_99 = tpu.memref_slice %arg3[%dma_wait3A_97, %dma_wait3A_98] : memref<1000000x64xf32, #tpu.memory_space<hbm>> -> memref<1x64xf32, #tpu.memory_space<hbm>>
    tpu.wait_dma2 semaphore(%arg16 : memref<!tpu.dma_semaphore, #tpu.memory_space<semaphore_mem>>) src(%dma_wait3A_99 : memref<1x64xf32, #tpu.memory_space<hbm>>) dst(%dma_wait3A_96 : memref<1x64xf32, #tpu.memory_space<hbm>>)
    %dma_wait3A_100 = arith.constant 0 : i32
    %dma_wait3A_101 = tpu.memref_slice %arg9[%mul3A_2, %dma_wait3A_100] : memref<16384x64xf32, #tpu.memory_space<hbm>> -> memref<1x64xf32, #tpu.memory_space<hbm>>
    %dma_wait3A_102 = arith.constant 0 : i32
    %dma_wait3A_103 = arith.constant 0 : i32
    %dma_wait3A_104 = tpu.memref_slice %arg3[%dma_wait3A_102, %dma_wait3A_103] : memref<1000000x64xf32, #tpu.memory_space<hbm>> -> memref<1x64xf32, #tpu.memory_space<hbm>>
    tpu.wait_dma2 semaphore(%arg17 : memref<!tpu.dma_semaphore, #tpu.memory_space<semaphore_mem>>) src(%dma_wait3A_104 : memref<1x64xf32, #tpu.memory_space<hbm>>) dst(%dma_wait3A_101 : memref<1x64xf32, #tpu.memory_space<hbm>>)
    %dma_wait3A_105 = arith.constant 0 : i32
    %dma_wait3A_106 = tpu.memref_slice %arg9[%mul3A_2, %dma_wait3A_105] : memref<16384x64xf32, #tpu.memory_space<hbm>> -> memref<1x64xf32, #tpu.memory_space<hbm>>
    %dma_wait3A_107 = arith.constant 0 : i32
    %dma_wait3A_108 = arith.constant 0 : i32
    %dma_wait3A_109 = tpu.memref_slice %arg3[%dma_wait3A_107, %dma_wait3A_108] : memref<1000000x64xf32, #tpu.memory_space<hbm>> -> memref<1x64xf32, #tpu.memory_space<hbm>>
    tpu.wait_dma2 semaphore(%arg18 : memref<!tpu.dma_semaphore, #tpu.memory_space<semaphore_mem>>) src(%dma_wait3A_109 : memref<1x64xf32, #tpu.memory_space<hbm>>) dst(%dma_wait3A_106 : memref<1x64xf32, #tpu.memory_space<hbm>>)
    %dma_wait3A_110 = arith.constant 0 : i32
    %dma_wait3A_111 = tpu.memref_slice %arg9[%mul3A_2, %dma_wait3A_110] : memref<16384x64xf32, #tpu.memory_space<hbm>> -> memref<1x64xf32, #tpu.memory_space<hbm>>
    %dma_wait3A_112 = arith.constant 0 : i32
    %dma_wait3A_113 = arith.constant 0 : i32
    %dma_wait3A_114 = tpu.memref_slice %arg3[%dma_wait3A_112, %dma_wait3A_113] : memref<1000000x64xf32, #tpu.memory_space<hbm>> -> memref<1x64xf32, #tpu.memory_space<hbm>>
    tpu.wait_dma2 semaphore(%arg19 : memref<!tpu.dma_semaphore, #tpu.memory_space<semaphore_mem>>) src(%dma_wait3A_114 : memref<1x64xf32, #tpu.memory_space<hbm>>) dst(%dma_wait3A_111 : memref<1x64xf32, #tpu.memory_space<hbm>>)
    %dma_wait3A_115 = arith.constant 0 : i32
    %dma_wait3A_116 = tpu.memref_slice %arg9[%mul3A_2, %dma_wait3A_115] : memref<16384x64xf32, #tpu.memory_space<hbm>> -> memref<1x64xf32, #tpu.memory_space<hbm>>
    %dma_wait3A_117 = arith.constant 0 : i32
    %dma_wait3A_118 = arith.constant 0 : i32
    %dma_wait3A_119 = tpu.memref_slice %arg3[%dma_wait3A_117, %dma_wait3A_118] : memref<1000000x64xf32, #tpu.memory_space<hbm>> -> memref<1x64xf32, #tpu.memory_space<hbm>>
    tpu.wait_dma2 semaphore(%arg20 : memref<!tpu.dma_semaphore, #tpu.memory_space<semaphore_mem>>) src(%dma_wait3A_119 : memref<1x64xf32, #tpu.memory_space<hbm>>) dst(%dma_wait3A_116 : memref<1x64xf32, #tpu.memory_space<hbm>>)
    %dma_wait3A_120 = arith.constant 0 : i32
    %dma_wait3A_121 = tpu.memref_slice %arg9[%mul3A_2, %dma_wait3A_120] : memref<16384x64xf32, #tpu.memory_space<hbm>> -> memref<1x64xf32, #tpu.memory_space<hbm>>
    %dma_wait3A_122 = arith.constant 0 : i32
    %dma_wait3A_123 = arith.constant 0 : i32
    %dma_wait3A_124 = tpu.memref_slice %arg3[%dma_wait3A_122, %dma_wait3A_123] : memref<1000000x64xf32, #tpu.memory_space<hbm>> -> memref<1x64xf32, #tpu.memory_space<hbm>>
    tpu.wait_dma2 semaphore(%arg21 : memref<!tpu.dma_semaphore, #tpu.memory_space<semaphore_mem>>) src(%dma_wait3A_124 : memref<1x64xf32, #tpu.memory_space<hbm>>) dst(%dma_wait3A_121 : memref<1x64xf32, #tpu.memory_space<hbm>>)
    %dma_wait3A_125 = arith.constant 0 : i32
    %dma_wait3A_126 = tpu.memref_slice %arg9[%mul3A_2, %dma_wait3A_125] : memref<16384x64xf32, #tpu.memory_space<hbm>> -> memref<1x64xf32, #tpu.memory_space<hbm>>
    %dma_wait3A_127 = arith.constant 0 : i32
    %dma_wait3A_128 = arith.constant 0 : i32
    %dma_wait3A_129 = tpu.memref_slice %arg3[%dma_wait3A_127, %dma_wait3A_128] : memref<1000000x64xf32, #tpu.memory_space<hbm>> -> memref<1x64xf32, #tpu.memory_space<hbm>>
    tpu.wait_dma2 semaphore(%arg22 : memref<!tpu.dma_semaphore, #tpu.memory_space<semaphore_mem>>) src(%dma_wait3A_129 : memref<1x64xf32, #tpu.memory_space<hbm>>) dst(%dma_wait3A_126 : memref<1x64xf32, #tpu.memory_space<hbm>>)
    %dma_wait3A_130 = arith.constant 0 : i32
    %dma_wait3A_131 = tpu.memref_slice %arg9[%mul3A_2, %dma_wait3A_130] : memref<16384x64xf32, #tpu.memory_space<hbm>> -> memref<1x64xf32, #tpu.memory_space<hbm>>
    %dma_wait3A_132 = arith.constant 0 : i32
    %dma_wait3A_133 = arith.constant 0 : i32
    %dma_wait3A_134 = tpu.memref_slice %arg3[%dma_wait3A_132, %dma_wait3A_133] : memref<1000000x64xf32, #tpu.memory_space<hbm>> -> memref<1x64xf32, #tpu.memory_space<hbm>>
    tpu.wait_dma2 semaphore(%arg23 : memref<!tpu.dma_semaphore, #tpu.memory_space<semaphore_mem>>) src(%dma_wait3A_134 : memref<1x64xf32, #tpu.memory_space<hbm>>) dst(%dma_wait3A_131 : memref<1x64xf32, #tpu.memory_space<hbm>>)
    %dma_wait3A_135 = arith.constant 0 : i32
    %dma_wait3A_136 = tpu.memref_slice %arg9[%mul3A_2, %dma_wait3A_135] : memref<16384x64xf32, #tpu.memory_space<hbm>> -> memref<1x64xf32, #tpu.memory_space<hbm>>
    %dma_wait3A_137 = arith.constant 0 : i32
    %dma_wait3A_138 = arith.constant 0 : i32
    %dma_wait3A_139 = tpu.memref_slice %arg3[%dma_wait3A_137, %dma_wait3A_138] : memref<1000000x64xf32, #tpu.memory_space<hbm>> -> memref<1x64xf32, #tpu.memory_space<hbm>>
    tpu.wait_dma2 semaphore(%arg24 : memref<!tpu.dma_semaphore, #tpu.memory_space<semaphore_mem>>) src(%dma_wait3A_139 : memref<1x64xf32, #tpu.memory_space<hbm>>) dst(%dma_wait3A_136 : memref<1x64xf32, #tpu.memory_space<hbm>>)
    %dma_wait3A_140 = arith.constant 0 : i32
    %dma_wait3A_141 = tpu.memref_slice %arg9[%mul3A_2, %dma_wait3A_140] : memref<16384x64xf32, #tpu.memory_space<hbm>> -> memref<1x64xf32, #tpu.memory_space<hbm>>
    %dma_wait3A_142 = arith.constant 0 : i32
    %dma_wait3A_143 = arith.constant 0 : i32
    %dma_wait3A_144 = tpu.memref_slice %arg3[%dma_wait3A_142, %dma_wait3A_143] : memref<1000000x64xf32, #tpu.memory_space<hbm>> -> memref<1x64xf32, #tpu.memory_space<hbm>>
    tpu.wait_dma2 semaphore(%arg25 : memref<!tpu.dma_semaphore, #tpu.memory_space<semaphore_mem>>) src(%dma_wait3A_144 : memref<1x64xf32, #tpu.memory_space<hbm>>) dst(%dma_wait3A_141 : memref<1x64xf32, #tpu.memory_space<hbm>>)
    %dma_wait3A_145 = arith.constant 0 : i32
    %dma_wait3A_146 = tpu.memref_slice %arg9[%mul3A_2, %dma_wait3A_145] : memref<16384x64xf32, #tpu.memory_space<hbm>> -> memref<1x64xf32, #tpu.memory_space<hbm>>
    %dma_wait3A_147 = arith.constant 0 : i32
    %dma_wait3A_148 = arith.constant 0 : i32
    %dma_wait3A_149 = tpu.memref_slice %arg3[%dma_wait3A_147, %dma_wait3A_148] : memref<1000000x64xf32, #tpu.memory_space<hbm>> -> memref<1x64xf32, #tpu.memory_space<hbm>>
    tpu.wait_dma2 semaphore(%arg26 : memref<!tpu.dma_semaphore, #tpu.memory_space<semaphore_mem>>) src(%dma_wait3A_149 : memref<1x64xf32, #tpu.memory_space<hbm>>) dst(%dma_wait3A_146 : memref<1x64xf32, #tpu.memory_space<hbm>>)
    %dma_wait3A_150 = arith.constant 0 : i32
    %dma_wait3A_151 = tpu.memref_slice %arg9[%mul3A_2, %dma_wait3A_150] : memref<16384x64xf32, #tpu.memory_space<hbm>> -> memref<1x64xf32, #tpu.memory_space<hbm>>
    %dma_wait3A_152 = arith.constant 0 : i32
    %dma_wait3A_153 = arith.constant 0 : i32
    %dma_wait3A_154 = tpu.memref_slice %arg3[%dma_wait3A_152, %dma_wait3A_153] : memref<1000000x64xf32, #tpu.memory_space<hbm>> -> memref<1x64xf32, #tpu.memory_space<hbm>>
    tpu.wait_dma2 semaphore(%arg27 : memref<!tpu.dma_semaphore, #tpu.memory_space<semaphore_mem>>) src(%dma_wait3A_154 : memref<1x64xf32, #tpu.memory_space<hbm>>) dst(%dma_wait3A_151 : memref<1x64xf32, #tpu.memory_space<hbm>>)
    %dma_wait3A_155 = arith.constant 0 : i32
    %dma_wait3A_156 = tpu.memref_slice %arg9[%mul3A_2, %dma_wait3A_155] : memref<16384x64xf32, #tpu.memory_space<hbm>> -> memref<1x64xf32, #tpu.memory_space<hbm>>
    %dma_wait3A_157 = arith.constant 0 : i32
    %dma_wait3A_158 = arith.constant 0 : i32
    %dma_wait3A_159 = tpu.memref_slice %arg3[%dma_wait3A_157, %dma_wait3A_158] : memref<1000000x64xf32, #tpu.memory_space<hbm>> -> memref<1x64xf32, #tpu.memory_space<hbm>>
    tpu.wait_dma2 semaphore(%arg28 : memref<!tpu.dma_semaphore, #tpu.memory_space<semaphore_mem>>) src(%dma_wait3A_159 : memref<1x64xf32, #tpu.memory_space<hbm>>) dst(%dma_wait3A_156 : memref<1x64xf32, #tpu.memory_space<hbm>>)
    %dma_wait3A_160 = arith.constant 0 : i32
    %dma_wait3A_161 = tpu.memref_slice %arg9[%mul3A_2, %dma_wait3A_160] : memref<16384x64xf32, #tpu.memory_space<hbm>> -> memref<1x64xf32, #tpu.memory_space<hbm>>
    %dma_wait3A_162 = arith.constant 0 : i32
    %dma_wait3A_163 = arith.constant 0 : i32
    %dma_wait3A_164 = tpu.memref_slice %arg3[%dma_wait3A_162, %dma_wait3A_163] : memref<1000000x64xf32, #tpu.memory_space<hbm>> -> memref<1x64xf32, #tpu.memory_space<hbm>>
    tpu.wait_dma2 semaphore(%arg29 : memref<!tpu.dma_semaphore, #tpu.memory_space<semaphore_mem>>) src(%dma_wait3A_164 : memref<1x64xf32, #tpu.memory_space<hbm>>) dst(%dma_wait3A_161 : memref<1x64xf32, #tpu.memory_space<hbm>>)
    %dma_wait3A_165 = arith.constant 0 : i32
    %dma_wait3A_166 = tpu.memref_slice %arg9[%mul3A_2, %dma_wait3A_165] : memref<16384x64xf32, #tpu.memory_space<hbm>> -> memref<1x64xf32, #tpu.memory_space<hbm>>
    %dma_wait3A_167 = arith.constant 0 : i32
    %dma_wait3A_168 = arith.constant 0 : i32
    %dma_wait3A_169 = tpu.memref_slice %arg3[%dma_wait3A_167, %dma_wait3A_168] : memref<1000000x64xf32, #tpu.memory_space<hbm>> -> memref<1x64xf32, #tpu.memory_space<hbm>>
    tpu.wait_dma2 semaphore(%arg30 : memref<!tpu.dma_semaphore, #tpu.memory_space<semaphore_mem>>) src(%dma_wait3A_169 : memref<1x64xf32, #tpu.memory_space<hbm>>) dst(%dma_wait3A_166 : memref<1x64xf32, #tpu.memory_space<hbm>>)
    %dma_wait3A_170 = arith.constant 0 : i32
    %dma_wait3A_171 = tpu.memref_slice %arg9[%mul3A_2, %dma_wait3A_170] : memref<16384x64xf32, #tpu.memory_space<hbm>> -> memref<1x64xf32, #tpu.memory_space<hbm>>
    %dma_wait3A_172 = arith.constant 0 : i32
    %dma_wait3A_173 = arith.constant 0 : i32
    %dma_wait3A_174 = tpu.memref_slice %arg3[%dma_wait3A_172, %dma_wait3A_173] : memref<1000000x64xf32, #tpu.memory_space<hbm>> -> memref<1x64xf32, #tpu.memory_space<hbm>>
    tpu.wait_dma2 semaphore(%arg31 : memref<!tpu.dma_semaphore, #tpu.memory_space<semaphore_mem>>) src(%dma_wait3A_174 : memref<1x64xf32, #tpu.memory_space<hbm>>) dst(%dma_wait3A_171 : memref<1x64xf32, #tpu.memory_space<hbm>>)
    %scan3A_175 = arith.constant 0 : i32
    %scan3A_176 = arith.constant 0 : i32
    %scan3A_177 = arith.constant 32 : i32
    %scan3A_178 = arith.addi %scan3A_176, %scan3A_177 : i32
    %scan3A_179 = arith.constant 1 : i32
    %scan3A_180 = scf.for %scan3A_349 = %scan3A_176 to %scan3A_178 step %scan3A_179 iter_args(%scan3A_350 = %scan3A_175) -> (i32)  : i32 {
      %mul3A_351 = arith.constant 16 : i32
      %mul3A_352 = arith.muli %scan3A_349, %mul3A_351 : i32
      %get3A = arith.index_cast %mul3A_352 : i32 to index
      %get3A_353 = tpu.vector_load %arg14[%get3A] {strides = array<i32>} : memref<512xi32, #tpu.memory_space<vmem>>, vector<16xi32>,
      %gt3A = arith.constant 0 : i32
      %gt3A_354 = arith.cmpi sgt, %scan3A_349, %gt3A : i32
      %convert_element_type3A = arith.extui %gt3A_354 : i1 to i32
      %cond3A = arith.constant 0 : i32
      %cond3A_355 = arith.cmpi ne, %convert_element_type3A, %cond3A : i32
      scf.if %cond3A_355 {
        %dma_wait3A_530 = arith.constant 0 : i32
        %dma_wait3A_531 = tpu.memref_slice %arg10[%mul3A_2, %dma_wait3A_530] : memref<16384x64xf32, #tpu.memory_space<hbm>> -> memref<1x64xf32, #tpu.memory_space<hbm>>
        %dma_wait3A_532 = arith.constant 0 : i32
        %dma_wait3A_533 = arith.constant 0 : i32
        %dma_wait3A_534 = tpu.memref_slice %arg3[%dma_wait3A_532, %dma_wait3A_533] : memref<1000000x64xf32, #tpu.memory_space<hbm>> -> memref<1x64xf32, #tpu.memory_space<hbm>>
        tpu.wait_dma2 semaphore(%arg16 : memref<!tpu.dma_semaphore, #tpu.memory_space<semaphore_mem>>) src(%dma_wait3A_534 : memref<1x64xf32, #tpu.memory_space<hbm>>) dst(%dma_wait3A_531 : memref<1x64xf32, #tpu.memory_space<hbm>>)
        %dma_wait3A_535 = arith.constant 0 : i32
        %dma_wait3A_536 = tpu.memref_slice %arg10[%mul3A_2, %dma_wait3A_535] : memref<16384x64xf32, #tpu.memory_space<hbm>> -> memref<1x64xf32, #tpu.memory_space<hbm>>
        %dma_wait3A_537 = arith.constant 0 : i32
        %dma_wait3A_538 = arith.constant 0 : i32
        %dma_wait3A_539 = tpu.memref_slice %arg3[%dma_wait3A_537, %dma_wait3A_538] : memref<1000000x64xf32, #tpu.memory_space<hbm>> -> memref<1x64xf32, #tpu.memory_space<hbm>>
        tpu.wait_dma2 semaphore(%arg17 : memref<!tpu.dma_semaphore, #tpu.memory_space<semaphore_mem>>) src(%dma_wait3A_539 : memref<1x64xf32, #tpu.memory_space<hbm>>) dst(%dma_wait3A_536 : memref<1x64xf32, #tpu.memory_space<hbm>>)
        %dma_wait3A_540 = arith.constant 0 : i32
        %dma_wait3A_541 = tpu.memref_slice %arg10[%mul3A_2, %dma_wait3A_540] : memref<16384x64xf32, #tpu.memory_space<hbm>> -> memref<1x64xf32, #tpu.memory_space<hbm>>
        %dma_wait3A_542 = arith.constant 0 : i32
        %dma_wait3A_543 = arith.constant 0 : i32
        %dma_wait3A_544 = tpu.memref_slice %arg3[%dma_wait3A_542, %dma_wait3A_543] : memref<1000000x64xf32, #tpu.memory_space<hbm>> -> memref<1x64xf32, #tpu.memory_space<hbm>>
        tpu.wait_dma2 semaphore(%arg18 : memref<!tpu.dma_semaphore, #tpu.memory_space<semaphore_mem>>) src(%dma_wait3A_544 : memref<1x64xf32, #tpu.memory_space<hbm>>) dst(%dma_wait3A_541 : memref<1x64xf32, #tpu.memory_space<hbm>>)
        %dma_wait3A_545 = arith.constant 0 : i32
        %dma_wait3A_546 = tpu.memref_slice %arg10[%mul3A_2, %dma_wait3A_545] : memref<16384x64xf32, #tpu.memory_space<hbm>> -> memref<1x64xf32, #tpu.memory_space<hbm>>
        %dma_wait3A_547 = arith.constant 0 : i32
        %dma_wait3A_548 = arith.constant 0 : i32
        %dma_wait3A_549 = tpu.memref_slice %arg3[%dma_wait3A_547, %dma_wait3A_548] : memref<1000000x64xf32, #tpu.memory_space<hbm>> -> memref<1x64xf32, #tpu.memory_space<hbm>>
        tpu.wait_dma2 semaphore(%arg19 : memref<!tpu.dma_semaphore, #tpu.memory_space<semaphore_mem>>) src(%dma_wait3A_549 : memref<1x64xf32, #tpu.memory_space<hbm>>) dst(%dma_wait3A_546 : memref<1x64xf32, #tpu.memory_space<hbm>>)
        %dma_wait3A_550 = arith.constant 0 : i32
        %dma_wait3A_551 = tpu.memref_slice %arg10[%mul3A_2, %dma_wait3A_550] : memref<16384x64xf32, #tpu.memory_space<hbm>> -> memref<1x64xf32, #tpu.memory_space<hbm>>
        %dma_wait3A_552 = arith.constant 0 : i32
        %dma_wait3A_553 = arith.constant 0 : i32
        %dma_wait3A_554 = tpu.memref_slice %arg3[%dma_wait3A_552, %dma_wait3A_553] : memref<1000000x64xf32, #tpu.memory_space<hbm>> -> memref<1x64xf32, #tpu.memory_space<hbm>>
        tpu.wait_dma2 semaphore(%arg20 : memref<!tpu.dma_semaphore, #tpu.memory_space<semaphore_mem>>) src(%dma_wait3A_554 : memref<1x64xf32, #tpu.memory_space<hbm>>) dst(%dma_wait3A_551 : memref<1x64xf32, #tpu.memory_space<hbm>>)
        %dma_wait3A_555 = arith.constant 0 : i32
        %dma_wait3A_556 = tpu.memref_slice %arg10[%mul3A_2, %dma_wait3A_555] : memref<16384x64xf32, #tpu.memory_space<hbm>> -> memref<1x64xf32, #tpu.memory_space<hbm>>
        %dma_wait3A_557 = arith.constant 0 : i32
        %dma_wait3A_558 = arith.constant 0 : i32
        %dma_wait3A_559 = tpu.memref_slice %arg3[%dma_wait3A_557, %dma_wait3A_558] : memref<1000000x64xf32, #tpu.memory_space<hbm>> -> memref<1x64xf32, #tpu.memory_space<hbm>>
        tpu.wait_dma2 semaphore(%arg21 : memref<!tpu.dma_semaphore, #tpu.memory_space<semaphore_mem>>) src(%dma_wait3A_559 : memref<1x64xf32, #tpu.memory_space<hbm>>) dst(%dma_wait3A_556 : memref<1x64xf32, #tpu.memory_space<hbm>>)
        %dma_wait3A_560 = arith.constant 0 : i32
        %dma_wait3A_561 = tpu.memref_slice %arg10[%mul3A_2, %dma_wait3A_560] : memref<16384x64xf32, #tpu.memory_space<hbm>> -> memref<1x64xf32, #tpu.memory_space<hbm>>
        %dma_wait3A_562 = arith.constant 0 : i32
        %dma_wait3A_563 = arith.constant 0 : i32
        %dma_wait3A_564 = tpu.memref_slice %arg3[%dma_wait3A_562, %dma_wait3A_563] : memref<1000000x64xf32, #tpu.memory_space<hbm>> -> memref<1x64xf32, #tpu.memory_space<hbm>>
        tpu.wait_dma2 semaphore(%arg22 : memref<!tpu.dma_semaphore, #tpu.memory_space<semaphore_mem>>) src(%dma_wait3A_564 : memref<1x64xf32, #tpu.memory_space<hbm>>) dst(%dma_wait3A_561 : memref<1x64xf32, #tpu.memory_space<hbm>>)
        %dma_wait3A_565 = arith.constant 0 : i32
        %dma_wait3A_566 = tpu.memref_slice %arg10[%mul3A_2, %dma_wait3A_565] : memref<16384x64xf32, #tpu.memory_space<hbm>> -> memref<1x64xf32, #tpu.memory_space<hbm>>
        %dma_wait3A_567 = arith.constant 0 : i32
        %dma_wait3A_568 = arith.constant 0 : i32
        %dma_wait3A_569 = tpu.memref_slice %arg3[%dma_wait3A_567, %dma_wait3A_568] : memref<1000000x64xf32, #tpu.memory_space<hbm>> -> memref<1x64xf32, #tpu.memory_space<hbm>>
        tpu.wait_dma2 semaphore(%arg23 : memref<!tpu.dma_semaphore, #tpu.memory_space<semaphore_mem>>) src(%dma_wait3A_569 : memref<1x64xf32, #tpu.memory_space<hbm>>) dst(%dma_wait3A_566 : memref<1x64xf32, #tpu.memory_space<hbm>>)
        %dma_wait3A_570 = arith.constant 0 : i32
        %dma_wait3A_571 = tpu.memref_slice %arg10[%mul3A_2, %dma_wait3A_570] : memref<16384x64xf32, #tpu.memory_space<hbm>> -> memref<1x64xf32, #tpu.memory_space<hbm>>
        %dma_wait3A_572 = arith.constant 0 : i32
        %dma_wait3A_573 = arith.constant 0 : i32
        %dma_wait3A_574 = tpu.memref_slice %arg3[%dma_wait3A_572, %dma_wait3A_573] : memref<1000000x64xf32, #tpu.memory_space<hbm>> -> memref<1x64xf32, #tpu.memory_space<hbm>>
        tpu.wait_dma2 semaphore(%arg24 : memref<!tpu.dma_semaphore, #tpu.memory_space<semaphore_mem>>) src(%dma_wait3A_574 : memref<1x64xf32, #tpu.memory_space<hbm>>) dst(%dma_wait3A_571 : memref<1x64xf32, #tpu.memory_space<hbm>>)
        %dma_wait3A_575 = arith.constant 0 : i32
        %dma_wait3A_576 = tpu.memref_slice %arg10[%mul3A_2, %dma_wait3A_575] : memref<16384x64xf32, #tpu.memory_space<hbm>> -> memref<1x64xf32, #tpu.memory_space<hbm>>
        %dma_wait3A_577 = arith.constant 0 : i32
        %dma_wait3A_578 = arith.constant 0 : i32
        %dma_wait3A_579 = tpu.memref_slice %arg3[%dma_wait3A_577, %dma_wait3A_578] : memref<1000000x64xf32, #tpu.memory_space<hbm>> -> memref<1x64xf32, #tpu.memory_space<hbm>>
        tpu.wait_dma2 semaphore(%arg25 : memref<!tpu.dma_semaphore, #tpu.memory_space<semaphore_mem>>) src(%dma_wait3A_579 : memref<1x64xf32, #tpu.memory_space<hbm>>) dst(%dma_wait3A_576 : memref<1x64xf32, #tpu.memory_space<hbm>>)
        %dma_wait3A_580 = arith.constant 0 : i32
        %dma_wait3A_581 = tpu.memref_slice %arg10[%mul3A_2, %dma_wait3A_580] : memref<16384x64xf32, #tpu.memory_space<hbm>> -> memref<1x64xf32, #tpu.memory_space<hbm>>
        %dma_wait3A_582 = arith.constant 0 : i32
        %dma_wait3A_583 = arith.constant 0 : i32
        %dma_wait3A_584 = tpu.memref_slice %arg3[%dma_wait3A_582, %dma_wait3A_583] : memref<1000000x64xf32, #tpu.memory_space<hbm>> -> memref<1x64xf32, #tpu.memory_space<hbm>>
        tpu.wait_dma2 semaphore(%arg26 : memref<!tpu.dma_semaphore, #tpu.memory_space<semaphore_mem>>) src(%dma_wait3A_584 : memref<1x64xf32, #tpu.memory_space<hbm>>) dst(%dma_wait3A_581 : memref<1x64xf32, #tpu.memory_space<hbm>>)
        %dma_wait3A_585 = arith.constant 0 : i32
        %dma_wait3A_586 = tpu.memref_slice %arg10[%mul3A_2, %dma_wait3A_585] : memref<16384x64xf32, #tpu.memory_space<hbm>> -> memref<1x64xf32, #tpu.memory_space<hbm>>
        %dma_wait3A_587 = arith.constant 0 : i32
        %dma_wait3A_588 = arith.constant 0 : i32
        %dma_wait3A_589 = tpu.memref_slice %arg3[%dma_wait3A_587, %dma_wait3A_588] : memref<1000000x64xf32, #tpu.memory_space<hbm>> -> memref<1x64xf32, #tpu.memory_space<hbm>>
        tpu.wait_dma2 semaphore(%arg27 : memref<!tpu.dma_semaphore, #tpu.memory_space<semaphore_mem>>) src(%dma_wait3A_589 : memref<1x64xf32, #tpu.memory_space<hbm>>) dst(%dma_wait3A_586 : memref<1x64xf32, #tpu.memory_space<hbm>>)
        %dma_wait3A_590 = arith.constant 0 : i32
        %dma_wait3A_591 = tpu.memref_slice %arg10[%mul3A_2, %dma_wait3A_590] : memref<16384x64xf32, #tpu.memory_space<hbm>> -> memref<1x64xf32, #tpu.memory_space<hbm>>
        %dma_wait3A_592 = arith.constant 0 : i32
        %dma_wait3A_593 = arith.constant 0 : i32
        %dma_wait3A_594 = tpu.memref_slice %arg3[%dma_wait3A_592, %dma_wait3A_593] : memref<1000000x64xf32, #tpu.memory_space<hbm>> -> memref<1x64xf32, #tpu.memory_space<hbm>>
        tpu.wait_dma2 semaphore(%arg28 : memref<!tpu.dma_semaphore, #tpu.memory_space<semaphore_mem>>) src(%dma_wait3A_594 : memref<1x64xf32, #tpu.memory_space<hbm>>) dst(%dma_wait3A_591 : memref<1x64xf32, #tpu.memory_space<hbm>>)
        %dma_wait3A_595 = arith.constant 0 : i32
        %dma_wait3A_596 = tpu.memref_slice %arg10[%mul3A_2, %dma_wait3A_595] : memref<16384x64xf32, #tpu.memory_space<hbm>> -> memref<1x64xf32, #tpu.memory_space<hbm>>
        %dma_wait3A_597 = arith.constant 0 : i32
        %dma_wait3A_598 = arith.constant 0 : i32
        %dma_wait3A_599 = tpu.memref_slice %arg3[%dma_wait3A_597, %dma_wait3A_598] : memref<1000000x64xf32, #tpu.memory_space<hbm>> -> memref<1x64xf32, #tpu.memory_space<hbm>>
        tpu.wait_dma2 semaphore(%arg29 : memref<!tpu.dma_semaphore, #tpu.memory_space<semaphore_mem>>) src(%dma_wait3A_599 : memref<1x64xf32, #tpu.memory_space<hbm>>) dst(%dma_wait3A_596 : memref<1x64xf32, #tpu.memory_space<hbm>>)
        %dma_wait3A_600 = arith.constant 0 : i32
        %dma_wait3A_601 = tpu.memref_slice %arg10[%mul3A_2, %dma_wait3A_600] : memref<16384x64xf32, #tpu.memory_space<hbm>> -> memref<1x64xf32, #tpu.memory_space<hbm>>
        %dma_wait3A_602 = arith.constant 0 : i32
        %dma_wait3A_603 = arith.constant 0 : i32
        %dma_wait3A_604 = tpu.memref_slice %arg3[%dma_wait3A_602, %dma_wait3A_603] : memref<1000000x64xf32, #tpu.memory_space<hbm>> -> memref<1x64xf32, #tpu.memory_space<hbm>>
        tpu.wait_dma2 semaphore(%arg30 : memref<!tpu.dma_semaphore, #tpu.memory_space<semaphore_mem>>) src(%dma_wait3A_604 : memref<1x64xf32, #tpu.memory_space<hbm>>) dst(%dma_wait3A_601 : memref<1x64xf32, #tpu.memory_space<hbm>>)
        %dma_wait3A_605 = arith.constant 0 : i32
        %dma_wait3A_606 = tpu.memref_slice %arg10[%mul3A_2, %dma_wait3A_605] : memref<16384x64xf32, #tpu.memory_space<hbm>> -> memref<1x64xf32, #tpu.memory_space<hbm>>
        %dma_wait3A_607 = arith.constant 0 : i32
        %dma_wait3A_608 = arith.constant 0 : i32
        %dma_wait3A_609 = tpu.memref_slice %arg3[%dma_wait3A_607, %dma_wait3A_608] : memref<1000000x64xf32, #tpu.memory_space<hbm>> -> memref<1x64xf32, #tpu.memory_space<hbm>>
        tpu.wait_dma2 semaphore(%arg31 : memref<!tpu.dma_semaphore, #tpu.memory_space<semaphore_mem>>) src(%dma_wait3A_609 : memref<1x64xf32, #tpu.memory_space<hbm>>) dst(%dma_wait3A_606 : memref<1x64xf32, #tpu.memory_space<hbm>>)
      } else {
      }
      %slice3A = vector.extract_strided_slice %get3A_353 {offsets = [0], sizes = [1], strides = [1]} : vector<16xi32> to vector<1xi32>
      %squeeze3A = vector.extract %slice3A[0] : i32 from vector<1xi32>
      %mul3A_356 = arith.constant 16 : i32
      %mul3A_357 = arith.muli %scan3A_349, %mul3A_356 : i32
      %add3A_358 = arith.addi %mul3A_2, %mul3A_357 : i32
      %add3A_359 = arith.constant 0 : i32
      %add3A_360 = arith.addi %add3A_358, %add3A_359 : i32
      %dma_start3A = arith.constant 0 : i32
      %dma_start3A_361 = tpu.memref_slice %arg10[%add3A_360, %dma_start3A] : memref<16384x64xf32, #tpu.memory_space<hbm>> -> memref<1x64xf32, #tpu.memory_space<hbm>>
      %dma_start3A_362 = arith.constant 0 : i32
      %dma_start3A_363 = tpu.memref_slice %arg3[%squeeze3A, %dma_start3A_362] : memref<1000000x64xf32, #tpu.memory_space<hbm>> -> memref<1x64xf32, #tpu.memory_space<hbm>>
      tpu.enqueue_dma source(%dma_start3A_363 : memref<1x64xf32, #tpu.memory_space<hbm>>) target(%dma_start3A_361 : memref<1x64xf32, #tpu.memory_space<hbm>>) target_semaphore(%arg16 : memref<!tpu.dma_semaphore, #tpu.memory_space<semaphore_mem>>)
      %slice3A_364 = vector.extract_strided_slice %get3A_353 {offsets = [1], sizes = [1], strides = [1]} : vector<16xi32> to vector<1xi32>
      %squeeze3A_365 = vector.extract %slice3A_364[0] : i32 from vector<1xi32>
      %mul3A_366 = arith.constant 16 : i32
      %mul3A_367 = arith.muli %scan3A_349, %mul3A_366 : i32
      %add3A_368 = arith.addi %mul3A_2, %mul3A_367 : i32
      %add3A_369 = arith.constant 1 : i32
      %add3A_370 = arith.addi %add3A_368, %add3A_369 : i32
      %dma_start3A_371 = arith.constant 0 : i32
      %dma_start3A_372 = tpu.memref_slice %arg10[%add3A_370, %dma_start3A_371] : memref<16384x64xf32, #tpu.memory_space<hbm>> -> memref<1x64xf32, #tpu.memory_space<hbm>>
      %dma_start3A_373 = arith.constant 0 : i32
      %dma_start3A_374 = tpu.memref_slice %arg3[%squeeze3A_365, %dma_start3A_373] : memref<1000000x64xf32, #tpu.memory_space<hbm>> -> memref<1x64xf32, #tpu.memory_space<hbm>>
      tpu.enqueue_dma source(%dma_start3A_374 : memref<1x64xf32, #tpu.memory_space<hbm>>) target(%dma_start3A_372 : memref<1x64xf32, #tpu.memory_space<hbm>>) target_semaphore(%arg17 : memref<!tpu.dma_semaphore, #tpu.memory_space<semaphore_mem>>)
      %slice3A_375 = vector.extract_strided_slice %get3A_353 {offsets = [2], sizes = [1], strides = [1]} : vector<16xi32> to vector<1xi32>
      %squeeze3A_376 = vector.extract %slice3A_375[0] : i32 from vector<1xi32>
      %mul3A_377 = arith.constant 16 : i32
      %mul3A_378 = arith.muli %scan3A_349, %mul3A_377 : i32
      %add3A_379 = arith.addi %mul3A_2, %mul3A_378 : i32
      %add3A_380 = arith.constant 2 : i32
      %add3A_381 = arith.addi %add3A_379, %add3A_380 : i32
      %dma_start3A_382 = arith.constant 0 : i32
      %dma_start3A_383 = tpu.memref_slice %arg10[%add3A_381, %dma_start3A_382] : memref<16384x64xf32, #tpu.memory_space<hbm>> -> memref<1x64xf32, #tpu.memory_space<hbm>>
      %dma_start3A_384 = arith.constant 0 : i32
      %dma_start3A_385 = tpu.memref_slice %arg3[%squeeze3A_376, %dma_start3A_384] : memref<1000000x64xf32, #tpu.memory_space<hbm>> -> memref<1x64xf32, #tpu.memory_space<hbm>>
      tpu.enqueue_dma source(%dma_start3A_385 : memref<1x64xf32, #tpu.memory_space<hbm>>) target(%dma_start3A_383 : memref<1x64xf32, #tpu.memory_space<hbm>>) target_semaphore(%arg18 : memref<!tpu.dma_semaphore, #tpu.memory_space<semaphore_mem>>)
      %slice3A_386 = vector.extract_strided_slice %get3A_353 {offsets = [3], sizes = [1], strides = [1]} : vector<16xi32> to vector<1xi32>
      %squeeze3A_387 = vector.extract %slice3A_386[0] : i32 from vector<1xi32>
      %mul3A_388 = arith.constant 16 : i32
      %mul3A_389 = arith.muli %scan3A_349, %mul3A_388 : i32
      %add3A_390 = arith.addi %mul3A_2, %mul3A_389 : i32
      %add3A_391 = arith.constant 3 : i32
      %add3A_392 = arith.addi %add3A_390, %add3A_391 : i32
      %dma_start3A_393 = arith.constant 0 : i32
      %dma_start3A_394 = tpu.memref_slice %arg10[%add3A_392, %dma_start3A_393] : memref<16384x64xf32, #tpu.memory_space<hbm>> -> memref<1x64xf32, #tpu.memory_space<hbm>>
      %dma_start3A_395 = arith.constant 0 : i32
      %dma_start3A_396 = tpu.memref_slice %arg3[%squeeze3A_387, %dma_start3A_395] : memref<1000000x64xf32, #tpu.memory_space<hbm>> -> memref<1x64xf32, #tpu.memory_space<hbm>>
      tpu.enqueue_dma source(%dma_start3A_396 : memref<1x64xf32, #tpu.memory_space<hbm>>) target(%dma_start3A_394 : memref<1x64xf32, #tpu.memory_space<hbm>>) target_semaphore(%arg19 : memref<!tpu.dma_semaphore, #tpu.memory_space<semaphore_mem>>)
      %slice3A_397 = vector.extract_strided_slice %get3A_353 {offsets = [4], sizes = [1], strides = [1]} : vector<16xi32> to vector<1xi32>
      %squeeze3A_398 = vector.extract %slice3A_397[0] : i32 from vector<1xi32>
      %mul3A_399 = arith.constant 16 : i32
      %mul3A_400 = arith.muli %scan3A_349, %mul3A_399 : i32
      %add3A_401 = arith.addi %mul3A_2, %mul3A_400 : i32
      %add3A_402 = arith.constant 4 : i32
      %add3A_403 = arith.addi %add3A_401, %add3A_402 : i32
      %dma_start3A_404 = arith.constant 0 : i32
      %dma_start3A_405 = tpu.memref_slice %arg10[%add3A_403, %dma_start3A_404] : memref<16384x64xf32, #tpu.memory_space<hbm>> -> memref<1x64xf32, #tpu.memory_space<hbm>>
      %dma_start3A_406 = arith.constant 0 : i32
      %dma_start3A_407 = tpu.memref_slice %arg3[%squeeze3A_398, %dma_start3A_406] : memref<1000000x64xf32, #tpu.memory_space<hbm>> -> memref<1x64xf32, #tpu.memory_space<hbm>>
      tpu.enqueue_dma source(%dma_start3A_407 : memref<1x64xf32, #tpu.memory_space<hbm>>) target(%dma_start3A_405 : memref<1x64xf32, #tpu.memory_space<hbm>>) target_semaphore(%arg20 : memref<!tpu.dma_semaphore, #tpu.memory_space<semaphore_mem>>)
      %slice3A_408 = vector.extract_strided_slice %get3A_353 {offsets = [5], sizes = [1], strides = [1]} : vector<16xi32> to vector<1xi32>
      %squeeze3A_409 = vector.extract %slice3A_408[0] : i32 from vector<1xi32>
      %mul3A_410 = arith.constant 16 : i32
      %mul3A_411 = arith.muli %scan3A_349, %mul3A_410 : i32
      %add3A_412 = arith.addi %mul3A_2, %mul3A_411 : i32
      %add3A_413 = arith.constant 5 : i32
      %add3A_414 = arith.addi %add3A_412, %add3A_413 : i32
      %dma_start3A_415 = arith.constant 0 : i32
      %dma_start3A_416 = tpu.memref_slice %arg10[%add3A_414, %dma_start3A_415] : memref<16384x64xf32, #tpu.memory_space<hbm>> -> memref<1x64xf32, #tpu.memory_space<hbm>>
      %dma_start3A_417 = arith.constant 0 : i32
      %dma_start3A_418 = tpu.memref_slice %arg3[%squeeze3A_409, %dma_start3A_417] : memref<1000000x64xf32, #tpu.memory_space<hbm>> -> memref<1x64xf32, #tpu.memory_space<hbm>>
      tpu.enqueue_dma source(%dma_start3A_418 : memref<1x64xf32, #tpu.memory_space<hbm>>) target(%dma_start3A_416 : memref<1x64xf32, #tpu.memory_space<hbm>>) target_semaphore(%arg21 : memref<!tpu.dma_semaphore, #tpu.memory_space<semaphore_mem>>)
      %slice3A_419 = vector.extract_strided_slice %get3A_353 {offsets = [6], sizes = [1], strides = [1]} : vector<16xi32> to vector<1xi32>
      %squeeze3A_420 = vector.extract %slice3A_419[0] : i32 from vector<1xi32>
      %mul3A_421 = arith.constant 16 : i32
      %mul3A_422 = arith.muli %scan3A_349, %mul3A_421 : i32
      %add3A_423 = arith.addi %mul3A_2, %mul3A_422 : i32
      %add3A_424 = arith.constant 6 : i32
      %add3A_425 = arith.addi %add3A_423, %add3A_424 : i32
      %dma_start3A_426 = arith.constant 0 : i32
      %dma_start3A_427 = tpu.memref_slice %arg10[%add3A_425, %dma_start3A_426] : memref<16384x64xf32, #tpu.memory_space<hbm>> -> memref<1x64xf32, #tpu.memory_space<hbm>>
      %dma_start3A_428 = arith.constant 0 : i32
      %dma_start3A_429 = tpu.memref_slice %arg3[%squeeze3A_420, %dma_start3A_428] : memref<1000000x64xf32, #tpu.memory_space<hbm>> -> memref<1x64xf32, #tpu.memory_space<hbm>>
      tpu.enqueue_dma source(%dma_start3A_429 : memref<1x64xf32, #tpu.memory_space<hbm>>) target(%dma_start3A_427 : memref<1x64xf32, #tpu.memory_space<hbm>>) target_semaphore(%arg22 : memref<!tpu.dma_semaphore, #tpu.memory_space<semaphore_mem>>)
      %slice3A_430 = vector.extract_strided_slice %get3A_353 {offsets = [7], sizes = [1], strides = [1]} : vector<16xi32> to vector<1xi32>
      %squeeze3A_431 = vector.extract %slice3A_430[0] : i32 from vector<1xi32>
      %mul3A_432 = arith.constant 16 : i32
      %mul3A_433 = arith.muli %scan3A_349, %mul3A_432 : i32
      %add3A_434 = arith.addi %mul3A_2, %mul3A_433 : i32
      %add3A_435 = arith.constant 7 : i32
      %add3A_436 = arith.addi %add3A_434, %add3A_435 : i32
      %dma_start3A_437 = arith.constant 0 : i32
      %dma_start3A_438 = tpu.memref_slice %arg10[%add3A_436, %dma_start3A_437] : memref<16384x64xf32, #tpu.memory_space<hbm>> -> memref<1x64xf32, #tpu.memory_space<hbm>>
      %dma_start3A_439 = arith.constant 0 : i32
      %dma_start3A_440 = tpu.memref_slice %arg3[%squeeze3A_431, %dma_start3A_439] : memref<1000000x64xf32, #tpu.memory_space<hbm>> -> memref<1x64xf32, #tpu.memory_space<hbm>>
      tpu.enqueue_dma source(%dma_start3A_440 : memref<1x64xf32, #tpu.memory_space<hbm>>) target(%dma_start3A_438 : memref<1x64xf32, #tpu.memory_space<hbm>>) target_semaphore(%arg23 : memref<!tpu.dma_semaphore, #tpu.memory_space<semaphore_mem>>)
      %slice3A_441 = vector.extract_strided_slice %get3A_353 {offsets = [8], sizes = [1], strides = [1]} : vector<16xi32> to vector<1xi32>
      %squeeze3A_442 = vector.extract %slice3A_441[0] : i32 from vector<1xi32>
      %mul3A_443 = arith.constant 16 : i32
      %mul3A_444 = arith.muli %scan3A_349, %mul3A_443 : i32
      %add3A_445 = arith.addi %mul3A_2, %mul3A_444 : i32
      %add3A_446 = arith.constant 8 : i32
      %add3A_447 = arith.addi %add3A_445, %add3A_446 : i32
      %dma_start3A_448 = arith.constant 0 : i32
      %dma_start3A_449 = tpu.memref_slice %arg10[%add3A_447, %dma_start3A_448] : memref<16384x64xf32, #tpu.memory_space<hbm>> -> memref<1x64xf32, #tpu.memory_space<hbm>>
      %dma_start3A_450 = arith.constant 0 : i32
      %dma_start3A_451 = tpu.memref_slice %arg3[%squeeze3A_442, %dma_start3A_450] : memref<1000000x64xf32, #tpu.memory_space<hbm>> -> memref<1x64xf32, #tpu.memory_space<hbm>>
      tpu.enqueue_dma source(%dma_start3A_451 : memref<1x64xf32, #tpu.memory_space<hbm>>) target(%dma_start3A_449 : memref<1x64xf32, #tpu.memory_space<hbm>>) target_semaphore(%arg24 : memref<!tpu.dma_semaphore, #tpu.memory_space<semaphore_mem>>)
      %slice3A_452 = vector.extract_strided_slice %get3A_353 {offsets = [9], sizes = [1], strides = [1]} : vector<16xi32> to vector<1xi32>
      %squeeze3A_453 = vector.extract %slice3A_452[0] : i32 from vector<1xi32>
      %mul3A_454 = arith.constant 16 : i32
      %mul3A_455 = arith.muli %scan3A_349, %mul3A_454 : i32
      %add3A_456 = arith.addi %mul3A_2, %mul3A_455 : i32
      %add3A_457 = arith.constant 9 : i32
      %add3A_458 = arith.addi %add3A_456, %add3A_457 : i32
      %dma_start3A_459 = arith.constant 0 : i32
      %dma_start3A_460 = tpu.memref_slice %arg10[%add3A_458, %dma_start3A_459] : memref<16384x64xf32, #tpu.memory_space<hbm>> -> memref<1x64xf32, #tpu.memory_space<hbm>>
      %dma_start3A_461 = arith.constant 0 : i32
      %dma_start3A_462 = tpu.memref_slice %arg3[%squeeze3A_453, %dma_start3A_461] : memref<1000000x64xf32, #tpu.memory_space<hbm>> -> memref<1x64xf32, #tpu.memory_space<hbm>>
      tpu.enqueue_dma source(%dma_start3A_462 : memref<1x64xf32, #tpu.memory_space<hbm>>) target(%dma_start3A_460 : memref<1x64xf32, #tpu.memory_space<hbm>>) target_semaphore(%arg25 : memref<!tpu.dma_semaphore, #tpu.memory_space<semaphore_mem>>)
      %slice3A_463 = vector.extract_strided_slice %get3A_353 {offsets = [10], sizes = [1], strides = [1]} : vector<16xi32> to vector<1xi32>
      %squeeze3A_464 = vector.extract %slice3A_463[0] : i32 from vector<1xi32>
      %mul3A_465 = arith.constant 16 : i32
      %mul3A_466 = arith.muli %scan3A_349, %mul3A_465 : i32
      %add3A_467 = arith.addi %mul3A_2, %mul3A_466 : i32
      %add3A_468 = arith.constant 10 : i32
      %add3A_469 = arith.addi %add3A_467, %add3A_468 : i32
      %dma_start3A_470 = arith.constant 0 : i32
      %dma_start3A_471 = tpu.memref_slice %arg10[%add3A_469, %dma_start3A_470] : memref<16384x64xf32, #tpu.memory_space<hbm>> -> memref<1x64xf32, #tpu.memory_space<hbm>>
      %dma_start3A_472 = arith.constant 0 : i32
      %dma_start3A_473 = tpu.memref_slice %arg3[%squeeze3A_464, %dma_start3A_472] : memref<1000000x64xf32, #tpu.memory_space<hbm>> -> memref<1x64xf32, #tpu.memory_space<hbm>>
      tpu.enqueue_dma source(%dma_start3A_473 : memref<1x64xf32, #tpu.memory_space<hbm>>) target(%dma_start3A_471 : memref<1x64xf32, #tpu.memory_space<hbm>>) target_semaphore(%arg26 : memref<!tpu.dma_semaphore, #tpu.memory_space<semaphore_mem>>)
      %slice3A_474 = vector.extract_strided_slice %get3A_353 {offsets = [11], sizes = [1], strides = [1]} : vector<16xi32> to vector<1xi32>
      %squeeze3A_475 = vector.extract %slice3A_474[0] : i32 from vector<1xi32>
      %mul3A_476 = arith.constant 16 : i32
      %mul3A_477 = arith.muli %scan3A_349, %mul3A_476 : i32
      %add3A_478 = arith.addi %mul3A_2, %mul3A_477 : i32
      %add3A_479 = arith.constant 11 : i32
      %add3A_480 = arith.addi %add3A_478, %add3A_479 : i32
      %dma_start3A_481 = arith.constant 0 : i32
      %dma_start3A_482 = tpu.memref_slice %arg10[%add3A_480, %dma_start3A_481] : memref<16384x64xf32, #tpu.memory_space<hbm>> -> memref<1x64xf32, #tpu.memory_space<hbm>>
      %dma_start3A_483 = arith.constant 0 : i32
      %dma_start3A_484 = tpu.memref_slice %arg3[%squeeze3A_475, %dma_start3A_483] : memref<1000000x64xf32, #tpu.memory_space<hbm>> -> memref<1x64xf32, #tpu.memory_space<hbm>>
      tpu.enqueue_dma source(%dma_start3A_484 : memref<1x64xf32, #tpu.memory_space<hbm>>) target(%dma_start3A_482 : memref<1x64xf32, #tpu.memory_space<hbm>>) target_semaphore(%arg27 : memref<!tpu.dma_semaphore, #tpu.memory_space<semaphore_mem>>)
      %slice3A_485 = vector.extract_strided_slice %get3A_353 {offsets = [12], sizes = [1], strides = [1]} : vector<16xi32> to vector<1xi32>
      %squeeze3A_486 = vector.extract %slice3A_485[0] : i32 from vector<1xi32>
      %mul3A_487 = arith.constant 16 : i32
      %mul3A_488 = arith.muli %scan3A_349, %mul3A_487 : i32
      %add3A_489 = arith.addi %mul3A_2, %mul3A_488 : i32
      %add3A_490 = arith.constant 12 : i32
      %add3A_491 = arith.addi %add3A_489, %add3A_490 : i32
      %dma_start3A_492 = arith.constant 0 : i32
      %dma_start3A_493 = tpu.memref_slice %arg10[%add3A_491, %dma_start3A_492] : memref<16384x64xf32, #tpu.memory_space<hbm>> -> memref<1x64xf32, #tpu.memory_space<hbm>>
      %dma_start3A_494 = arith.constant 0 : i32
      %dma_start3A_495 = tpu.memref_slice %arg3[%squeeze3A_486, %dma_start3A_494] : memref<1000000x64xf32, #tpu.memory_space<hbm>> -> memref<1x64xf32, #tpu.memory_space<hbm>>
      tpu.enqueue_dma source(%dma_start3A_495 : memref<1x64xf32, #tpu.memory_space<hbm>>) target(%dma_start3A_493 : memref<1x64xf32, #tpu.memory_space<hbm>>) target_semaphore(%arg28 : memref<!tpu.dma_semaphore, #tpu.memory_space<semaphore_mem>>)
      %slice3A_496 = vector.extract_strided_slice %get3A_353 {offsets = [13], sizes = [1], strides = [1]} : vector<16xi32> to vector<1xi32>
      %squeeze3A_497 = vector.extract %slice3A_496[0] : i32 from vector<1xi32>
      %mul3A_498 = arith.constant 16 : i32
      %mul3A_499 = arith.muli %scan3A_349, %mul3A_498 : i32
      %add3A_500 = arith.addi %mul3A_2, %mul3A_499 : i32
      %add3A_501 = arith.constant 13 : i32
      %add3A_502 = arith.addi %add3A_500, %add3A_501 : i32
      %dma_start3A_503 = arith.constant 0 : i32
      %dma_start3A_504 = tpu.memref_slice %arg10[%add3A_502, %dma_start3A_503] : memref<16384x64xf32, #tpu.memory_space<hbm>> -> memref<1x64xf32, #tpu.memory_space<hbm>>
      %dma_start3A_505 = arith.constant 0 : i32
      %dma_start3A_506 = tpu.memref_slice %arg3[%squeeze3A_497, %dma_start3A_505] : memref<1000000x64xf32, #tpu.memory_space<hbm>> -> memref<1x64xf32, #tpu.memory_space<hbm>>
      tpu.enqueue_dma source(%dma_start3A_506 : memref<1x64xf32, #tpu.memory_space<hbm>>) target(%dma_start3A_504 : memref<1x64xf32, #tpu.memory_space<hbm>>) target_semaphore(%arg29 : memref<!tpu.dma_semaphore, #tpu.memory_space<semaphore_mem>>)
      %slice3A_507 = vector.extract_strided_slice %get3A_353 {offsets = [14], sizes = [1], strides = [1]} : vector<16xi32> to vector<1xi32>
      %squeeze3A_508 = vector.extract %slice3A_507[0] : i32 from vector<1xi32>
      %mul3A_509 = arith.constant 16 : i32
      %mul3A_510 = arith.muli %scan3A_349, %mul3A_509 : i32
      %add3A_511 = arith.addi %mul3A_2, %mul3A_510 : i32
      %add3A_512 = arith.constant 14 : i32
      %add3A_513 = arith.addi %add3A_511, %add3A_512 : i32
      %dma_start3A_514 = arith.constant 0 : i32
      %dma_start3A_515 = tpu.memref_slice %arg10[%add3A_513, %dma_start3A_514] : memref<16384x64xf32, #tpu.memory_space<hbm>> -> memref<1x64xf32, #tpu.memory_space<hbm>>
      %dma_start3A_516 = arith.constant 0 : i32
      %dma_start3A_517 = tpu.memref_slice %arg3[%squeeze3A_508, %dma_start3A_516] : memref<1000000x64xf32, #tpu.memory_space<hbm>> -> memref<1x64xf32, #tpu.memory_space<hbm>>
      tpu.enqueue_dma source(%dma_start3A_517 : memref<1x64xf32, #tpu.memory_space<hbm>>) target(%dma_start3A_515 : memref<1x64xf32, #tpu.memory_space<hbm>>) target_semaphore(%arg30 : memref<!tpu.dma_semaphore, #tpu.memory_space<semaphore_mem>>)
      %slice3A_518 = vector.extract_strided_slice %get3A_353 {offsets = [15], sizes = [1], strides = [1]} : vector<16xi32> to vector<1xi32>
      %squeeze3A_519 = vector.extract %slice3A_518[0] : i32 from vector<1xi32>
      %mul3A_520 = arith.constant 16 : i32
      %mul3A_521 = arith.muli %scan3A_349, %mul3A_520 : i32
      %add3A_522 = arith.addi %mul3A_2, %mul3A_521 : i32
      %add3A_523 = arith.constant 15 : i32
      %add3A_524 = arith.addi %add3A_522, %add3A_523 : i32
      %dma_start3A_525 = arith.constant 0 : i32
      %dma_start3A_526 = tpu.memref_slice %arg10[%add3A_524, %dma_start3A_525] : memref<16384x64xf32, #tpu.memory_space<hbm>> -> memref<1x64xf32, #tpu.memory_space<hbm>>
      %dma_start3A_527 = arith.constant 0 : i32
      %dma_start3A_528 = tpu.memref_slice %arg3[%squeeze3A_519, %dma_start3A_527] : memref<1000000x64xf32, #tpu.memory_space<hbm>> -> memref<1x64xf32, #tpu.memory_space<hbm>>
      tpu.enqueue_dma source(%dma_start3A_528 : memref<1x64xf32, #tpu.memory_space<hbm>>) target(%dma_start3A_526 : memref<1x64xf32, #tpu.memory_space<hbm>>) target_semaphore(%arg31 : memref<!tpu.dma_semaphore, #tpu.memory_space<semaphore_mem>>)
      %scan3A_529 = arith.constant 0 : i32
      scf.yield %scan3A_529 : i32
    }
    %scan3A_181 = arith.constant 32 : i32
    %dma_wait3A_182 = arith.constant 0 : i32
    %dma_wait3A_183 = tpu.memref_slice %arg10[%mul3A_2, %dma_wait3A_182] : memref<16384x64xf32, #tpu.memory_space<hbm>> -> memref<1x64xf32, #tpu.memory_space<hbm>>
    %dma_wait3A_184 = arith.constant 0 : i32
    %dma_wait3A_185 = arith.constant 0 : i32
    %dma_wait3A_186 = tpu.memref_slice %arg3[%dma_wait3A_184, %dma_wait3A_185] : memref<1000000x64xf32, #tpu.memory_space<hbm>> -> memref<1x64xf32, #tpu.memory_space<hbm>>
    tpu.wait_dma2 semaphore(%arg16 : memref<!tpu.dma_semaphore, #tpu.memory_space<semaphore_mem>>) src(%dma_wait3A_186 : memref<1x64xf32, #tpu.memory_space<hbm>>) dst(%dma_wait3A_183 : memref<1x64xf32, #tpu.memory_space<hbm>>)
    %dma_wait3A_187 = arith.constant 0 : i32
    %dma_wait3A_188 = tpu.memref_slice %arg10[%mul3A_2, %dma_wait3A_187] : memref<16384x64xf32, #tpu.memory_space<hbm>> -> memref<1x64xf32, #tpu.memory_space<hbm>>
    %dma_wait3A_189 = arith.constant 0 : i32
    %dma_wait3A_190 = arith.constant 0 : i32
    %dma_wait3A_191 = tpu.memref_slice %arg3[%dma_wait3A_189, %dma_wait3A_190] : memref<1000000x64xf32, #tpu.memory_space<hbm>> -> memref<1x64xf32, #tpu.memory_space<hbm>>
    tpu.wait_dma2 semaphore(%arg17 : memref<!tpu.dma_semaphore, #tpu.memory_space<semaphore_mem>>) src(%dma_wait3A_191 : memref<1x64xf32, #tpu.memory_space<hbm>>) dst(%dma_wait3A_188 : memref<1x64xf32, #tpu.memory_space<hbm>>)
    %dma_wait3A_192 = arith.constant 0 : i32
    %dma_wait3A_193 = tpu.memref_slice %arg10[%mul3A_2, %dma_wait3A_192] : memref<16384x64xf32, #tpu.memory_space<hbm>> -> memref<1x64xf32, #tpu.memory_space<hbm>>
    %dma_wait3A_194 = arith.constant 0 : i32
    %dma_wait3A_195 = arith.constant 0 : i32
    %dma_wait3A_196 = tpu.memref_slice %arg3[%dma_wait3A_194, %dma_wait3A_195] : memref<1000000x64xf32, #tpu.memory_space<hbm>> -> memref<1x64xf32, #tpu.memory_space<hbm>>
    tpu.wait_dma2 semaphore(%arg18 : memref<!tpu.dma_semaphore, #tpu.memory_space<semaphore_mem>>) src(%dma_wait3A_196 : memref<1x64xf32, #tpu.memory_space<hbm>>) dst(%dma_wait3A_193 : memref<1x64xf32, #tpu.memory_space<hbm>>)
    %dma_wait3A_197 = arith.constant 0 : i32
    %dma_wait3A_198 = tpu.memref_slice %arg10[%mul3A_2, %dma_wait3A_197] : memref<16384x64xf32, #tpu.memory_space<hbm>> -> memref<1x64xf32, #tpu.memory_space<hbm>>
    %dma_wait3A_199 = arith.constant 0 : i32
    %dma_wait3A_200 = arith.constant 0 : i32
    %dma_wait3A_201 = tpu.memref_slice %arg3[%dma_wait3A_199, %dma_wait3A_200] : memref<1000000x64xf32, #tpu.memory_space<hbm>> -> memref<1x64xf32, #tpu.memory_space<hbm>>
    tpu.wait_dma2 semaphore(%arg19 : memref<!tpu.dma_semaphore, #tpu.memory_space<semaphore_mem>>) src(%dma_wait3A_201 : memref<1x64xf32, #tpu.memory_space<hbm>>) dst(%dma_wait3A_198 : memref<1x64xf32, #tpu.memory_space<hbm>>)
    %dma_wait3A_202 = arith.constant 0 : i32
    %dma_wait3A_203 = tpu.memref_slice %arg10[%mul3A_2, %dma_wait3A_202] : memref<16384x64xf32, #tpu.memory_space<hbm>> -> memref<1x64xf32, #tpu.memory_space<hbm>>
    %dma_wait3A_204 = arith.constant 0 : i32
    %dma_wait3A_205 = arith.constant 0 : i32
    %dma_wait3A_206 = tpu.memref_slice %arg3[%dma_wait3A_204, %dma_wait3A_205] : memref<1000000x64xf32, #tpu.memory_space<hbm>> -> memref<1x64xf32, #tpu.memory_space<hbm>>
    tpu.wait_dma2 semaphore(%arg20 : memref<!tpu.dma_semaphore, #tpu.memory_space<semaphore_mem>>) src(%dma_wait3A_206 : memref<1x64xf32, #tpu.memory_space<hbm>>) dst(%dma_wait3A_203 : memref<1x64xf32, #tpu.memory_space<hbm>>)
    %dma_wait3A_207 = arith.constant 0 : i32
    %dma_wait3A_208 = tpu.memref_slice %arg10[%mul3A_2, %dma_wait3A_207] : memref<16384x64xf32, #tpu.memory_space<hbm>> -> memref<1x64xf32, #tpu.memory_space<hbm>>
    %dma_wait3A_209 = arith.constant 0 : i32
    %dma_wait3A_210 = arith.constant 0 : i32
    %dma_wait3A_211 = tpu.memref_slice %arg3[%dma_wait3A_209, %dma_wait3A_210] : memref<1000000x64xf32, #tpu.memory_space<hbm>> -> memref<1x64xf32, #tpu.memory_space<hbm>>
    tpu.wait_dma2 semaphore(%arg21 : memref<!tpu.dma_semaphore, #tpu.memory_space<semaphore_mem>>) src(%dma_wait3A_211 : memref<1x64xf32, #tpu.memory_space<hbm>>) dst(%dma_wait3A_208 : memref<1x64xf32, #tpu.memory_space<hbm>>)
    %dma_wait3A_212 = arith.constant 0 : i32
    %dma_wait3A_213 = tpu.memref_slice %arg10[%mul3A_2, %dma_wait3A_212] : memref<16384x64xf32, #tpu.memory_space<hbm>> -> memref<1x64xf32, #tpu.memory_space<hbm>>
    %dma_wait3A_214 = arith.constant 0 : i32
    %dma_wait3A_215 = arith.constant 0 : i32
    %dma_wait3A_216 = tpu.memref_slice %arg3[%dma_wait3A_214, %dma_wait3A_215] : memref<1000000x64xf32, #tpu.memory_space<hbm>> -> memref<1x64xf32, #tpu.memory_space<hbm>>
    tpu.wait_dma2 semaphore(%arg22 : memref<!tpu.dma_semaphore, #tpu.memory_space<semaphore_mem>>) src(%dma_wait3A_216 : memref<1x64xf32, #tpu.memory_space<hbm>>) dst(%dma_wait3A_213 : memref<1x64xf32, #tpu.memory_space<hbm>>)
    %dma_wait3A_217 = arith.constant 0 : i32
    %dma_wait3A_218 = tpu.memref_slice %arg10[%mul3A_2, %dma_wait3A_217] : memref<16384x64xf32, #tpu.memory_space<hbm>> -> memref<1x64xf32, #tpu.memory_space<hbm>>
    %dma_wait3A_219 = arith.constant 0 : i32
    %dma_wait3A_220 = arith.constant 0 : i32
    %dma_wait3A_221 = tpu.memref_slice %arg3[%dma_wait3A_219, %dma_wait3A_220] : memref<1000000x64xf32, #tpu.memory_space<hbm>> -> memref<1x64xf32, #tpu.memory_space<hbm>>
    tpu.wait_dma2 semaphore(%arg23 : memref<!tpu.dma_semaphore, #tpu.memory_space<semaphore_mem>>) src(%dma_wait3A_221 : memref<1x64xf32, #tpu.memory_space<hbm>>) dst(%dma_wait3A_218 : memref<1x64xf32, #tpu.memory_space<hbm>>)
    %dma_wait3A_222 = arith.constant 0 : i32
    %dma_wait3A_223 = tpu.memref_slice %arg10[%mul3A_2, %dma_wait3A_222] : memref<16384x64xf32, #tpu.memory_space<hbm>> -> memref<1x64xf32, #tpu.memory_space<hbm>>
    %dma_wait3A_224 = arith.constant 0 : i32
    %dma_wait3A_225 = arith.constant 0 : i32
    %dma_wait3A_226 = tpu.memref_slice %arg3[%dma_wait3A_224, %dma_wait3A_225] : memref<1000000x64xf32, #tpu.memory_space<hbm>> -> memref<1x64xf32, #tpu.memory_space<hbm>>
    tpu.wait_dma2 semaphore(%arg24 : memref<!tpu.dma_semaphore, #tpu.memory_space<semaphore_mem>>) src(%dma_wait3A_226 : memref<1x64xf32, #tpu.memory_space<hbm>>) dst(%dma_wait3A_223 : memref<1x64xf32, #tpu.memory_space<hbm>>)
    %dma_wait3A_227 = arith.constant 0 : i32
    %dma_wait3A_228 = tpu.memref_slice %arg10[%mul3A_2, %dma_wait3A_227] : memref<16384x64xf32, #tpu.memory_space<hbm>> -> memref<1x64xf32, #tpu.memory_space<hbm>>
    %dma_wait3A_229 = arith.constant 0 : i32
    %dma_wait3A_230 = arith.constant 0 : i32
    %dma_wait3A_231 = tpu.memref_slice %arg3[%dma_wait3A_229, %dma_wait3A_230] : memref<1000000x64xf32, #tpu.memory_space<hbm>> -> memref<1x64xf32, #tpu.memory_space<hbm>>
    tpu.wait_dma2 semaphore(%arg25 : memref<!tpu.dma_semaphore, #tpu.memory_space<semaphore_mem>>) src(%dma_wait3A_231 : memref<1x64xf32, #tpu.memory_space<hbm>>) dst(%dma_wait3A_228 : memref<1x64xf32, #tpu.memory_space<hbm>>)
    %dma_wait3A_232 = arith.constant 0 : i32
    %dma_wait3A_233 = tpu.memref_slice %arg10[%mul3A_2, %dma_wait3A_232] : memref<16384x64xf32, #tpu.memory_space<hbm>> -> memref<1x64xf32, #tpu.memory_space<hbm>>
    %dma_wait3A_234 = arith.constant 0 : i32
    %dma_wait3A_235 = arith.constant 0 : i32
    %dma_wait3A_236 = tpu.memref_slice %arg3[%dma_wait3A_234, %dma_wait3A_235] : memref<1000000x64xf32, #tpu.memory_space<hbm>> -> memref<1x64xf32, #tpu.memory_space<hbm>>
    tpu.wait_dma2 semaphore(%arg26 : memref<!tpu.dma_semaphore, #tpu.memory_space<semaphore_mem>>) src(%dma_wait3A_236 : memref<1x64xf32, #tpu.memory_space<hbm>>) dst(%dma_wait3A_233 : memref<1x64xf32, #tpu.memory_space<hbm>>)
    %dma_wait3A_237 = arith.constant 0 : i32
    %dma_wait3A_238 = tpu.memref_slice %arg10[%mul3A_2, %dma_wait3A_237] : memref<16384x64xf32, #tpu.memory_space<hbm>> -> memref<1x64xf32, #tpu.memory_space<hbm>>
    %dma_wait3A_239 = arith.constant 0 : i32
    %dma_wait3A_240 = arith.constant 0 : i32
    %dma_wait3A_241 = tpu.memref_slice %arg3[%dma_wait3A_239, %dma_wait3A_240] : memref<1000000x64xf32, #tpu.memory_space<hbm>> -> memref<1x64xf32, #tpu.memory_space<hbm>>
    tpu.wait_dma2 semaphore(%arg27 : memref<!tpu.dma_semaphore, #tpu.memory_space<semaphore_mem>>) src(%dma_wait3A_241 : memref<1x64xf32, #tpu.memory_space<hbm>>) dst(%dma_wait3A_238 : memref<1x64xf32, #tpu.memory_space<hbm>>)
    %dma_wait3A_242 = arith.constant 0 : i32
    %dma_wait3A_243 = tpu.memref_slice %arg10[%mul3A_2, %dma_wait3A_242] : memref<16384x64xf32, #tpu.memory_space<hbm>> -> memref<1x64xf32, #tpu.memory_space<hbm>>
    %dma_wait3A_244 = arith.constant 0 : i32
    %dma_wait3A_245 = arith.constant 0 : i32
    %dma_wait3A_246 = tpu.memref_slice %arg3[%dma_wait3A_244, %dma_wait3A_245] : memref<1000000x64xf32, #tpu.memory_space<hbm>> -> memref<1x64xf32, #tpu.memory_space<hbm>>
    tpu.wait_dma2 semaphore(%arg28 : memref<!tpu.dma_semaphore, #tpu.memory_space<semaphore_mem>>) src(%dma_wait3A_246 : memref<1x64xf32, #tpu.memory_space<hbm>>) dst(%dma_wait3A_243 : memref<1x64xf32, #tpu.memory_space<hbm>>)
    %dma_wait3A_247 = arith.constant 0 : i32
    %dma_wait3A_248 = tpu.memref_slice %arg10[%mul3A_2, %dma_wait3A_247] : memref<16384x64xf32, #tpu.memory_space<hbm>> -> memref<1x64xf32, #tpu.memory_space<hbm>>
    %dma_wait3A_249 = arith.constant 0 : i32
    %dma_wait3A_250 = arith.constant 0 : i32
    %dma_wait3A_251 = tpu.memref_slice %arg3[%dma_wait3A_249, %dma_wait3A_250] : memref<1000000x64xf32, #tpu.memory_space<hbm>> -> memref<1x64xf32, #tpu.memory_space<hbm>>
    tpu.wait_dma2 semaphore(%arg29 : memref<!tpu.dma_semaphore, #tpu.memory_space<semaphore_mem>>) src(%dma_wait3A_251 : memref<1x64xf32, #tpu.memory_space<hbm>>) dst(%dma_wait3A_248 : memref<1x64xf32, #tpu.memory_space<hbm>>)
    %dma_wait3A_252 = arith.constant 0 : i32
    %dma_wait3A_253 = tpu.memref_slice %arg10[%mul3A_2, %dma_wait3A_252] : memref<16384x64xf32, #tpu.memory_space<hbm>> -> memref<1x64xf32, #tpu.memory_space<hbm>>
    %dma_wait3A_254 = arith.constant 0 : i32
    %dma_wait3A_255 = arith.constant 0 : i32
    %dma_wait3A_256 = tpu.memref_slice %arg3[%dma_wait3A_254, %dma_wait3A_255] : memref<1000000x64xf32, #tpu.memory_space<hbm>> -> memref<1x64xf32, #tpu.memory_space<hbm>>
    tpu.wait_dma2 semaphore(%arg30 : memref<!tpu.dma_semaphore, #tpu.memory_space<semaphore_mem>>) src(%dma_wait3A_256 : memref<1x64xf32, #tpu.memory_space<hbm>>) dst(%dma_wait3A_253 : memref<1x64xf32, #tpu.memory_space<hbm>>)
    %dma_wait3A_257 = arith.constant 0 : i32
    %dma_wait3A_258 = tpu.memref_slice %arg10[%mul3A_2, %dma_wait3A_257] : memref<16384x64xf32, #tpu.memory_space<hbm>> -> memref<1x64xf32, #tpu.memory_space<hbm>>
    %dma_wait3A_259 = arith.constant 0 : i32
    %dma_wait3A_260 = arith.constant 0 : i32
    %dma_wait3A_261 = tpu.memref_slice %arg3[%dma_wait3A_259, %dma_wait3A_260] : memref<1000000x64xf32, #tpu.memory_space<hbm>> -> memref<1x64xf32, #tpu.memory_space<hbm>>
    tpu.wait_dma2 semaphore(%arg31 : memref<!tpu.dma_semaphore, #tpu.memory_space<semaphore_mem>>) src(%dma_wait3A_261 : memref<1x64xf32, #tpu.memory_space<hbm>>) dst(%dma_wait3A_258 : memref<1x64xf32, #tpu.memory_space<hbm>>)
    %scan3A_262 = arith.constant 0 : i32
    %scan3A_263 = arith.constant 0 : i32
    %scan3A_264 = arith.constant 32 : i32
    %scan3A_265 = arith.addi %scan3A_263, %scan3A_264 : i32
    %scan3A_266 = arith.constant 1 : i32
    %scan3A_267 = scf.for %scan3A_349 = %scan3A_263 to %scan3A_265 step %scan3A_266 iter_args(%scan3A_350 = %scan3A_262) -> (i32)  : i32 {
      %mul3A_351 = arith.constant 16 : i32
      %mul3A_352 = arith.muli %scan3A_349, %mul3A_351 : i32
      %get3A = arith.index_cast %mul3A_352 : i32 to index
      %get3A_353 = tpu.vector_load %arg15[%get3A] {strides = array<i32>} : memref<512xi32, #tpu.memory_space<vmem>>, vector<16xi32>,
      %gt3A = arith.constant 0 : i32
      %gt3A_354 = arith.cmpi sgt, %scan3A_349, %gt3A : i32
      %convert_element_type3A = arith.extui %gt3A_354 : i1 to i32
      %cond3A = arith.constant 0 : i32
      %cond3A_355 = arith.cmpi ne, %convert_element_type3A, %cond3A : i32
      scf.if %cond3A_355 {
        %dma_wait3A_530 = arith.constant 0 : i32
        %dma_wait3A_531 = tpu.memref_slice %arg11[%mul3A_2, %dma_wait3A_530] : memref<16384x64xf32, #tpu.memory_space<hbm>> -> memref<1x64xf32, #tpu.memory_space<hbm>>
        %dma_wait3A_532 = arith.constant 0 : i32
        %dma_wait3A_533 = arith.constant 0 : i32
        %dma_wait3A_534 = tpu.memref_slice %arg3[%dma_wait3A_532, %dma_wait3A_533] : memref<1000000x64xf32, #tpu.memory_space<hbm>> -> memref<1x64xf32, #tpu.memory_space<hbm>>
        tpu.wait_dma2 semaphore(%arg16 : memref<!tpu.dma_semaphore, #tpu.memory_space<semaphore_mem>>) src(%dma_wait3A_534 : memref<1x64xf32, #tpu.memory_space<hbm>>) dst(%dma_wait3A_531 : memref<1x64xf32, #tpu.memory_space<hbm>>)
        %dma_wait3A_535 = arith.constant 0 : i32
        %dma_wait3A_536 = tpu.memref_slice %arg11[%mul3A_2, %dma_wait3A_535] : memref<16384x64xf32, #tpu.memory_space<hbm>> -> memref<1x64xf32, #tpu.memory_space<hbm>>
        %dma_wait3A_537 = arith.constant 0 : i32
        %dma_wait3A_538 = arith.constant 0 : i32
        %dma_wait3A_539 = tpu.memref_slice %arg3[%dma_wait3A_537, %dma_wait3A_538] : memref<1000000x64xf32, #tpu.memory_space<hbm>> -> memref<1x64xf32, #tpu.memory_space<hbm>>
        tpu.wait_dma2 semaphore(%arg17 : memref<!tpu.dma_semaphore, #tpu.memory_space<semaphore_mem>>) src(%dma_wait3A_539 : memref<1x64xf32, #tpu.memory_space<hbm>>) dst(%dma_wait3A_536 : memref<1x64xf32, #tpu.memory_space<hbm>>)
        %dma_wait3A_540 = arith.constant 0 : i32
        %dma_wait3A_541 = tpu.memref_slice %arg11[%mul3A_2, %dma_wait3A_540] : memref<16384x64xf32, #tpu.memory_space<hbm>> -> memref<1x64xf32, #tpu.memory_space<hbm>>
        %dma_wait3A_542 = arith.constant 0 : i32
        %dma_wait3A_543 = arith.constant 0 : i32
        %dma_wait3A_544 = tpu.memref_slice %arg3[%dma_wait3A_542, %dma_wait3A_543] : memref<1000000x64xf32, #tpu.memory_space<hbm>> -> memref<1x64xf32, #tpu.memory_space<hbm>>
        tpu.wait_dma2 semaphore(%arg18 : memref<!tpu.dma_semaphore, #tpu.memory_space<semaphore_mem>>) src(%dma_wait3A_544 : memref<1x64xf32, #tpu.memory_space<hbm>>) dst(%dma_wait3A_541 : memref<1x64xf32, #tpu.memory_space<hbm>>)
        %dma_wait3A_545 = arith.constant 0 : i32
        %dma_wait3A_546 = tpu.memref_slice %arg11[%mul3A_2, %dma_wait3A_545] : memref<16384x64xf32, #tpu.memory_space<hbm>> -> memref<1x64xf32, #tpu.memory_space<hbm>>
        %dma_wait3A_547 = arith.constant 0 : i32
        %dma_wait3A_548 = arith.constant 0 : i32
        %dma_wait3A_549 = tpu.memref_slice %arg3[%dma_wait3A_547, %dma_wait3A_548] : memref<1000000x64xf32, #tpu.memory_space<hbm>> -> memref<1x64xf32, #tpu.memory_space<hbm>>
        tpu.wait_dma2 semaphore(%arg19 : memref<!tpu.dma_semaphore, #tpu.memory_space<semaphore_mem>>) src(%dma_wait3A_549 : memref<1x64xf32, #tpu.memory_space<hbm>>) dst(%dma_wait3A_546 : memref<1x64xf32, #tpu.memory_space<hbm>>)
        %dma_wait3A_550 = arith.constant 0 : i32
        %dma_wait3A_551 = tpu.memref_slice %arg11[%mul3A_2, %dma_wait3A_550] : memref<16384x64xf32, #tpu.memory_space<hbm>> -> memref<1x64xf32, #tpu.memory_space<hbm>>
        %dma_wait3A_552 = arith.constant 0 : i32
        %dma_wait3A_553 = arith.constant 0 : i32
        %dma_wait3A_554 = tpu.memref_slice %arg3[%dma_wait3A_552, %dma_wait3A_553] : memref<1000000x64xf32, #tpu.memory_space<hbm>> -> memref<1x64xf32, #tpu.memory_space<hbm>>
        tpu.wait_dma2 semaphore(%arg20 : memref<!tpu.dma_semaphore, #tpu.memory_space<semaphore_mem>>) src(%dma_wait3A_554 : memref<1x64xf32, #tpu.memory_space<hbm>>) dst(%dma_wait3A_551 : memref<1x64xf32, #tpu.memory_space<hbm>>)
        %dma_wait3A_555 = arith.constant 0 : i32
        %dma_wait3A_556 = tpu.memref_slice %arg11[%mul3A_2, %dma_wait3A_555] : memref<16384x64xf32, #tpu.memory_space<hbm>> -> memref<1x64xf32, #tpu.memory_space<hbm>>
        %dma_wait3A_557 = arith.constant 0 : i32
        %dma_wait3A_558 = arith.constant 0 : i32
        %dma_wait3A_559 = tpu.memref_slice %arg3[%dma_wait3A_557, %dma_wait3A_558] : memref<1000000x64xf32, #tpu.memory_space<hbm>> -> memref<1x64xf32, #tpu.memory_space<hbm>>
        tpu.wait_dma2 semaphore(%arg21 : memref<!tpu.dma_semaphore, #tpu.memory_space<semaphore_mem>>) src(%dma_wait3A_559 : memref<1x64xf32, #tpu.memory_space<hbm>>) dst(%dma_wait3A_556 : memref<1x64xf32, #tpu.memory_space<hbm>>)
        %dma_wait3A_560 = arith.constant 0 : i32
        %dma_wait3A_561 = tpu.memref_slice %arg11[%mul3A_2, %dma_wait3A_560] : memref<16384x64xf32, #tpu.memory_space<hbm>> -> memref<1x64xf32, #tpu.memory_space<hbm>>
        %dma_wait3A_562 = arith.constant 0 : i32
        %dma_wait3A_563 = arith.constant 0 : i32
        %dma_wait3A_564 = tpu.memref_slice %arg3[%dma_wait3A_562, %dma_wait3A_563] : memref<1000000x64xf32, #tpu.memory_space<hbm>> -> memref<1x64xf32, #tpu.memory_space<hbm>>
        tpu.wait_dma2 semaphore(%arg22 : memref<!tpu.dma_semaphore, #tpu.memory_space<semaphore_mem>>) src(%dma_wait3A_564 : memref<1x64xf32, #tpu.memory_space<hbm>>) dst(%dma_wait3A_561 : memref<1x64xf32, #tpu.memory_space<hbm>>)
        %dma_wait3A_565 = arith.constant 0 : i32
        %dma_wait3A_566 = tpu.memref_slice %arg11[%mul3A_2, %dma_wait3A_565] : memref<16384x64xf32, #tpu.memory_space<hbm>> -> memref<1x64xf32, #tpu.memory_space<hbm>>
        %dma_wait3A_567 = arith.constant 0 : i32
        %dma_wait3A_568 = arith.constant 0 : i32
        %dma_wait3A_569 = tpu.memref_slice %arg3[%dma_wait3A_567, %dma_wait3A_568] : memref<1000000x64xf32, #tpu.memory_space<hbm>> -> memref<1x64xf32, #tpu.memory_space<hbm>>
        tpu.wait_dma2 semaphore(%arg23 : memref<!tpu.dma_semaphore, #tpu.memory_space<semaphore_mem>>) src(%dma_wait3A_569 : memref<1x64xf32, #tpu.memory_space<hbm>>) dst(%dma_wait3A_566 : memref<1x64xf32, #tpu.memory_space<hbm>>)
        %dma_wait3A_570 = arith.constant 0 : i32
        %dma_wait3A_571 = tpu.memref_slice %arg11[%mul3A_2, %dma_wait3A_570] : memref<16384x64xf32, #tpu.memory_space<hbm>> -> memref<1x64xf32, #tpu.memory_space<hbm>>
        %dma_wait3A_572 = arith.constant 0 : i32
        %dma_wait3A_573 = arith.constant 0 : i32
        %dma_wait3A_574 = tpu.memref_slice %arg3[%dma_wait3A_572, %dma_wait3A_573] : memref<1000000x64xf32, #tpu.memory_space<hbm>> -> memref<1x64xf32, #tpu.memory_space<hbm>>
        tpu.wait_dma2 semaphore(%arg24 : memref<!tpu.dma_semaphore, #tpu.memory_space<semaphore_mem>>) src(%dma_wait3A_574 : memref<1x64xf32, #tpu.memory_space<hbm>>) dst(%dma_wait3A_571 : memref<1x64xf32, #tpu.memory_space<hbm>>)
        %dma_wait3A_575 = arith.constant 0 : i32
        %dma_wait3A_576 = tpu.memref_slice %arg11[%mul3A_2, %dma_wait3A_575] : memref<16384x64xf32, #tpu.memory_space<hbm>> -> memref<1x64xf32, #tpu.memory_space<hbm>>
        %dma_wait3A_577 = arith.constant 0 : i32
        %dma_wait3A_578 = arith.constant 0 : i32
        %dma_wait3A_579 = tpu.memref_slice %arg3[%dma_wait3A_577, %dma_wait3A_578] : memref<1000000x64xf32, #tpu.memory_space<hbm>> -> memref<1x64xf32, #tpu.memory_space<hbm>>
        tpu.wait_dma2 semaphore(%arg25 : memref<!tpu.dma_semaphore, #tpu.memory_space<semaphore_mem>>) src(%dma_wait3A_579 : memref<1x64xf32, #tpu.memory_space<hbm>>) dst(%dma_wait3A_576 : memref<1x64xf32, #tpu.memory_space<hbm>>)
        %dma_wait3A_580 = arith.constant 0 : i32
        %dma_wait3A_581 = tpu.memref_slice %arg11[%mul3A_2, %dma_wait3A_580] : memref<16384x64xf32, #tpu.memory_space<hbm>> -> memref<1x64xf32, #tpu.memory_space<hbm>>
        %dma_wait3A_582 = arith.constant 0 : i32
        %dma_wait3A_583 = arith.constant 0 : i32
        %dma_wait3A_584 = tpu.memref_slice %arg3[%dma_wait3A_582, %dma_wait3A_583] : memref<1000000x64xf32, #tpu.memory_space<hbm>> -> memref<1x64xf32, #tpu.memory_space<hbm>>
        tpu.wait_dma2 semaphore(%arg26 : memref<!tpu.dma_semaphore, #tpu.memory_space<semaphore_mem>>) src(%dma_wait3A_584 : memref<1x64xf32, #tpu.memory_space<hbm>>) dst(%dma_wait3A_581 : memref<1x64xf32, #tpu.memory_space<hbm>>)
        %dma_wait3A_585 = arith.constant 0 : i32
        %dma_wait3A_586 = tpu.memref_slice %arg11[%mul3A_2, %dma_wait3A_585] : memref<16384x64xf32, #tpu.memory_space<hbm>> -> memref<1x64xf32, #tpu.memory_space<hbm>>
        %dma_wait3A_587 = arith.constant 0 : i32
        %dma_wait3A_588 = arith.constant 0 : i32
        %dma_wait3A_589 = tpu.memref_slice %arg3[%dma_wait3A_587, %dma_wait3A_588] : memref<1000000x64xf32, #tpu.memory_space<hbm>> -> memref<1x64xf32, #tpu.memory_space<hbm>>
        tpu.wait_dma2 semaphore(%arg27 : memref<!tpu.dma_semaphore, #tpu.memory_space<semaphore_mem>>) src(%dma_wait3A_589 : memref<1x64xf32, #tpu.memory_space<hbm>>) dst(%dma_wait3A_586 : memref<1x64xf32, #tpu.memory_space<hbm>>)
        %dma_wait3A_590 = arith.constant 0 : i32
        %dma_wait3A_591 = tpu.memref_slice %arg11[%mul3A_2, %dma_wait3A_590] : memref<16384x64xf32, #tpu.memory_space<hbm>> -> memref<1x64xf32, #tpu.memory_space<hbm>>
        %dma_wait3A_592 = arith.constant 0 : i32
        %dma_wait3A_593 = arith.constant 0 : i32
        %dma_wait3A_594 = tpu.memref_slice %arg3[%dma_wait3A_592, %dma_wait3A_593] : memref<1000000x64xf32, #tpu.memory_space<hbm>> -> memref<1x64xf32, #tpu.memory_space<hbm>>
        tpu.wait_dma2 semaphore(%arg28 : memref<!tpu.dma_semaphore, #tpu.memory_space<semaphore_mem>>) src(%dma_wait3A_594 : memref<1x64xf32, #tpu.memory_space<hbm>>) dst(%dma_wait3A_591 : memref<1x64xf32, #tpu.memory_space<hbm>>)
        %dma_wait3A_595 = arith.constant 0 : i32
        %dma_wait3A_596 = tpu.memref_slice %arg11[%mul3A_2, %dma_wait3A_595] : memref<16384x64xf32, #tpu.memory_space<hbm>> -> memref<1x64xf32, #tpu.memory_space<hbm>>
        %dma_wait3A_597 = arith.constant 0 : i32
        %dma_wait3A_598 = arith.constant 0 : i32
        %dma_wait3A_599 = tpu.memref_slice %arg3[%dma_wait3A_597, %dma_wait3A_598] : memref<1000000x64xf32, #tpu.memory_space<hbm>> -> memref<1x64xf32, #tpu.memory_space<hbm>>
        tpu.wait_dma2 semaphore(%arg29 : memref<!tpu.dma_semaphore, #tpu.memory_space<semaphore_mem>>) src(%dma_wait3A_599 : memref<1x64xf32, #tpu.memory_space<hbm>>) dst(%dma_wait3A_596 : memref<1x64xf32, #tpu.memory_space<hbm>>)
        %dma_wait3A_600 = arith.constant 0 : i32
        %dma_wait3A_601 = tpu.memref_slice %arg11[%mul3A_2, %dma_wait3A_600] : memref<16384x64xf32, #tpu.memory_space<hbm>> -> memref<1x64xf32, #tpu.memory_space<hbm>>
        %dma_wait3A_602 = arith.constant 0 : i32
        %dma_wait3A_603 = arith.constant 0 : i32
        %dma_wait3A_604 = tpu.memref_slice %arg3[%dma_wait3A_602, %dma_wait3A_603] : memref<1000000x64xf32, #tpu.memory_space<hbm>> -> memref<1x64xf32, #tpu.memory_space<hbm>>
        tpu.wait_dma2 semaphore(%arg30 : memref<!tpu.dma_semaphore, #tpu.memory_space<semaphore_mem>>) src(%dma_wait3A_604 : memref<1x64xf32, #tpu.memory_space<hbm>>) dst(%dma_wait3A_601 : memref<1x64xf32, #tpu.memory_space<hbm>>)
        %dma_wait3A_605 = arith.constant 0 : i32
        %dma_wait3A_606 = tpu.memref_slice %arg11[%mul3A_2, %dma_wait3A_605] : memref<16384x64xf32, #tpu.memory_space<hbm>> -> memref<1x64xf32, #tpu.memory_space<hbm>>
        %dma_wait3A_607 = arith.constant 0 : i32
        %dma_wait3A_608 = arith.constant 0 : i32
        %dma_wait3A_609 = tpu.memref_slice %arg3[%dma_wait3A_607, %dma_wait3A_608] : memref<1000000x64xf32, #tpu.memory_space<hbm>> -> memref<1x64xf32, #tpu.memory_space<hbm>>
        tpu.wait_dma2 semaphore(%arg31 : memref<!tpu.dma_semaphore, #tpu.memory_space<semaphore_mem>>) src(%dma_wait3A_609 : memref<1x64xf32, #tpu.memory_space<hbm>>) dst(%dma_wait3A_606 : memref<1x64xf32, #tpu.memory_space<hbm>>)
      } else {
      }
      %slice3A = vector.extract_strided_slice %get3A_353 {offsets = [0], sizes = [1], strides = [1]} : vector<16xi32> to vector<1xi32>
      %squeeze3A = vector.extract %slice3A[0] : i32 from vector<1xi32>
      %mul3A_356 = arith.constant 16 : i32
      %mul3A_357 = arith.muli %scan3A_349, %mul3A_356 : i32
      %add3A_358 = arith.addi %mul3A_2, %mul3A_357 : i32
      %add3A_359 = arith.constant 0 : i32
      %add3A_360 = arith.addi %add3A_358, %add3A_359 : i32
      %dma_start3A = arith.constant 0 : i32
      %dma_start3A_361 = tpu.memref_slice %arg11[%add3A_360, %dma_start3A] : memref<16384x64xf32, #tpu.memory_space<hbm>> -> memref<1x64xf32, #tpu.memory_space<hbm>>
      %dma_start3A_362 = arith.constant 0 : i32
      %dma_start3A_363 = tpu.memref_slice %arg3[%squeeze3A, %dma_start3A_362] : memref<1000000x64xf32, #tpu.memory_space<hbm>> -> memref<1x64xf32, #tpu.memory_space<hbm>>
      tpu.enqueue_dma source(%dma_start3A_363 : memref<1x64xf32, #tpu.memory_space<hbm>>) target(%dma_start3A_361 : memref<1x64xf32, #tpu.memory_space<hbm>>) target_semaphore(%arg16 : memref<!tpu.dma_semaphore, #tpu.memory_space<semaphore_mem>>)
      %slice3A_364 = vector.extract_strided_slice %get3A_353 {offsets = [1], sizes = [1], strides = [1]} : vector<16xi32> to vector<1xi32>
      %squeeze3A_365 = vector.extract %slice3A_364[0] : i32 from vector<1xi32>
      %mul3A_366 = arith.constant 16 : i32
      %mul3A_367 = arith.muli %scan3A_349, %mul3A_366 : i32
      %add3A_368 = arith.addi %mul3A_2, %mul3A_367 : i32
      %add3A_369 = arith.constant 1 : i32
      %add3A_370 = arith.addi %add3A_368, %add3A_369 : i32
      %dma_start3A_371 = arith.constant 0 : i32
      %dma_start3A_372 = tpu.memref_slice %arg11[%add3A_370, %dma_start3A_371] : memref<16384x64xf32, #tpu.memory_space<hbm>> -> memref<1x64xf32, #tpu.memory_space<hbm>>
      %dma_start3A_373 = arith.constant 0 : i32
      %dma_start3A_374 = tpu.memref_slice %arg3[%squeeze3A_365, %dma_start3A_373] : memref<1000000x64xf32, #tpu.memory_space<hbm>> -> memref<1x64xf32, #tpu.memory_space<hbm>>
      tpu.enqueue_dma source(%dma_start3A_374 : memref<1x64xf32, #tpu.memory_space<hbm>>) target(%dma_start3A_372 : memref<1x64xf32, #tpu.memory_space<hbm>>) target_semaphore(%arg17 : memref<!tpu.dma_semaphore, #tpu.memory_space<semaphore_mem>>)
      %slice3A_375 = vector.extract_strided_slice %get3A_353 {offsets = [2], sizes = [1], strides = [1]} : vector<16xi32> to vector<1xi32>
      %squeeze3A_376 = vector.extract %slice3A_375[0] : i32 from vector<1xi32>
      %mul3A_377 = arith.constant 16 : i32
      %mul3A_378 = arith.muli %scan3A_349, %mul3A_377 : i32
      %add3A_379 = arith.addi %mul3A_2, %mul3A_378 : i32
      %add3A_380 = arith.constant 2 : i32
      %add3A_381 = arith.addi %add3A_379, %add3A_380 : i32
      %dma_start3A_382 = arith.constant 0 : i32
      %dma_start3A_383 = tpu.memref_slice %arg11[%add3A_381, %dma_start3A_382] : memref<16384x64xf32, #tpu.memory_space<hbm>> -> memref<1x64xf32, #tpu.memory_space<hbm>>
      %dma_start3A_384 = arith.constant 0 : i32
      %dma_start3A_385 = tpu.memref_slice %arg3[%squeeze3A_376, %dma_start3A_384] : memref<1000000x64xf32, #tpu.memory_space<hbm>> -> memref<1x64xf32, #tpu.memory_space<hbm>>
      tpu.enqueue_dma source(%dma_start3A_385 : memref<1x64xf32, #tpu.memory_space<hbm>>) target(%dma_start3A_383 : memref<1x64xf32, #tpu.memory_space<hbm>>) target_semaphore(%arg18 : memref<!tpu.dma_semaphore, #tpu.memory_space<semaphore_mem>>)
      %slice3A_386 = vector.extract_strided_slice %get3A_353 {offsets = [3], sizes = [1], strides = [1]} : vector<16xi32> to vector<1xi32>
      %squeeze3A_387 = vector.extract %slice3A_386[0] : i32 from vector<1xi32>
      %mul3A_388 = arith.constant 16 : i32
      %mul3A_389 = arith.muli %scan3A_349, %mul3A_388 : i32
      %add3A_390 = arith.addi %mul3A_2, %mul3A_389 : i32
      %add3A_391 = arith.constant 3 : i32
      %add3A_392 = arith.addi %add3A_390, %add3A_391 : i32
      %dma_start3A_393 = arith.constant 0 : i32
      %dma_start3A_394 = tpu.memref_slice %arg11[%add3A_392, %dma_start3A_393] : memref<16384x64xf32, #tpu.memory_space<hbm>> -> memref<1x64xf32, #tpu.memory_space<hbm>>
      %dma_start3A_395 = arith.constant 0 : i32
      %dma_start3A_396 = tpu.memref_slice %arg3[%squeeze3A_387, %dma_start3A_395] : memref<1000000x64xf32, #tpu.memory_space<hbm>> -> memref<1x64xf32, #tpu.memory_space<hbm>>
      tpu.enqueue_dma source(%dma_start3A_396 : memref<1x64xf32, #tpu.memory_space<hbm>>) target(%dma_start3A_394 : memref<1x64xf32, #tpu.memory_space<hbm>>) target_semaphore(%arg19 : memref<!tpu.dma_semaphore, #tpu.memory_space<semaphore_mem>>)
      %slice3A_397 = vector.extract_strided_slice %get3A_353 {offsets = [4], sizes = [1], strides = [1]} : vector<16xi32> to vector<1xi32>
      %squeeze3A_398 = vector.extract %slice3A_397[0] : i32 from vector<1xi32>
      %mul3A_399 = arith.constant 16 : i32
      %mul3A_400 = arith.muli %scan3A_349, %mul3A_399 : i32
      %add3A_401 = arith.addi %mul3A_2, %mul3A_400 : i32
      %add3A_402 = arith.constant 4 : i32
      %add3A_403 = arith.addi %add3A_401, %add3A_402 : i32
      %dma_start3A_404 = arith.constant 0 : i32
      %dma_start3A_405 = tpu.memref_slice %arg11[%add3A_403, %dma_start3A_404] : memref<16384x64xf32, #tpu.memory_space<hbm>> -> memref<1x64xf32, #tpu.memory_space<hbm>>
      %dma_start3A_406 = arith.constant 0 : i32
      %dma_start3A_407 = tpu.memref_slice %arg3[%squeeze3A_398, %dma_start3A_406] : memref<1000000x64xf32, #tpu.memory_space<hbm>> -> memref<1x64xf32, #tpu.memory_space<hbm>>
      tpu.enqueue_dma source(%dma_start3A_407 : memref<1x64xf32, #tpu.memory_space<hbm>>) target(%dma_start3A_405 : memref<1x64xf32, #tpu.memory_space<hbm>>) target_semaphore(%arg20 : memref<!tpu.dma_semaphore, #tpu.memory_space<semaphore_mem>>)
      %slice3A_408 = vector.extract_strided_slice %get3A_353 {offsets = [5], sizes = [1], strides = [1]} : vector<16xi32> to vector<1xi32>
      %squeeze3A_409 = vector.extract %slice3A_408[0] : i32 from vector<1xi32>
      %mul3A_410 = arith.constant 16 : i32
      %mul3A_411 = arith.muli %scan3A_349, %mul3A_410 : i32
      %add3A_412 = arith.addi %mul3A_2, %mul3A_411 : i32
      %add3A_413 = arith.constant 5 : i32
      %add3A_414 = arith.addi %add3A_412, %add3A_413 : i32
      %dma_start3A_415 = arith.constant 0 : i32
      %dma_start3A_416 = tpu.memref_slice %arg11[%add3A_414, %dma_start3A_415] : memref<16384x64xf32, #tpu.memory_space<hbm>> -> memref<1x64xf32, #tpu.memory_space<hbm>>
      %dma_start3A_417 = arith.constant 0 : i32
      %dma_start3A_418 = tpu.memref_slice %arg3[%squeeze3A_409, %dma_start3A_417] : memref<1000000x64xf32, #tpu.memory_space<hbm>> -> memref<1x64xf32, #tpu.memory_space<hbm>>
      tpu.enqueue_dma source(%dma_start3A_418 : memref<1x64xf32, #tpu.memory_space<hbm>>) target(%dma_start3A_416 : memref<1x64xf32, #tpu.memory_space<hbm>>) target_semaphore(%arg21 : memref<!tpu.dma_semaphore, #tpu.memory_space<semaphore_mem>>)
      %slice3A_419 = vector.extract_strided_slice %get3A_353 {offsets = [6], sizes = [1], strides = [1]} : vector<16xi32> to vector<1xi32>
      %squeeze3A_420 = vector.extract %slice3A_419[0] : i32 from vector<1xi32>
      %mul3A_421 = arith.constant 16 : i32
      %mul3A_422 = arith.muli %scan3A_349, %mul3A_421 : i32
      %add3A_423 = arith.addi %mul3A_2, %mul3A_422 : i32
      %add3A_424 = arith.constant 6 : i32
      %add3A_425 = arith.addi %add3A_423, %add3A_424 : i32
      %dma_start3A_426 = arith.constant 0 : i32
      %dma_start3A_427 = tpu.memref_slice %arg11[%add3A_425, %dma_start3A_426] : memref<16384x64xf32, #tpu.memory_space<hbm>> -> memref<1x64xf32, #tpu.memory_space<hbm>>
      %dma_start3A_428 = arith.constant 0 : i32
      %dma_start3A_429 = tpu.memref_slice %arg3[%squeeze3A_420, %dma_start3A_428] : memref<1000000x64xf32, #tpu.memory_space<hbm>> -> memref<1x64xf32, #tpu.memory_space<hbm>>
      tpu.enqueue_dma source(%dma_start3A_429 : memref<1x64xf32, #tpu.memory_space<hbm>>) target(%dma_start3A_427 : memref<1x64xf32, #tpu.memory_space<hbm>>) target_semaphore(%arg22 : memref<!tpu.dma_semaphore, #tpu.memory_space<semaphore_mem>>)
      %slice3A_430 = vector.extract_strided_slice %get3A_353 {offsets = [7], sizes = [1], strides = [1]} : vector<16xi32> to vector<1xi32>
      %squeeze3A_431 = vector.extract %slice3A_430[0] : i32 from vector<1xi32>
      %mul3A_432 = arith.constant 16 : i32
      %mul3A_433 = arith.muli %scan3A_349, %mul3A_432 : i32
      %add3A_434 = arith.addi %mul3A_2, %mul3A_433 : i32
      %add3A_435 = arith.constant 7 : i32
      %add3A_436 = arith.addi %add3A_434, %add3A_435 : i32
      %dma_start3A_437 = arith.constant 0 : i32
      %dma_start3A_438 = tpu.memref_slice %arg11[%add3A_436, %dma_start3A_437] : memref<16384x64xf32, #tpu.memory_space<hbm>> -> memref<1x64xf32, #tpu.memory_space<hbm>>
      %dma_start3A_439 = arith.constant 0 : i32
      %dma_start3A_440 = tpu.memref_slice %arg3[%squeeze3A_431, %dma_start3A_439] : memref<1000000x64xf32, #tpu.memory_space<hbm>> -> memref<1x64xf32, #tpu.memory_space<hbm>>
      tpu.enqueue_dma source(%dma_start3A_440 : memref<1x64xf32, #tpu.memory_space<hbm>>) target(%dma_start3A_438 : memref<1x64xf32, #tpu.memory_space<hbm>>) target_semaphore(%arg23 : memref<!tpu.dma_semaphore, #tpu.memory_space<semaphore_mem>>)
      %slice3A_441 = vector.extract_strided_slice %get3A_353 {offsets = [8], sizes = [1], strides = [1]} : vector<16xi32> to vector<1xi32>
      %squeeze3A_442 = vector.extract %slice3A_441[0] : i32 from vector<1xi32>
      %mul3A_443 = arith.constant 16 : i32
      %mul3A_444 = arith.muli %scan3A_349, %mul3A_443 : i32
      %add3A_445 = arith.addi %mul3A_2, %mul3A_444 : i32
      %add3A_446 = arith.constant 8 : i32
      %add3A_447 = arith.addi %add3A_445, %add3A_446 : i32
      %dma_start3A_448 = arith.constant 0 : i32
      %dma_start3A_449 = tpu.memref_slice %arg11[%add3A_447, %dma_start3A_448] : memref<16384x64xf32, #tpu.memory_space<hbm>> -> memref<1x64xf32, #tpu.memory_space<hbm>>
      %dma_start3A_450 = arith.constant 0 : i32
      %dma_start3A_451 = tpu.memref_slice %arg3[%squeeze3A_442, %dma_start3A_450] : memref<1000000x64xf32, #tpu.memory_space<hbm>> -> memref<1x64xf32, #tpu.memory_space<hbm>>
      tpu.enqueue_dma source(%dma_start3A_451 : memref<1x64xf32, #tpu.memory_space<hbm>>) target(%dma_start3A_449 : memref<1x64xf32, #tpu.memory_space<hbm>>) target_semaphore(%arg24 : memref<!tpu.dma_semaphore, #tpu.memory_space<semaphore_mem>>)
      %slice3A_452 = vector.extract_strided_slice %get3A_353 {offsets = [9], sizes = [1], strides = [1]} : vector<16xi32> to vector<1xi32>
      %squeeze3A_453 = vector.extract %slice3A_452[0] : i32 from vector<1xi32>
      %mul3A_454 = arith.constant 16 : i32
      %mul3A_455 = arith.muli %scan3A_349, %mul3A_454 : i32
      %add3A_456 = arith.addi %mul3A_2, %mul3A_455 : i32
      %add3A_457 = arith.constant 9 : i32
      %add3A_458 = arith.addi %add3A_456, %add3A_457 : i32
      %dma_start3A_459 = arith.constant 0 : i32
      %dma_start3A_460 = tpu.memref_slice %arg11[%add3A_458, %dma_start3A_459] : memref<16384x64xf32, #tpu.memory_space<hbm>> -> memref<1x64xf32, #tpu.memory_space<hbm>>
      %dma_start3A_461 = arith.constant 0 : i32
      %dma_start3A_462 = tpu.memref_slice %arg3[%squeeze3A_453, %dma_start3A_461] : memref<1000000x64xf32, #tpu.memory_space<hbm>> -> memref<1x64xf32, #tpu.memory_space<hbm>>
      tpu.enqueue_dma source(%dma_start3A_462 : memref<1x64xf32, #tpu.memory_space<hbm>>) target(%dma_start3A_460 : memref<1x64xf32, #tpu.memory_space<hbm>>) target_semaphore(%arg25 : memref<!tpu.dma_semaphore, #tpu.memory_space<semaphore_mem>>)
      %slice3A_463 = vector.extract_strided_slice %get3A_353 {offsets = [10], sizes = [1], strides = [1]} : vector<16xi32> to vector<1xi32>
      %squeeze3A_464 = vector.extract %slice3A_463[0] : i32 from vector<1xi32>
      %mul3A_465 = arith.constant 16 : i32
      %mul3A_466 = arith.muli %scan3A_349, %mul3A_465 : i32
      %add3A_467 = arith.addi %mul3A_2, %mul3A_466 : i32
      %add3A_468 = arith.constant 10 : i32
      %add3A_469 = arith.addi %add3A_467, %add3A_468 : i32
      %dma_start3A_470 = arith.constant 0 : i32
      %dma_start3A_471 = tpu.memref_slice %arg11[%add3A_469, %dma_start3A_470] : memref<16384x64xf32, #tpu.memory_space<hbm>> -> memref<1x64xf32, #tpu.memory_space<hbm>>
      %dma_start3A_472 = arith.constant 0 : i32
      %dma_start3A_473 = tpu.memref_slice %arg3[%squeeze3A_464, %dma_start3A_472] : memref<1000000x64xf32, #tpu.memory_space<hbm>> -> memref<1x64xf32, #tpu.memory_space<hbm>>
      tpu.enqueue_dma source(%dma_start3A_473 : memref<1x64xf32, #tpu.memory_space<hbm>>) target(%dma_start3A_471 : memref<1x64xf32, #tpu.memory_space<hbm>>) target_semaphore(%arg26 : memref<!tpu.dma_semaphore, #tpu.memory_space<semaphore_mem>>)
      %slice3A_474 = vector.extract_strided_slice %get3A_353 {offsets = [11], sizes = [1], strides = [1]} : vector<16xi32> to vector<1xi32>
      %squeeze3A_475 = vector.extract %slice3A_474[0] : i32 from vector<1xi32>
      %mul3A_476 = arith.constant 16 : i32
      %mul3A_477 = arith.muli %scan3A_349, %mul3A_476 : i32
      %add3A_478 = arith.addi %mul3A_2, %mul3A_477 : i32
      %add3A_479 = arith.constant 11 : i32
      %add3A_480 = arith.addi %add3A_478, %add3A_479 : i32
      %dma_start3A_481 = arith.constant 0 : i32
      %dma_start3A_482 = tpu.memref_slice %arg11[%add3A_480, %dma_start3A_481] : memref<16384x64xf32, #tpu.memory_space<hbm>> -> memref<1x64xf32, #tpu.memory_space<hbm>>
      %dma_start3A_483 = arith.constant 0 : i32
      %dma_start3A_484 = tpu.memref_slice %arg3[%squeeze3A_475, %dma_start3A_483] : memref<1000000x64xf32, #tpu.memory_space<hbm>> -> memref<1x64xf32, #tpu.memory_space<hbm>>
      tpu.enqueue_dma source(%dma_start3A_484 : memref<1x64xf32, #tpu.memory_space<hbm>>) target(%dma_start3A_482 : memref<1x64xf32, #tpu.memory_space<hbm>>) target_semaphore(%arg27 : memref<!tpu.dma_semaphore, #tpu.memory_space<semaphore_mem>>)
      %slice3A_485 = vector.extract_strided_slice %get3A_353 {offsets = [12], sizes = [1], strides = [1]} : vector<16xi32> to vector<1xi32>
      %squeeze3A_486 = vector.extract %slice3A_485[0] : i32 from vector<1xi32>
      %mul3A_487 = arith.constant 16 : i32
      %mul3A_488 = arith.muli %scan3A_349, %mul3A_487 : i32
      %add3A_489 = arith.addi %mul3A_2, %mul3A_488 : i32
      %add3A_490 = arith.constant 12 : i32
      %add3A_491 = arith.addi %add3A_489, %add3A_490 : i32
      %dma_start3A_492 = arith.constant 0 : i32
      %dma_start3A_493 = tpu.memref_slice %arg11[%add3A_491, %dma_start3A_492] : memref<16384x64xf32, #tpu.memory_space<hbm>> -> memref<1x64xf32, #tpu.memory_space<hbm>>
      %dma_start3A_494 = arith.constant 0 : i32
      %dma_start3A_495 = tpu.memref_slice %arg3[%squeeze3A_486, %dma_start3A_494] : memref<1000000x64xf32, #tpu.memory_space<hbm>> -> memref<1x64xf32, #tpu.memory_space<hbm>>
      tpu.enqueue_dma source(%dma_start3A_495 : memref<1x64xf32, #tpu.memory_space<hbm>>) target(%dma_start3A_493 : memref<1x64xf32, #tpu.memory_space<hbm>>) target_semaphore(%arg28 : memref<!tpu.dma_semaphore, #tpu.memory_space<semaphore_mem>>)
      %slice3A_496 = vector.extract_strided_slice %get3A_353 {offsets = [13], sizes = [1], strides = [1]} : vector<16xi32> to vector<1xi32>
      %squeeze3A_497 = vector.extract %slice3A_496[0] : i32 from vector<1xi32>
      %mul3A_498 = arith.constant 16 : i32
      %mul3A_499 = arith.muli %scan3A_349, %mul3A_498 : i32
      %add3A_500 = arith.addi %mul3A_2, %mul3A_499 : i32
      %add3A_501 = arith.constant 13 : i32
      %add3A_502 = arith.addi %add3A_500, %add3A_501 : i32
      %dma_start3A_503 = arith.constant 0 : i32
      %dma_start3A_504 = tpu.memref_slice %arg11[%add3A_502, %dma_start3A_503] : memref<16384x64xf32, #tpu.memory_space<hbm>> -> memref<1x64xf32, #tpu.memory_space<hbm>>
      %dma_start3A_505 = arith.constant 0 : i32
      %dma_start3A_506 = tpu.memref_slice %arg3[%squeeze3A_497, %dma_start3A_505] : memref<1000000x64xf32, #tpu.memory_space<hbm>> -> memref<1x64xf32, #tpu.memory_space<hbm>>
      tpu.enqueue_dma source(%dma_start3A_506 : memref<1x64xf32, #tpu.memory_space<hbm>>) target(%dma_start3A_504 : memref<1x64xf32, #tpu.memory_space<hbm>>) target_semaphore(%arg29 : memref<!tpu.dma_semaphore, #tpu.memory_space<semaphore_mem>>)
      %slice3A_507 = vector.extract_strided_slice %get3A_353 {offsets = [14], sizes = [1], strides = [1]} : vector<16xi32> to vector<1xi32>
      %squeeze3A_508 = vector.extract %slice3A_507[0] : i32 from vector<1xi32>
      %mul3A_509 = arith.constant 16 : i32
      %mul3A_510 = arith.muli %scan3A_349, %mul3A_509 : i32
      %add3A_511 = arith.addi %mul3A_2, %mul3A_510 : i32
      %add3A_512 = arith.constant 14 : i32
      %add3A_513 = arith.addi %add3A_511, %add3A_512 : i32
      %dma_start3A_514 = arith.constant 0 : i32
      %dma_start3A_515 = tpu.memref_slice %arg11[%add3A_513, %dma_start3A_514] : memref<16384x64xf32, #tpu.memory_space<hbm>> -> memref<1x64xf32, #tpu.memory_space<hbm>>
      %dma_start3A_516 = arith.constant 0 : i32
      %dma_start3A_517 = tpu.memref_slice %arg3[%squeeze3A_508, %dma_start3A_516] : memref<1000000x64xf32, #tpu.memory_space<hbm>> -> memref<1x64xf32, #tpu.memory_space<hbm>>
      tpu.enqueue_dma source(%dma_start3A_517 : memref<1x64xf32, #tpu.memory_space<hbm>>) target(%dma_start3A_515 : memref<1x64xf32, #tpu.memory_space<hbm>>) target_semaphore(%arg30 : memref<!tpu.dma_semaphore, #tpu.memory_space<semaphore_mem>>)
      %slice3A_518 = vector.extract_strided_slice %get3A_353 {offsets = [15], sizes = [1], strides = [1]} : vector<16xi32> to vector<1xi32>
      %squeeze3A_519 = vector.extract %slice3A_518[0] : i32 from vector<1xi32>
      %mul3A_520 = arith.constant 16 : i32
      %mul3A_521 = arith.muli %scan3A_349, %mul3A_520 : i32
      %add3A_522 = arith.addi %mul3A_2, %mul3A_521 : i32
      %add3A_523 = arith.constant 15 : i32
      %add3A_524 = arith.addi %add3A_522, %add3A_523 : i32
      %dma_start3A_525 = arith.constant 0 : i32
      %dma_start3A_526 = tpu.memref_slice %arg11[%add3A_524, %dma_start3A_525] : memref<16384x64xf32, #tpu.memory_space<hbm>> -> memref<1x64xf32, #tpu.memory_space<hbm>>
      %dma_start3A_527 = arith.constant 0 : i32
      %dma_start3A_528 = tpu.memref_slice %arg3[%squeeze3A_519, %dma_start3A_527] : memref<1000000x64xf32, #tpu.memory_space<hbm>> -> memref<1x64xf32, #tpu.memory_space<hbm>>
      tpu.enqueue_dma source(%dma_start3A_528 : memref<1x64xf32, #tpu.memory_space<hbm>>) target(%dma_start3A_526 : memref<1x64xf32, #tpu.memory_space<hbm>>) target_semaphore(%arg31 : memref<!tpu.dma_semaphore, #tpu.memory_space<semaphore_mem>>)
      %scan3A_529 = arith.constant 0 : i32
      scf.yield %scan3A_529 : i32
    }
    %scan3A_268 = arith.constant 32 : i32
    %dma_wait3A_269 = arith.constant 0 : i32
    %dma_wait3A_270 = tpu.memref_slice %arg11[%mul3A_2, %dma_wait3A_269] : memref<16384x64xf32, #tpu.memory_space<hbm>> -> memref<1x64xf32, #tpu.memory_space<hbm>>
    %dma_wait3A_271 = arith.constant 0 : i32
    %dma_wait3A_272 = arith.constant 0 : i32
    %dma_wait3A_273 = tpu.memref_slice %arg3[%dma_wait3A_271, %dma_wait3A_272] : memref<1000000x64xf32, #tpu.memory_space<hbm>> -> memref<1x64xf32, #tpu.memory_space<hbm>>
    tpu.wait_dma2 semaphore(%arg16 : memref<!tpu.dma_semaphore, #tpu.memory_space<semaphore_mem>>) src(%dma_wait3A_273 : memref<1x64xf32, #tpu.memory_space<hbm>>) dst(%dma_wait3A_270 : memref<1x64xf32, #tpu.memory_space<hbm>>)
    %dma_wait3A_274 = arith.constant 0 : i32
    %dma_wait3A_275 = tpu.memref_slice %arg11[%mul3A_2, %dma_wait3A_274] : memref<16384x64xf32, #tpu.memory_space<hbm>> -> memref<1x64xf32, #tpu.memory_space<hbm>>
    %dma_wait3A_276 = arith.constant 0 : i32
    %dma_wait3A_277 = arith.constant 0 : i32
    %dma_wait3A_278 = tpu.memref_slice %arg3[%dma_wait3A_276, %dma_wait3A_277] : memref<1000000x64xf32, #tpu.memory_space<hbm>> -> memref<1x64xf32, #tpu.memory_space<hbm>>
    tpu.wait_dma2 semaphore(%arg17 : memref<!tpu.dma_semaphore, #tpu.memory_space<semaphore_mem>>) src(%dma_wait3A_278 : memref<1x64xf32, #tpu.memory_space<hbm>>) dst(%dma_wait3A_275 : memref<1x64xf32, #tpu.memory_space<hbm>>)
    %dma_wait3A_279 = arith.constant 0 : i32
    %dma_wait3A_280 = tpu.memref_slice %arg11[%mul3A_2, %dma_wait3A_279] : memref<16384x64xf32, #tpu.memory_space<hbm>> -> memref<1x64xf32, #tpu.memory_space<hbm>>
    %dma_wait3A_281 = arith.constant 0 : i32
    %dma_wait3A_282 = arith.constant 0 : i32
    %dma_wait3A_283 = tpu.memref_slice %arg3[%dma_wait3A_281, %dma_wait3A_282] : memref<1000000x64xf32, #tpu.memory_space<hbm>> -> memref<1x64xf32, #tpu.memory_space<hbm>>
    tpu.wait_dma2 semaphore(%arg18 : memref<!tpu.dma_semaphore, #tpu.memory_space<semaphore_mem>>) src(%dma_wait3A_283 : memref<1x64xf32, #tpu.memory_space<hbm>>) dst(%dma_wait3A_280 : memref<1x64xf32, #tpu.memory_space<hbm>>)
    %dma_wait3A_284 = arith.constant 0 : i32
    %dma_wait3A_285 = tpu.memref_slice %arg11[%mul3A_2, %dma_wait3A_284] : memref<16384x64xf32, #tpu.memory_space<hbm>> -> memref<1x64xf32, #tpu.memory_space<hbm>>
    %dma_wait3A_286 = arith.constant 0 : i32
    %dma_wait3A_287 = arith.constant 0 : i32
    %dma_wait3A_288 = tpu.memref_slice %arg3[%dma_wait3A_286, %dma_wait3A_287] : memref<1000000x64xf32, #tpu.memory_space<hbm>> -> memref<1x64xf32, #tpu.memory_space<hbm>>
    tpu.wait_dma2 semaphore(%arg19 : memref<!tpu.dma_semaphore, #tpu.memory_space<semaphore_mem>>) src(%dma_wait3A_288 : memref<1x64xf32, #tpu.memory_space<hbm>>) dst(%dma_wait3A_285 : memref<1x64xf32, #tpu.memory_space<hbm>>)
    %dma_wait3A_289 = arith.constant 0 : i32
    %dma_wait3A_290 = tpu.memref_slice %arg11[%mul3A_2, %dma_wait3A_289] : memref<16384x64xf32, #tpu.memory_space<hbm>> -> memref<1x64xf32, #tpu.memory_space<hbm>>
    %dma_wait3A_291 = arith.constant 0 : i32
    %dma_wait3A_292 = arith.constant 0 : i32
    %dma_wait3A_293 = tpu.memref_slice %arg3[%dma_wait3A_291, %dma_wait3A_292] : memref<1000000x64xf32, #tpu.memory_space<hbm>> -> memref<1x64xf32, #tpu.memory_space<hbm>>
    tpu.wait_dma2 semaphore(%arg20 : memref<!tpu.dma_semaphore, #tpu.memory_space<semaphore_mem>>) src(%dma_wait3A_293 : memref<1x64xf32, #tpu.memory_space<hbm>>) dst(%dma_wait3A_290 : memref<1x64xf32, #tpu.memory_space<hbm>>)
    %dma_wait3A_294 = arith.constant 0 : i32
    %dma_wait3A_295 = tpu.memref_slice %arg11[%mul3A_2, %dma_wait3A_294] : memref<16384x64xf32, #tpu.memory_space<hbm>> -> memref<1x64xf32, #tpu.memory_space<hbm>>
    %dma_wait3A_296 = arith.constant 0 : i32
    %dma_wait3A_297 = arith.constant 0 : i32
    %dma_wait3A_298 = tpu.memref_slice %arg3[%dma_wait3A_296, %dma_wait3A_297] : memref<1000000x64xf32, #tpu.memory_space<hbm>> -> memref<1x64xf32, #tpu.memory_space<hbm>>
    tpu.wait_dma2 semaphore(%arg21 : memref<!tpu.dma_semaphore, #tpu.memory_space<semaphore_mem>>) src(%dma_wait3A_298 : memref<1x64xf32, #tpu.memory_space<hbm>>) dst(%dma_wait3A_295 : memref<1x64xf32, #tpu.memory_space<hbm>>)
    %dma_wait3A_299 = arith.constant 0 : i32
    %dma_wait3A_300 = tpu.memref_slice %arg11[%mul3A_2, %dma_wait3A_299] : memref<16384x64xf32, #tpu.memory_space<hbm>> -> memref<1x64xf32, #tpu.memory_space<hbm>>
    %dma_wait3A_301 = arith.constant 0 : i32
    %dma_wait3A_302 = arith.constant 0 : i32
    %dma_wait3A_303 = tpu.memref_slice %arg3[%dma_wait3A_301, %dma_wait3A_302] : memref<1000000x64xf32, #tpu.memory_space<hbm>> -> memref<1x64xf32, #tpu.memory_space<hbm>>
    tpu.wait_dma2 semaphore(%arg22 : memref<!tpu.dma_semaphore, #tpu.memory_space<semaphore_mem>>) src(%dma_wait3A_303 : memref<1x64xf32, #tpu.memory_space<hbm>>) dst(%dma_wait3A_300 : memref<1x64xf32, #tpu.memory_space<hbm>>)
    %dma_wait3A_304 = arith.constant 0 : i32
    %dma_wait3A_305 = tpu.memref_slice %arg11[%mul3A_2, %dma_wait3A_304] : memref<16384x64xf32, #tpu.memory_space<hbm>> -> memref<1x64xf32, #tpu.memory_space<hbm>>
    %dma_wait3A_306 = arith.constant 0 : i32
    %dma_wait3A_307 = arith.constant 0 : i32
    %dma_wait3A_308 = tpu.memref_slice %arg3[%dma_wait3A_306, %dma_wait3A_307] : memref<1000000x64xf32, #tpu.memory_space<hbm>> -> memref<1x64xf32, #tpu.memory_space<hbm>>
    tpu.wait_dma2 semaphore(%arg23 : memref<!tpu.dma_semaphore, #tpu.memory_space<semaphore_mem>>) src(%dma_wait3A_308 : memref<1x64xf32, #tpu.memory_space<hbm>>) dst(%dma_wait3A_305 : memref<1x64xf32, #tpu.memory_space<hbm>>)
    %dma_wait3A_309 = arith.constant 0 : i32
    %dma_wait3A_310 = tpu.memref_slice %arg11[%mul3A_2, %dma_wait3A_309] : memref<16384x64xf32, #tpu.memory_space<hbm>> -> memref<1x64xf32, #tpu.memory_space<hbm>>
    %dma_wait3A_311 = arith.constant 0 : i32
    %dma_wait3A_312 = arith.constant 0 : i32
    %dma_wait3A_313 = tpu.memref_slice %arg3[%dma_wait3A_311, %dma_wait3A_312] : memref<1000000x64xf32, #tpu.memory_space<hbm>> -> memref<1x64xf32, #tpu.memory_space<hbm>>
    tpu.wait_dma2 semaphore(%arg24 : memref<!tpu.dma_semaphore, #tpu.memory_space<semaphore_mem>>) src(%dma_wait3A_313 : memref<1x64xf32, #tpu.memory_space<hbm>>) dst(%dma_wait3A_310 : memref<1x64xf32, #tpu.memory_space<hbm>>)
    %dma_wait3A_314 = arith.constant 0 : i32
    %dma_wait3A_315 = tpu.memref_slice %arg11[%mul3A_2, %dma_wait3A_314] : memref<16384x64xf32, #tpu.memory_space<hbm>> -> memref<1x64xf32, #tpu.memory_space<hbm>>
    %dma_wait3A_316 = arith.constant 0 : i32
    %dma_wait3A_317 = arith.constant 0 : i32
    %dma_wait3A_318 = tpu.memref_slice %arg3[%dma_wait3A_316, %dma_wait3A_317] : memref<1000000x64xf32, #tpu.memory_space<hbm>> -> memref<1x64xf32, #tpu.memory_space<hbm>>
    tpu.wait_dma2 semaphore(%arg25 : memref<!tpu.dma_semaphore, #tpu.memory_space<semaphore_mem>>) src(%dma_wait3A_318 : memref<1x64xf32, #tpu.memory_space<hbm>>) dst(%dma_wait3A_315 : memref<1x64xf32, #tpu.memory_space<hbm>>)
    %dma_wait3A_319 = arith.constant 0 : i32
    %dma_wait3A_320 = tpu.memref_slice %arg11[%mul3A_2, %dma_wait3A_319] : memref<16384x64xf32, #tpu.memory_space<hbm>> -> memref<1x64xf32, #tpu.memory_space<hbm>>
    %dma_wait3A_321 = arith.constant 0 : i32
    %dma_wait3A_322 = arith.constant 0 : i32
    %dma_wait3A_323 = tpu.memref_slice %arg3[%dma_wait3A_321, %dma_wait3A_322] : memref<1000000x64xf32, #tpu.memory_space<hbm>> -> memref<1x64xf32, #tpu.memory_space<hbm>>
    tpu.wait_dma2 semaphore(%arg26 : memref<!tpu.dma_semaphore, #tpu.memory_space<semaphore_mem>>) src(%dma_wait3A_323 : memref<1x64xf32, #tpu.memory_space<hbm>>) dst(%dma_wait3A_320 : memref<1x64xf32, #tpu.memory_space<hbm>>)
    %dma_wait3A_324 = arith.constant 0 : i32
    %dma_wait3A_325 = tpu.memref_slice %arg11[%mul3A_2, %dma_wait3A_324] : memref<16384x64xf32, #tpu.memory_space<hbm>> -> memref<1x64xf32, #tpu.memory_space<hbm>>
    %dma_wait3A_326 = arith.constant 0 : i32
    %dma_wait3A_327 = arith.constant 0 : i32
    %dma_wait3A_328 = tpu.memref_slice %arg3[%dma_wait3A_326, %dma_wait3A_327] : memref<1000000x64xf32, #tpu.memory_space<hbm>> -> memref<1x64xf32, #tpu.memory_space<hbm>>
    tpu.wait_dma2 semaphore(%arg27 : memref<!tpu.dma_semaphore, #tpu.memory_space<semaphore_mem>>) src(%dma_wait3A_328 : memref<1x64xf32, #tpu.memory_space<hbm>>) dst(%dma_wait3A_325 : memref<1x64xf32, #tpu.memory_space<hbm>>)
    %dma_wait3A_329 = arith.constant 0 : i32
    %dma_wait3A_330 = tpu.memref_slice %arg11[%mul3A_2, %dma_wait3A_329] : memref<16384x64xf32, #tpu.memory_space<hbm>> -> memref<1x64xf32, #tpu.memory_space<hbm>>
    %dma_wait3A_331 = arith.constant 0 : i32
    %dma_wait3A_332 = arith.constant 0 : i32
    %dma_wait3A_333 = tpu.memref_slice %arg3[%dma_wait3A_331, %dma_wait3A_332] : memref<1000000x64xf32, #tpu.memory_space<hbm>> -> memref<1x64xf32, #tpu.memory_space<hbm>>
    tpu.wait_dma2 semaphore(%arg28 : memref<!tpu.dma_semaphore, #tpu.memory_space<semaphore_mem>>) src(%dma_wait3A_333 : memref<1x64xf32, #tpu.memory_space<hbm>>) dst(%dma_wait3A_330 : memref<1x64xf32, #tpu.memory_space<hbm>>)
    %dma_wait3A_334 = arith.constant 0 : i32
    %dma_wait3A_335 = tpu.memref_slice %arg11[%mul3A_2, %dma_wait3A_334] : memref<16384x64xf32, #tpu.memory_space<hbm>> -> memref<1x64xf32, #tpu.memory_space<hbm>>
    %dma_wait3A_336 = arith.constant 0 : i32
    %dma_wait3A_337 = arith.constant 0 : i32
    %dma_wait3A_338 = tpu.memref_slice %arg3[%dma_wait3A_336, %dma_wait3A_337] : memref<1000000x64xf32, #tpu.memory_space<hbm>> -> memref<1x64xf32, #tpu.memory_space<hbm>>
    tpu.wait_dma2 semaphore(%arg29 : memref<!tpu.dma_semaphore, #tpu.memory_space<semaphore_mem>>) src(%dma_wait3A_338 : memref<1x64xf32, #tpu.memory_space<hbm>>) dst(%dma_wait3A_335 : memref<1x64xf32, #tpu.memory_space<hbm>>)
    %dma_wait3A_339 = arith.constant 0 : i32
    %dma_wait3A_340 = tpu.memref_slice %arg11[%mul3A_2, %dma_wait3A_339] : memref<16384x64xf32, #tpu.memory_space<hbm>> -> memref<1x64xf32, #tpu.memory_space<hbm>>
    %dma_wait3A_341 = arith.constant 0 : i32
    %dma_wait3A_342 = arith.constant 0 : i32
    %dma_wait3A_343 = tpu.memref_slice %arg3[%dma_wait3A_341, %dma_wait3A_342] : memref<1000000x64xf32, #tpu.memory_space<hbm>> -> memref<1x64xf32, #tpu.memory_space<hbm>>
    tpu.wait_dma2 semaphore(%arg30 : memref<!tpu.dma_semaphore, #tpu.memory_space<semaphore_mem>>) src(%dma_wait3A_343 : memref<1x64xf32, #tpu.memory_space<hbm>>) dst(%dma_wait3A_340 : memref<1x64xf32, #tpu.memory_space<hbm>>)
    %dma_wait3A_344 = arith.constant 0 : i32
    %dma_wait3A_345 = tpu.memref_slice %arg11[%mul3A_2, %dma_wait3A_344] : memref<16384x64xf32, #tpu.memory_space<hbm>> -> memref<1x64xf32, #tpu.memory_space<hbm>>
    %dma_wait3A_346 = arith.constant 0 : i32
    %dma_wait3A_347 = arith.constant 0 : i32
    %dma_wait3A_348 = tpu.memref_slice %arg3[%dma_wait3A_346, %dma_wait3A_347] : memref<1000000x64xf32, #tpu.memory_space<hbm>> -> memref<1x64xf32, #tpu.memory_space<hbm>>
    tpu.wait_dma2 semaphore(%arg31 : memref<!tpu.dma_semaphore, #tpu.memory_space<semaphore_mem>>) src(%dma_wait3A_348 : memref<1x64xf32, #tpu.memory_space<hbm>>) dst(%dma_wait3A_345 : memref<1x64xf32, #tpu.memory_space<hbm>>)
    return
  }
}

</mosaic_0001>

<sc_bundles>
// kernel: kernel.3.cloned.1.call-start
scs
__scs_entry_jumppad:
0x0: {  	(pc) =	sbr.rel $0x88, $3  }
0x1: {  	(tag) =	ssettag $0x0;
	lr =	simm.s32 $0x1  }
0x2: {  	[smem:$0x3F9B] =	sst lr;
	_ =	strace $0xD0000000  }
0x3: {  	_ = 	snop  }
0x4: {  	_ = 	snop  }
0x5: {  	_ = 	snop  }
0x6: {  	_ = 	snop  }
0x7: {  	_ = 	snop  }
__scs_overlays_trampoline_lowered:
0x8: {  	[smem:$0x3FAA] =	sst s0  }
0x9: {  	[smem:$0x3FAB] =	sst s1  }
0xa: {  	[smem:$0x3FAC] =	sst s2  }
0xb: {  	[smem:$0x3FAD] =	sst s3  }
0xc: {  	[smem:$0x3FAE] =	sst s4  }
0xd: {  	[smem:$0x3FAF] =	sst s5  }
0xe: {  	[smem:$0x3FB0] =	sst s6  }
0xf: {  	[smem:$0x3FB1] =	sst s7  }
0x10: {  	[smem:$0x3FB2] =	sst s8  }
0x11: {  	[smem:$0x3FB3] =	sst s9;
	s0 =	simm.s32 @!p0 $0x0  }
0x12: {  	s1 =	sld [smem:$0x3F99];
	s0 =	simm.s32 @p0 $0x1  }
0x13: {  	[smem:$0x3FB4] =	sst s0;
	s0 =	simm.s32 @!p1 $0x0  }
0x14: {  	s2 =	sld [smem:$0x3F98];
	s0 =	simm.s32 @p1 $0x1  }
0x15: {  	[smem:$0x3FB5] =	sst s0;
	s0 =	simm.s32 @!p2 $0x0  }
0x16: {  	s3 =	sld [smem:$0x3FDB];
	s0 =	simm.s32 @p2 $0x1  }
0x17: {  	s4 =	simm.s32 $0x1BF5;
	[smem:$0x3FB7] =	sst s0  }
0x18: {  	s0 =	sld [smem:$0x3F9A];
	_ =	swait.ge [sflag:s4], $0x0  }
0x19: {  	s7 =	sld [smem:$0x3F9B]  }
0x1a: {  	s8 =	sadd.s32 $0xFFFFE003, lr  }
0x1b: {  	s9 =	sadd.s32 $0xFFFFFEF7, lr;
	s5 =	simm.s32 $0xFFFFFFFF;
	p2 =	slt.u32 s8, $0xFFFFF086  }
0x1c: {  	p1 =	slt.u32 s9, $0xF7A;
	s5 =	simm.s32 @!p2 $0x0  }
0x1d: {  	s5 =	simm.s32 @p1 $0x1;
	p0 =	seq.s32 s7, s2  }
0x1e: {  	s7 =	smul.u32 @!p0 $0xF7A, s2;
	p2 =	seq.s32 @!p0 s5, $0x0  }
0x1f: {  	s9 =	smul.u32 $0xF7A, s1;
	s8 =	simm.s32 @!p0 $0x1BF5;
	p2 =	por !p2, p0  }
0x20: {  	[sflag:s8] =	ssyncset.s32 @!p0 $0xFFFFF086;
	s6 =	sadd.s32 @!p0 s3, s7;
	s7 =	simm.s32 @!p0 $0x108  }
0x21: {  	s3 =	sadd.s32 s3, s9;
	s6 =	sadd.s32 @!p0 $0x88, s6;
	s7 =	simm.s32 @p2 $0x1082  }
0x22: {  	[simem:s7], [sflag:s8] =	dma.local @!p0 [hbm:s6], $0xF7A  }
0x23: {  	s9 =	sor.u32 $0xD0000000, s2;
	s6 =	simm.s32 $0x108;
	_ =	swait.ge @!p0 [sflag:s8], $0x0  }
0x24: {  	s3 =	sadd.s32 $0x88, s3;
	s6 =	simm.s32 @!p1 $0x1082;
	[sflag:s4] =	ssyncset.s32 $0xFFFFF086  }
0x25: {  	[simem:s6], [sflag:s4] =	dma.local [hbm:s3], $0xF7A  }
0x26: {  	[smem:$0x3F9B] =	sst s1;
	(tag) =	ssettag s2;
	_ =	strace s9  }
0x27: {  	s1 =	sld [smem:$0x3FAB]  }
0x28: {  	s2 =	sld [smem:$0x3FAC]  }
0x29: {  	s4 =	sld [smem:$0x3FAE]  }
0x2a: {  	p0 =	seq.s32 s5, $0x0;
	s5 =	sld [smem:$0x3FAF]  }
0x2b: {  	s6 =	sld [smem:$0x3FB0]  }
0x2c: {  	s7 =	sld [smem:$0x3FB1]  }
0x2d: {  	s3 =	simm.s32 $0x108;
	s8 =	sld [smem:$0x3FB2]  }
0x2e: {  	s3 =	simm.s32 @!p0 $0x1082;
	s9 =	sld [smem:$0x3FB3]  }
0x2f: {  	lr =	sadd.s32 s0, s3;
	s0 =	sld [smem:$0x3FAA]  }
0x30: {  	s3 =	sld [smem:$0x3FAD]  }
0x31: {  	[smem:$0x3FB6] =	sst s10  }
0x32: {  	s10 =	sld [smem:$0x3FB4];
	_ =	sdelay $0x3  }
0x33: {  	p0 =	seq.s32 s10, $0x1;
	s10 =	sld [smem:$0x3FB6];
	_ =	sdelay $0x3  }
0x34: {  	[smem:$0x3FB6] =	sst s10  }
0x35: {  	s10 =	sld [smem:$0x3FB5];
	_ =	sdelay $0x3  }
0x36: {  	p1 =	seq.s32 s10, $0x1;
	s10 =	sld [smem:$0x3FB6];
	_ =	sdelay $0x3  }
0x37: {  	[smem:$0x3FB6] =	sst s10  }
0x38: {  	s10 =	sld [smem:$0x3FB7]  }
0x39: {  	_ = 	snop;
	(pc) =	sbr.ind lr, $3  }
0x3a: {  	_ = 	snop  }
0x3b: {  	_ = 	snop  }
0x3c: {  	p2 =	seq.s32 s10, $0x1;
	s10 =	sld [smem:$0x3FB6]  }
0x3d: {  	_ =	shalt  }
0x3e: {  	_ =	shalt  }
0x3f: {  	_ =	shalt  }
0x40: {  	_ =	shalt  }
0x41: {  	_ =	shalt  }
0x42: {  	_ =	shalt  }
0x43: {  	_ =	shalt  }
0x44: {  	_ =	shalt  }
0x45: {  	_ =	shalt  }
0x46: {  	_ =	shalt  }
0x47: {  	_ =	shalt  }
0x48: {  	_ =	shalt  }
0x49: {  	_ =	shalt  }
0x4a: {  	_ =	shalt  }
0x4b: {  	_ =	shalt  }
0x4c: {  	_ =	shalt  }
0x4d: {  	_ =	shalt  }
0x4e: {  	_ =	shalt  }
0x4f: {  	_ =	shalt  }
0x50: {  	_ =	shalt  }
0x51: {  	_ =	shalt  }
0x52: {  	_ =	shalt  }
0x53: {  	_ =	shalt  }
0x54: {  	_ =	shalt  }
0x55: {  	_ =	shalt  }
0x56: {  	_ =	shalt  }
0x57: {  	_ =	shalt  }
0x58: {  	_ =	shalt  }
0x59: {  	_ =	shalt  }
0x5a: {  	_ =	shalt  }
0x5b: {  	_ =	shalt  }
0x5c: {  	_ =	shalt  }
0x5d: {  	_ =	shalt  }
0x5e: {  	_ =	shalt  }
0x5f: {  	_ =	shalt  }
0x60: {  	_ =	shalt  }
0x61: {  	_ =	shalt  }
0x62: {  	_ =	shalt  }
0x63: {  	_ =	shalt  }
0x64: {  	_ =	shalt  }
0x65: {  	_ =	shalt  }
0x66: {  	_ =	shalt  }
0x67: {  	_ =	shalt  }
0x68: {  	_ =	shalt  }
0x69: {  	_ =	shalt  }
0x6a: {  	_ =	shalt  }
0x6b: {  	_ =	shalt  }
0x6c: {  	_ =	shalt  }
0x6d: {  	_ =	shalt  }
0x6e: {  	_ =	shalt  }
0x6f: {  	_ =	shalt  }
0x70: {  	_ =	shalt  }
0x71: {  	_ =	shalt  }
0x72: {  	_ =	shalt  }
0x73: {  	_ =	shalt  }
0x74: {  	_ =	shalt  }
0x75: {  	_ =	shalt  }
0x76: {  	_ =	shalt  }
0x77: {  	_ =	shalt  }
0x78: {  	_ =	shalt  }
0x79: {  	_ =	shalt  }
0x7a: {  	_ =	shalt  }
0x7b: {  	_ =	shalt  }
0x7c: {  	_ =	shalt  }
0x7d: {  	_ =	shalt  }
0x7e: {  	_ =	shalt  }
0x7f: {  	_ =	shalt  }
0x80: {  	_ =	shalt  }
0x81: {  	_ =	shalt  }
0x82: {  	_ =	shalt  }
0x83: {  	_ =	shalt  }
0x84: {  	_ =	shalt  }
0x85: {  	_ =	shalt  }
0x86: {  	_ =	shalt  }
0x87: {  	_ =	shalt  }
.Lfunc_end0:
.L_simem_size_0:
called_computation_lowered:
.L_overlay_start_0:
0x88: {  	s2 =	sld [smem:$0x3FD9]  }
0x89: {  	s3 =	sld [smem:$0x3FFE];
	_ =	sdelay $0x1  }
0x8a: {  	s1 =	srdreg.scid  }
0x8b: {  	s0 =	sand.u32 $0x1, s1  }
0x8c: {  	s17 =	sshll.u32 s0, $0xA;
	s2 =	sadd.s32 s3, s2  }
0x8d: {  	s2 =	sadd.s32 s2, s17  }
0x8e: {  	[smem:$0x3FC2] =	sst s2  }
0x8f: {  	_ = 	snop  }
0x90: {  	s2 =	sld [smem:$0x3FC7]  }
0x91: {  	s18 =	sld [smem:$0x3FC6]  }
0x92: {  	s4 =	sld [smem:$0x3FC5]  }
0x93: {  	s5 =	sld [smem:$0x3FC4];
	(tm) =	ssettm $0x1  }
0x94: {  	s6 =	sld [smem:$0x3FFB];
	_ =	sdelay $0x3  }
0x95: {  	_ =	strace s6  }
0x96: {  	s6 =	sld [smem:$0x3FFC];
	_ =	sdelay $0x3  }
0x97: {  	_ =	strace s6  }
0x98: {  	s6 =	sld [smem:$0x3FFD];
	_ =	sdelay $0x3  }
0x99: {  	_ =	strace s6  }
0x9a: {  	_ =	strace $0x8FFFFFFF  }
0x9b: {  	s19 =	sld [smem:$0x3FDB];
	_ =	sdelay $0x1  }
0x9c: {  	s7 =	simm.s32 $_scs_section_size  }
0x9d: {  	s8 =	simm.s32 $_size__tile_overlayer_lowered;
	s9 =	simm.s32 $_tile_overlayer_lowered  }
0x9e: {  	s22 =	simm.s32 $0x1BFF;
	s21 =	sshll.u32 s9, $0x1;
	s6 =	sadd.s32 s7, s19  }
0x9f: {  	s10 =	simm.s32 $0x0;
	s20 =	sshll.u32 s8, $0x1;
	s8 =	sadd.s32 s21, s6  }
0xa0: {  	[timem:s10], [sflag:s22] =	dma.local [hbm:s8], s20  }
0xa1: {  	_ =	swait.ge [sflag:s22], s20  }
0xa2: {  	s7 =	ssub.s32 $0x0, s20;
	[sflag:s22] =	ssyncset.done $0x0  }
0xa3: {  	[sflag:s22] =	ssyncadd.s32 s7;
	_ =	sdelay $0x1  }
0xa4: {  	s23 =	simm.s32 $0x1B8B  }
0xa5: {  	_ =	swait.ge [sflag:s23], $0x1  }
0xa6: {  	[sflag:s23] =	ssyncset.done $0x0  }
0xa7: {  	s25 =	simm.s32 $0x1B8E;
	s24 =	sld [smem:$0x3FFE];
	[sflag:s23] =	ssyncadd.s32 $0xFFFFFFFF  }
0xa8: {  	s26 =	simm.s32 $execute0_lowered;
	[smem:$0x3FD2] =	sst s25  }
0xa9: {  	s8 =	sshll.u32 s26, $0x1;
	_ =	strace $0x80000046;
	[dreg:$0x1] =	wrdreg $0xFFFFFFFF  }
0xaa: {  	s28 =	simm.s32 $_size_execute0_lowered;
	s6 =	sadd.s32 s6, s8;
	[dreg:$0x0] =	wrdreg $0x0  }
0xab: {  	s8 =	sshll.u32 s28, $0x1;
	[dreg:$0x2] =	wrdreg s6  }
0xac: {  	[dreg:$0x3] =	wrdreg s8  }
0xad: {  	[dreg:$0x4] =	wrdreg $0xC0  }
0xae: {  	_ =	task [dreg:s10], $0x5FFFF  }
0xaf: {  	[dreg:$0x1] =	wrdreg $0xFFFFFFFF  }
0xb0: {  	[dreg:$0x0] =	wrdreg $0x60  }
0xb1: {  	[dreg:$0x2] =	wrdreg s24  }
0xb2: {  	[dreg:$0x3] =	wrdreg s2  }
0xb3: {  	[dreg:$0x4] =	wrdreg s18  }
0xb4: {  	[dreg:$0x5] =	wrdreg s4  }
0xb5: {  	[dreg:$0x6] =	wrdreg s5  }
0xb6: {  	[dreg:$0x7] =	wrdreg $0x9  }
0xb7: {  	_ =	task.clear_ibuf [dreg:s10], $0x8FFFF;
	_ =	strace $0x90000046  }
0xb8: {  	s29 =	simm.s32 $0x9;
	_ =	strace $0x80000048  }
0xb9: {  	_ =	swait.ge [sflag:s29], $0x1  }
0xba: {  	[sflag:s29] =	ssyncadd.s32 $0xFFFFFFFF  }
0xbb: {  	_ =	strace $0x90000048  }
0xbc: {  	_ =	sfence  }
0xbd: {  	s30 =	sld [smem:$0x0];
	_ =	sdelay $0x2  }
0xbe: {  	s31 =	sshll.u32 s1, $0xD;
	s1 =	sshrl.u32 s1, $0x2  }
0xbf: {  	s3 =	sand.u32 $0x4000, s31;
	s1 =	sadd.s32 s1, s30  }
0xc0: {  	s0 =	sor.u32 s3, s0;
	s1 =	sshll.u32 s1, $0x11  }
0xc1: {  	s0 =	sor.u32 s1, s0  }
0xc2: {  	s0 =	sadd.s32 $0x8F2B, s0  }
0xc3: {  	[sflag:s0] =	ssyncadd.remote.s32 $0x1  }
0xc4: {  	_ =	sfence.sel $0xFFFF  }
0xc5: {  	[dreg:$0x0] =	wrdreg $0xFFFFFFFF;
	(pc) =	sbr.abs _section_cstart, $3  }
0xc6: {  	[dreg:$0x1] =	wrdreg $0xFFFFFFFF  }
0xc7: {  	_ =	task.clear_ibuf [dreg:s10], $0x2FFFF;
	_ =	strace $0x9FFFFFFF  }
0xc8: {  	(tm) =	ssettm $0x7FFFFFFF  }
0xc9: {  	_ =	shalt  }
tec
execute0_lowered:
.L_overlay_start_1:
0x0: {  	(tag) =	ssettag $0x1  }
0x1: {  	s0 =	rddreg [dreg:$0x0]  }
0x2: {  	s1 =	rddreg [dreg:$0x1]  }
0x3: {  	s2 =	rddreg [dreg:$0x2]  }
0x4: {  	s5 =	rddreg [dreg:$0x3]  }
0x5: {  	s6 =	rddreg [dreg:$0x4];
	s3 =	simm.s32 $0x0;
	s15 =	stileid.u32  }
0x6: {  	[smem:$0x7FF] =	sst s3;
	s25 =	sshll.u32 s15, $0x6  }
0x7: {  	s4 =	sadd.s32 $0x1A00, s0;
	_ =	strace $0x80000047;
	[smem:$0x7FD] =	sst s25  }
0x8: {  	s23 =	sadd.s32 $0xF43E00, s0;
	[dreg:$0xa] =	wrdreg s4  }
0x9: {  	s8 =	srdreg.scid;
	s26 =	sor.u32 $0x1C03, s25;
	[dreg:$0xb] =	wrdreg s23  }
0xa: {  	s7 =	sshll.u32 s15, $0xE;
	s28 =	sor.u32 $0x1C01, s25;
	[dreg:$0xc] =	wrdreg s26  }
0xb: {  	s16 =	sand.u32 $0x1, s8;
	s29 =	sor.u32 $0x1C02, s25;
	[dreg:$0xd] =	wrdreg s28  }
0xc: {  	s0 =	sadd.s32 s7, s0;
	s3 =	sor.u32 $0x1C04, s25;
	[dreg:$0xe] =	wrdreg s29  }
0xd: {  	s7 =	sshll.u32 s16, $0xD;
	s30 =	sor.u32 $0x1C05, s25;
	[dreg:$0xf] =	wrdreg s3  }
0xe: {  	s31 =	sor.u32 $0x1C06, s25;
	s0 =	sadd.s32 s7, s0;
	[dreg:$0x10] =	wrdreg s30  }
0xf: {  	s9 =	sshll.u32 s15, $0xA;
	[dreg:$0x11] =	wrdreg s31;
	s18 =	sadd.s32 $0x1E86200, s0  }
0x10: {  	s10 =	sshll.u32 s16, $0x9;
	s20 =	sadd.s32 $0x1EC6200, s0;
	[dreg:$0x6] =	wrdreg s18  }
0x11: {  	s9 =	sor.u32 s10, s9;
	s22 =	sadd.s32 $0x1F06200, s0;
	[dreg:$0x7] =	wrdreg s20  }
0x12: {  	s9 =	sshrl.u32 s9, $0x3;
	s0 =	sadd.s32 $0x1F46200, s0;
	[dreg:$0x8] =	wrdreg s22  }
0x13: {  	s1 =	sadd.s32 s1, s9;
	[dreg:$0x9] =	wrdreg s0  }
0x14: {  	s8 =	ssub.s32 $0x2, s16;
	s17 =	sadd.s32 s2, s9;
	[smem:$0x7F8] =	sst s1  }
0x15: {  	s11 =	sshrl.u32 s8, $0x1;
	s19 =	sadd.s32 s5, s9;
	[smem:$0x7F9] =	sst s17  }
0x16: {  	s8 =	ssub.s32 s8, s11;
	s21 =	sadd.s32 s6, s9;
	[smem:$0x7FA] =	sst s19  }
0x17: {  	s24 =	smax.u32 s8, $0x1;
	[smem:$0x7FB] =	sst s21  }
0x18: {  	s0 =	sor.u32 $0x1C07, s25;
	[smem:$0x7FC] =	sst s24  }
0x19: {  	s5 =	simm.s32 $0x0;
	[dreg:$0x12] =	wrdreg s0  }
.LBB2_1:
0x1a: {  	s1 =	sld [smem:$0x7F8];
	_ =	sdelay $0x1  }
0x1b: {  	[smem:$0x7F7] =	sst s5;
	s0 =	simm.s32 $0x0;
	s2 =	simm.s32 $0x11  }
0x1c: {  	[tilespmem:s0], [sflag:$0x11] =	stream.linear.gather [hbm4b:s1+s0], $0x200, $0x38;
	[tilespmem:$0x800] =	vst v63  }
0x1d: {  	_ =	swait.ge [sflag:s2], $0x200  }
0x1e: {  	s21 =	sld [smem:$0x7F9]  }
0x1f: {  	[sflag:s2] =	ssyncset.done $0x0  }
0x20: {  	s3 =	simm.s32 $0x200;
	[sflag:s2] =	ssyncadd.s32 $0xFFFFFE00  }
0x21: {  	[tilespmem:s3], [sflag:$0x11] =	stream.linear.gather [hbm4b:s21+s0], $0x200, $0x38;
	[tilespmem:$0x800] =	vst v63  }
0x22: {  	_ =	swait.ge [sflag:s2], $0x200  }
0x23: {  	s22 =	sld [smem:$0x7FA]  }
0x24: {  	[sflag:s2] =	ssyncset.done $0x0  }
0x25: {  	s23 =	simm.s32 $0x400;
	[sflag:s2] =	ssyncadd.s32 $0xFFFFFE00  }
0x26: {  	[tilespmem:s23], [sflag:$0x11] =	stream.linear.gather [hbm4b:s22+s0], $0x200, $0x38;
	[tilespmem:$0x800] =	vst v63  }
0x27: {  	_ =	swait.ge [sflag:s2], $0x200  }
0x28: {  	s24 =	sld [smem:$0x7FB]  }
0x29: {  	[sflag:s2] =	ssyncset.done $0x0  }
0x2a: {  	s25 =	simm.s32 $0x600;
	[sflag:s2] =	ssyncadd.s32 $0xFFFFFE00  }
0x2b: {  	[tilespmem:s25], [sflag:$0x11] =	stream.linear.gather [hbm4b:s24+s0], $0x200, $0x38;
	[tilespmem:$0x800] =	vst v63  }
0x2c: {  	_ =	swait.ge [sflag:s2], $0x200  }
0x2d: {  	[sflag:s2] =	ssyncset.done $0x0  }
0x2e: {  	p0 =	por $0x1, $0x1;
	[sflag:s2] =	ssyncadd.s32 $0xFFFFFE00  }
0x2f: {  	v0 =	vld [tilespmem:s0+$0x0];
	s0 =	simm.s32 @!p0 $0x1  }
0x30: {  	_ =	swait.ge @!p0 [sflag:s0], $0x10  }
0x31: {  	[sflag:s0] =	ssyncset.done @!p0 $0x0  }
0x32: {  	[sflag:s0] =	ssyncadd.s32 @!p0 $0xFFFFFFF0;
	s0 =	simm.s32 @!p0 $0x2  }
0x33: {  	_ =	swait.ge @!p0 [sflag:s0], $0x10  }
0x34: {  	[sflag:s0] =	ssyncset.done @!p0 $0x0;
	v0 =	vshll.u32 v0, $0x4  }
0x35: {  	[sflag:s0] =	ssyncadd.s32 @!p0 $0xFFFFFFF0;
	s0 =	simm.s32 @!p0 $0x3;
	(v2sf) =	vpush v0, $0x0  }
0x36: {  	_ =	swait.ge @!p0 [sflag:s0], $0x10  }
0x37: {  	(v2sf) =	vpush v0, $0x1  }
0x38: {  	[sflag:s0] =	ssyncset.done @!p0 $0x0;
	(v2sf) =	vpush v0, $0x2  }
0x39: {  	s1 =	simm.s32 @!p0 $0x4;
	[sflag:s0] =	ssyncadd.s32 @!p0 $0xFFFFFFF0;
	(v2sf) =	vpush v0, $0x3  }
0x3a: {  	_ =	swait.ge @!p0 [sflag:s1], $0x10  }
0x3b: {  	(v2sf) =	vpush v0, $0x4  }
0x3c: {  	[sflag:s1] =	ssyncset.done @!p0 $0x0;
	(v2sf) =	vpush v0, $0x5  }
0x3d: {  	s0 =	simm.s32 @!p0 $0x5;
	[sflag:s1] =	ssyncadd.s32 @!p0 $0xFFFFFFF0;
	(v2sf) =	vpush v0, $0x6  }
0x3e: {  	_ =	swait.ge @!p0 [sflag:s0], $0x10  }
0x3f: {  	(v2sf) =	vpush v0, $0x7  }
0x40: {  	[sflag:s0] =	ssyncset.done @!p0 $0x0;
	(v2sf) =	vpush v0, $0x8  }
0x41: {  	[sflag:s0] =	ssyncadd.s32 @!p0 $0xFFFFFFF0;
	s0 =	simm.s32 @!p0 $0x6;
	(v2sf) =	vpush v0, $0x9  }
0x42: {  	_ =	swait.ge @!p0 [sflag:s0], $0x10  }
0x43: {  	(v2sf) =	vpush v0, $0xA  }
0x44: {  	[sflag:s0] =	ssyncset.done @!p0 $0x0;
	(v2sf) =	vpush v0, $0xB  }
0x45: {  	[sflag:s0] =	ssyncadd.s32 @!p0 $0xFFFFFFF0;
	s0 =	simm.s32 @!p0 $0x7;
	(v2sf) =	vpush v0, $0xC  }
0x46: {  	_ =	swait.ge @!p0 [sflag:s0], $0x10  }
0x47: {  	(v2sf) =	vpush v0, $0xD  }
0x48: {  	[sflag:s0] =	ssyncset.done @!p0 $0x0;
	(v2sf) =	vpush v0, $0xE  }
0x49: {  	s26 =	spop (v2sf);
	[sflag:s0] =	ssyncadd.s32 @!p0 $0xFFFFFFF0;
	s0 =	simm.s32 @!p0 $0x8;
	(v2sf) =	vpush v0, $0xF  }
0x4a: {  	_ =	swait.ge @!p0 [sflag:s0], $0x10  }
0x4b: {  	s29 =	spop (v2sf)  }
0x4c: {  	[sflag:s0] =	ssyncset.done @!p0 $0x0;
	s6 =	spop (v2sf)  }
0x4d: {  	s2 =	simm.s32 @!p0 $0x9;
	[sflag:s0] =	ssyncadd.s32 @!p0 $0xFFFFFFF0;
	s21 =	spop (v2sf)  }
0x4e: {  	_ =	swait.ge @!p0 [sflag:s2], $0x10  }
0x4f: {  	s7 =	spop (v2sf)  }
0x50: {  	[sflag:s2] =	ssyncset.done @!p0 $0x0;
	s8 =	spop (v2sf)  }
0x51: {  	s9 =	simm.s32 @!p0 $0xA;
	[sflag:s2] =	ssyncadd.s32 @!p0 $0xFFFFFFF0;
	s10 =	spop (v2sf)  }
0x52: {  	_ =	swait.ge @!p0 [sflag:s9], $0x10  }
0x53: {  	s16 =	simm.s32 @!p0 $0xC;
	s11 =	spop (v2sf)  }
0x54: {  	s19 =	simm.s32 @!p0 $0xD;
	[sflag:s9] =	ssyncset.done @!p0 $0x0;
	s12 =	spop (v2sf)  }
0x55: {  	s2 =	simm.s32 @!p0 $0xB;
	[sflag:s9] =	ssyncadd.s32 @!p0 $0xFFFFFFF0;
	s13 =	spop (v2sf)  }
0x56: {  	s23 =	simm.s32 $0x100;
	s31 =	sand.u32 $0x1FFFFFF0, s26;
	_ =	swait.ge @!p0 [sflag:s2], $0x10  }
0x57: {  	s0 =	simm.s32 @!p0 $0xE;
	s30 =	sand.u32 $0x1FFFFFF0, s6;
	[sflag:s2] =	ssyncset.done @!p0 $0x0  }
0x58: {  	s7 =	sand.u32 $0x1FFFFFF0, s7;
	[sflag:s2] =	ssyncadd.s32 @!p0 $0xFFFFFFF0;
	s2 =	sld [smem:$0x7FD]  }
0x59: {  	s8 =	sand.u32 $0x1FFFFFF0, s8;
	s9 =	sand.u32 $0x1FFFFFF0, s29;
	s29 =	sand.u32 $0x1FFFFFF0, s21  }
0x5a: {  	s21 =	sand.u32 $0x1FFFFFF0, s12;
	s5 =	sand.u32 $0x1FFFFFF0, s13;
	s14 =	spop (v2sf)  }
0x5b: {  	s15 =	spop (v2sf);
	s14 =	sand.u32 $0x1FFFFFF0, s14;
	s22 =	sor.u32 $0x1C10, s2  }
0x5c: {  	s17 =	spop (v2sf);
	s6 =	sand.u32 $0x1FFFFFF0, s15;
	[dreg:$0x13] =	wrdreg s22  }
0x5d: {  	s15 =	simm.s32 @!p0 $0x10;
	s12 =	sand.u32 $0x1FFFFFF0, s17;
	_ =	swait.ge @!p0 [sflag:s16], $0x10  }
0x5e: {  	s24 =	sor.u32 $0x1C0E, s2;
	s25 =	sor.u32 $0x1C0F, s2;
	s18 =	spop (v2sf)  }
0x5f: {  	[dreg:$0x15] =	wrdreg s24;
	[sflag:s16] =	ssyncset.done @!p0 $0x0;
	s20 =	spop (v2sf)  }
0x60: {  	[dreg:$0x14] =	wrdreg s25;
	[sflag:s16] =	ssyncadd.s32 @!p0 $0xFFFFFFF0;
	s26 =	spop (v2sf)  }
0x61: {  	s28 =	sadd.s32 s4, s6;
	s6 =	sadd.s32 s4, s5;
	_ =	swait.ge @!p0 [sflag:s19], $0x10  }
0x62: {  	s5 =	sadd.s32 s4, s14;
	s14 =	sadd.s32 s4, s30;
	[sflag:s19] =	ssyncset.done @!p0 $0x0  }
0x63: {  	s30 =	simm.s32 $0x0;
	s17 =	sor.u32 $0x1C0D, s2;
	[sflag:s19] =	ssyncadd.s32 @!p0 $0xFFFFFFF0  }
0x64: {  	s12 =	sadd.s32 s4, s12;
	s22 =	sor.u32 $0x1C0C, s2;
	_ =	swait.ge @!p0 [sflag:s0], $0x10  }
0x65: {  	s24 =	sor.u32 $0x1C0A, s2;
	s25 =	sor.u32 $0x1C08, s2;
	[sflag:s0] =	ssyncset.done @!p0 $0x0  }
0x66: {  	s16 =	sand.u32 $0x1FFFFFF0, s11;
	[sflag:s0] =	ssyncadd.s32 @!p0 $0xFFFFFFF0;
	s0 =	simm.s32 @!p0 $0xF  }
0x67: {  	s19 =	sand.u32 $0x1FFFFFF0, s10;
	s10 =	sand.u32 $0x1FFFFFF0, s20;
	_ =	swait.ge @!p0 [sflag:s0], $0x10  }
0x68: {  	s20 =	sor.u32 $0x1C0B, s2;
	[dreg:$0x16] =	wrdreg s17;
	[sflag:s0] =	ssyncset.done @!p0 $0x0  }
0x69: {  	s13 =	sand.u32 $0x1FFFFFF0, s18;
	[dreg:$0x17] =	wrdreg s20;
	[sflag:s0] =	ssyncadd.s32 @!p0 $0xFFFFFFF0  }
0x6a: {  	s16 =	sadd.s32 s4, s16;
	_ =	swait.ge @!p0 [sflag:s15], $0x10;
	[dreg:$0x18] =	wrdreg s22  }
0x6b: {  	s18 =	sand.u32 $0x1FFFFFF0, s26;
	s26 =	sor.u32 $0x1C09, s2;
	[dreg:$0x19] =	wrdreg s24  }
0x6c: {  	s19 =	sadd.s32 s4, s19;
	s20 =	sadd.s32 s4, s9;
	[dreg:$0x1a] =	wrdreg s25  }
0x6d: {  	[dreg:$0x1b] =	wrdreg s26;
	s24 =	sadd.s32 s4, s18;
	s25 =	sadd.s32 s4, s13  }
0x6e: {  	s13 =	sadd.s32 s4, s10;
	s18 =	sadd.s32 s4, s8;
	[sflag:s15] =	ssyncset.done @!p0 $0x0  }
0x6f: {  	s22 =	simm.s32 $0x10;
	s8 =	rddreg [dreg:$0x6];
	[sflag:s15] =	ssyncadd.s32 @!p0 $0xFFFFFFF0  }
0x70: {  	s15 =	sadd.s32 s4, s21;
	s21 =	sadd.s32 s4, s7;
	s7 =	sadd.s32 s4, s29  }
.LBB2_2:
0x71: {  	[smem:$0x7F5] =	sst s28  }
0x72: {  	[smem:$0x7F6] =	sst s24;
	p0 =	seq.s32 s23, $0x0;
	s17 =	sadd.s32 s4, s31  }
0x73: {  	s8 =	sadd.s32 s30, s8;
	s28 =	smov.u32 s22;
	s31 =	smov.u32 s12  }
0x74: {  	s12 =	smov.u32 s23;
	s9 =	smov.u32 s25;
	s30 =	sadd.s32 $0x40, s8  }
0x75: {  	s0 =	sadd.s32 $0x90, s8;
	s11 =	sadd.s32 $0xC0, s8;
	s2 =	sadd.s32 $0x10, s8  }
0x76: {  	s10 =	sadd.s32 $0x60, s8;
	s22 =	sadd.s32 $0xA0, s8;
	s23 =	sadd.s32 $0x30, s8  }
0x77: {  	s24 =	sadd.s32 $0x80, s8;
	s25 =	sadd.s32 $0xB0, s8;
	[smem:$0x7F4] =	sst s0  }
0x78: {  	s26 =	sadd.s32 $0x20, s8;
	s3 =	sadd.s32 $0x50, s8;
	[dreg:$0x1c] =	wrdreg s11  }
0x79: {  	s4 =	sadd.s32 $0x70, s8;
	s29 =	sadd.s32 $0xD0, s8;
	s11 =	rddreg [dreg:$0xd]  }
0x7a: {  	[hbm:s8], [sflag:s11] =	dma.local [hbm:s17], $0x10  }
0x7b: {  	s1 =	sadd.s32 $0xF0, s8;
	s0 =	sadd.s32 $0xE0, s8;
	s8 =	rddreg [dreg:$0xe]  }
0x7c: {  	[hbm:s2], [sflag:s8] =	dma.local [hbm:s20], $0x10  }
0x7d: {  	s2 =	rddreg [dreg:$0xc]  }
0x7e: {  	[hbm:s26], [sflag:s2] =	dma.local [hbm:s14], $0x10  }
0x7f: {  	s26 =	rddreg [dreg:$0xc]  }
0x80: {  	s2 =	rddreg [dreg:$0xf]  }
0x81: {  	[hbm:s23], [sflag:s2] =	dma.local [hbm:s7], $0x10  }
0x82: {  	s2 =	rddreg [dreg:$0x10]  }
0x83: {  	[hbm:s30], [sflag:s2] =	dma.local [hbm:s21], $0x10  }
0x84: {  	s2 =	rddreg [dreg:$0x11]  }
0x85: {  	[hbm:s3], [sflag:s2] =	dma.local [hbm:s18], $0x10  }
0x86: {  	s2 =	rddreg [dreg:$0x12]  }
0x87: {  	[hbm:s10], [sflag:s2] =	dma.local [hbm:s19], $0x10  }
0x88: {  	s2 =	rddreg [dreg:$0x1a]  }
0x89: {  	[hbm:s4], [sflag:s2] =	dma.local [hbm:s16], $0x10  }
0x8a: {  	s2 =	rddreg [dreg:$0x1b]  }
0x8b: {  	[hbm:s24], [sflag:s2] =	dma.local [hbm:s15], $0x10  }
0x8c: {  	s18 =	sld [smem:$0x7F4];
	_ =	sdelay $0x1  }
0x8d: {  	s2 =	rddreg [dreg:$0x19]  }
0x8e: {  	[hbm:s18], [sflag:s2] =	dma.local [hbm:s6], $0x10  }
0x8f: {  	s2 =	rddreg [dreg:$0x17]  }
0x90: {  	[hbm:s22], [sflag:s2] =	dma.local [hbm:s5], $0x10  }
0x91: {  	s19 =	sld [smem:$0x7F5];
	_ =	sdelay $0x1  }
0x92: {  	s2 =	rddreg [dreg:$0x18]  }
0x93: {  	[hbm:s25], [sflag:s2] =	dma.local [hbm:s19], $0x10  }
0x94: {  	s2 =	rddreg [dreg:$0x16]  }
0x95: {  	s3 =	rddreg [dreg:$0x1c]  }
0x96: {  	[hbm:s3], [sflag:s2] =	dma.local [hbm:s31], $0x10  }
0x97: {  	s2 =	rddreg [dreg:$0x15]  }
0x98: {  	[hbm:s29], [sflag:s2] =	dma.local [hbm:s9], $0x10  }
0x99: {  	s2 =	rddreg [dreg:$0x14]  }
0x9a: {  	[hbm:s0], [sflag:s2] =	dma.local [hbm:s13], $0x10  }
0x9b: {  	s2 =	sld [smem:$0x7F6];
	_ =	sdelay $0x1  }
0x9c: {  	s0 =	rddreg [dreg:$0x13]  }
0x9d: {  	[hbm:s1], [sflag:s0] =	dma.local [hbm:s2], $0x10  }
0x9e: {  	s0 =	simm.s32 @!p0 $0x1;
	v0 =	vld [tilespmem:s28+$0x0]  }
0x9f: {  	_ =	swait.ge @!p0 [sflag:s0], $0x10  }
0xa0: {  	[sflag:s0] =	ssyncset.done @!p0 $0x0  }
0xa1: {  	[sflag:s0] =	ssyncadd.s32 @!p0 $0xFFFFFFF0;
	s0 =	simm.s32 @!p0 $0x2  }
0xa2: {  	_ =	swait.ge @!p0 [sflag:s0], $0x10  }
0xa3: {  	[sflag:s0] =	ssyncset.done @!p0 $0x0;
	v0 =	vshll.u32 v0, $0x4  }
0xa4: {  	[sflag:s0] =	ssyncadd.s32 @!p0 $0xFFFFFFF0;
	s0 =	simm.s32 @!p0 $0x3;
	(v2sf) =	vpush v0, $0x0  }
0xa5: {  	_ =	swait.ge @!p0 [sflag:s0], $0x10  }
0xa6: {  	(v2sf) =	vpush v0, $0x1  }
0xa7: {  	[sflag:s0] =	ssyncset.done @!p0 $0x0;
	(v2sf) =	vpush v0, $0x2  }
0xa8: {  	s1 =	simm.s32 @!p0 $0x4;
	[sflag:s0] =	ssyncadd.s32 @!p0 $0xFFFFFFF0;
	(v2sf) =	vpush v0, $0x3  }
0xa9: {  	_ =	swait.ge @!p0 [sflag:s1], $0x10  }
0xaa: {  	(v2sf) =	vpush v0, $0x4  }
0xab: {  	[sflag:s1] =	ssyncset.done @!p0 $0x0;
	(v2sf) =	vpush v0, $0x5  }
0xac: {  	s0 =	simm.s32 @!p0 $0x5;
	[sflag:s1] =	ssyncadd.s32 @!p0 $0xFFFFFFF0;
	(v2sf) =	vpush v0, $0x6  }
0xad: {  	_ =	swait.ge @!p0 [sflag:s0], $0x10  }
0xae: {  	(v2sf) =	vpush v0, $0x7  }
0xaf: {  	[sflag:s0] =	ssyncset.done @!p0 $0x0;
	(v2sf) =	vpush v0, $0x8  }
0xb0: {  	[sflag:s0] =	ssyncadd.s32 @!p0 $0xFFFFFFF0;
	s0 =	simm.s32 @!p0 $0x6;
	(v2sf) =	vpush v0, $0x9  }
0xb1: {  	_ =	swait.ge @!p0 [sflag:s0], $0x10  }
0xb2: {  	(v2sf) =	vpush v0, $0xA  }
0xb3: {  	[sflag:s0] =	ssyncset.done @!p0 $0x0;
	(v2sf) =	vpush v0, $0xB  }
0xb4: {  	s2 =	simm.s32 @!p0 $0x7;
	[sflag:s0] =	ssyncadd.s32 @!p0 $0xFFFFFFF0;
	(v2sf) =	vpush v0, $0xC  }
0xb5: {  	_ =	swait.ge @!p0 [sflag:s2], $0x10  }
0xb6: {  	(v2sf) =	vpush v0, $0xD  }
0xb7: {  	[sflag:s2] =	ssyncset.done @!p0 $0x0;
	(v2sf) =	vpush v0, $0xE  }
0xb8: {  	s20 =	spop (v2sf);
	[sflag:s2] =	ssyncadd.s32 @!p0 $0xFFFFFFF0;
	s2 =	simm.s32 @!p0 $0x8;
	(v2sf) =	vpush v0, $0xF  }
0xb9: {  	_ =	swait.ge @!p0 [sflag:s2], $0x10  }
0xba: {  	s21 =	spop (v2sf)  }
0xbb: {  	[sflag:s2] =	ssyncset.done @!p0 $0x0;
	s22 =	spop (v2sf)  }
0xbc: {  	s4 =	simm.s32 @!p0 $0x9;
	[sflag:s2] =	ssyncadd.s32 @!p0 $0xFFFFFFF0;
	s24 =	spop (v2sf)  }
0xbd: {  	_ =	swait.ge @!p0 [sflag:s4], $0x10  }
0xbe: {  	s25 =	spop (v2sf)  }
0xbf: {  	[sflag:s4] =	ssyncset.done @!p0 $0x0;
	s29 =	spop (v2sf)  }
0xc0: {  	s5 =	simm.s32 @!p0 $0xA;
	[sflag:s4] =	ssyncadd.s32 @!p0 $0xFFFFFFF0;
	s4 =	spop (v2sf)  }
0xc1: {  	_ =	swait.ge @!p0 [sflag:s5], $0x10  }
0xc2: {  	s6 =	spop (v2sf)  }
0xc3: {  	[sflag:s5] =	ssyncset.done @!p0 $0x0;
	s8 =	spop (v2sf)  }
0xc4: {  	s3 =	simm.s32 @!p0 $0xB;
	[sflag:s5] =	ssyncadd.s32 @!p0 $0xFFFFFFF0;
	s9 =	spop (v2sf)  }
0xc5: {  	_ =	swait.ge @!p0 [sflag:s3], $0x10  }
0xc6: {  	s23 =	sadd.s32 $0x100, s12;
	s10 =	spop (v2sf)  }
0xc7: {  	s30 =	smov.u32 s12;
	[sflag:s3] =	ssyncset.done @!p0 $0x0;
	s11 =	spop (v2sf)  }
0xc8: {  	s1 =	simm.s32 @!p0 $0xC;
	[sflag:s3] =	ssyncadd.s32 @!p0 $0xFFFFFFF0;
	s12 =	spop (v2sf)  }
0xc9: {  	_ =	swait.ge @!p0 [sflag:s1], $0x10  }
0xca: {  	s13 =	spop (v2sf)  }
0xcb: {  	s0 =	simm.s32 @!p0 $0xD;
	[sflag:s1] =	ssyncset.done @!p0 $0x0;
	s15 =	spop (v2sf)  }
0xcc: {  	s14 =	sand.u32 $0x1FFFFFF0, s22;
	[sflag:s1] =	ssyncadd.s32 @!p0 $0xFFFFFFF0;
	s22 =	spop (v2sf)  }
0xcd: {  	p1 =	sne.s32 s23, $0x2000;
	_ =	swait.ge @!p0 [sflag:s0], $0x10  }
0xce: {  	s31 =	sand.u32 $0x1FFFFFF0, s20;
	s7 =	sand.u32 $0x1FFFFFF0, s21;
	[sflag:s0] =	ssyncset.done @!p0 $0x0  }
0xcf: {  	s21 =	simm.s32 @!p0 $0x10;
	[sflag:s0] =	ssyncadd.s32 @!p0 $0xFFFFFFF0;
	s0 =	simm.s32 @!p0 $0xE  }
0xd0: {  	s17 =	sand.u32 $0x1FFFFFF0, s24;
	s18 =	sand.u32 $0x1FFFFFF0, s25;
	_ =	swait.ge @!p0 [sflag:s0], $0x10  }
0xd1: {  	s20 =	sand.u32 $0x1FFFFFF0, s29;
	s19 =	sand.u32 $0x1FFFFFF0, s4;
	[sflag:s0] =	ssyncset.done @!p0 $0x0  }
0xd2: {  	s2 =	sand.u32 $0x1FFFFFF0, s6;
	[sflag:s0] =	ssyncadd.s32 @!p0 $0xFFFFFFF0;
	s0 =	simm.s32 @!p0 $0xF  }
0xd3: {  	s4 =	sand.u32 $0x1FFFFFF0, s8;
	s24 =	rddreg [dreg:$0xa];
	_ =	swait.ge @!p0 [sflag:s0], $0x10  }
0xd4: {  	s5 =	sand.u32 $0x1FFFFFF0, s9;
	s8 =	sand.u32 $0x1FFFFFF0, s10;
	s25 =	rddreg [dreg:$0xa]  }
0xd5: {  	s3 =	sand.u32 $0x1FFFFFF0, s11;
	s10 =	sand.u32 $0x1FFFFFF0, s22;
	s29 =	rddreg [dreg:$0xa]  }
0xd6: {  	s6 =	sand.u32 $0x1FFFFFF0, s12;
	s24 =	sadd.s32 s24, s10;
	s10 =	rddreg [dreg:$0xa]  }
0xd7: {  	s9 =	sand.u32 $0x1FFFFFF0, s13;
	s16 =	sand.u32 $0x1FFFFFF0, s15;
	s11 =	rddreg [dreg:$0xa]  }
0xd8: {  	s22 =	sadd.s32 $0x10, s28;
	[sflag:s0] =	ssyncset.done @!p0 $0x0;
	s15 =	rddreg [dreg:$0xa]  }
0xd9: {  	s25 =	sadd.s32 s25, s9;
	s13 =	sadd.s32 s29, s16;
	[sflag:s0] =	ssyncadd.s32 @!p0 $0xFFFFFFF0  }
0xda: {  	s9 =	rddreg [dreg:$0xa];
	s12 =	sadd.s32 s10, s6;
	_ =	swait.ge @!p0 [sflag:s21], $0x10  }
0xdb: {  	s6 =	sadd.s32 s11, s5;
	s5 =	sadd.s32 s15, s8;
	s16 =	rddreg [dreg:$0xa]  }
.Ltmp0:
0xdc: {  	s28 =	sadd.s32 s9, s3;
	s29 =	rddreg [dreg:$0xa];
	(pc) =	sbr.rel @p1 .LBB2_2-.Ltmp0, $4  }
0xdd: {  	[sflag:s21] =	ssyncset.done @!p0 $0x0;
	s8 =	rddreg [dreg:$0x6];
	s16 =	sadd.s32 s16, s2  }
0xde: {  	s15 =	sadd.s32 s29, s4;
	s4 =	rddreg [dreg:$0xa];
	[sflag:s21] =	ssyncadd.s32 @!p0 $0xFFFFFFF0  }
0xdf: {  	s19 =	sadd.s32 s4, s19;
	s21 =	sadd.s32 s4, s18;
	s18 =	sadd.s32 s4, s20  }
0xe0: {  	s20 =	sadd.s32 s4, s7;
	s14 =	sadd.s32 s4, s14;
	s7 =	sadd.s32 s4, s17  }
0xe1: {  	s0 =	sadd.s32 s4, s31;
	s1 =	sadd.s32 s30, s8;
	s9 =	rddreg [dreg:$0xd]  }
0xe2: {  	[hbm:s1], [sflag:s9] =	dma.local [hbm:s0], $0x10  }
0xe3: {  	s23 =	sadd.s32 $0x10, s1;
	s11 =	sadd.s32 $0x20, s1;
	s0 =	rddreg [dreg:$0xe]  }
0xe4: {  	[hbm:s23], [sflag:s0] =	dma.local [hbm:s20], $0x10  }
0xe5: {  	[hbm:s11], [sflag:s26] =	dma.local [hbm:s14], $0x10  }
0xe6: {  	s10 =	sadd.s32 $0x30, s1;
	s8 =	rddreg [dreg:$0xf]  }
0xe7: {  	[hbm:s10], [sflag:s8] =	dma.local [hbm:s7], $0x10  }
0xe8: {  	s2 =	sadd.s32 $0x40, s1;
	s9 =	rddreg [dreg:$0x10]  }
0xe9: {  	[hbm:s2], [sflag:s9] =	dma.local [hbm:s21], $0x10  }
0xea: {  	s22 =	sadd.s32 $0x50, s1;
	s11 =	rddreg [dreg:$0x11]  }
0xeb: {  	[hbm:s22], [sflag:s11] =	dma.local [hbm:s18], $0x10  }
0xec: {  	s14 =	sadd.s32 $0x60, s1;
	s11 =	rddreg [dreg:$0x12]  }
0xed: {  	[hbm:s14], [sflag:s11] =	dma.local [hbm:s19], $0x10  }
0xee: {  	s23 =	sadd.s32 $0x70, s1;
	s4 =	rddreg [dreg:$0x1a]  }
0xef: {  	[hbm:s23], [sflag:s4] =	dma.local [hbm:s16], $0x10  }
0xf0: {  	s20 =	sadd.s32 $0x80, s1;
	s4 =	rddreg [dreg:$0x1b]  }
0xf1: {  	[hbm:s20], [sflag:s4] =	dma.local [hbm:s15], $0x10  }
0xf2: {  	s3 =	sadd.s32 $0x90, s1;
	s4 =	rddreg [dreg:$0x19]  }
0xf3: {  	[hbm:s3], [sflag:s4] =	dma.local [hbm:s6], $0x10  }
0xf4: {  	s17 =	sadd.s32 $0xA0, s1;
	s3 =	rddreg [dreg:$0x17]  }
0xf5: {  	[hbm:s17], [sflag:s3] =	dma.local [hbm:s5], $0x10  }
0xf6: {  	s21 =	sadd.s32 $0xB0, s1;
	s3 =	rddreg [dreg:$0x18]  }
0xf7: {  	[hbm:s21], [sflag:s3] =	dma.local [hbm:s28], $0x10  }
0xf8: {  	s0 =	sadd.s32 $0xC0, s1;
	s2 =	rddreg [dreg:$0x16]  }
0xf9: {  	[hbm:s0], [sflag:s2] =	dma.local [hbm:s12], $0x10  }
0xfa: {  	s26 =	sadd.s32 $0xD0, s1;
	s0 =	rddreg [dreg:$0x15]  }
0xfb: {  	[hbm:s26], [sflag:s0] =	dma.local [hbm:s25], $0x10  }
0xfc: {  	s10 =	sadd.s32 $0xE0, s1;
	s0 =	rddreg [dreg:$0x14]  }
0xfd: {  	[hbm:s10], [sflag:s0] =	dma.local [hbm:s13], $0x10  }
0xfe: {  	s1 =	sadd.s32 $0xF0, s1;
	s5 =	simm.s32 $0x1;
	s0 =	rddreg [dreg:$0x13]  }
0xff: {  	[hbm:s1], [sflag:s0] =	dma.local [hbm:s24], $0x10  }
0x100: {  	_ =	swait.ge [sflag:s5], $0x10  }
0x101: {  	[sflag:s5] =	ssyncset.done $0x0  }
0x102: {  	s6 =	simm.s32 $0x2;
	[sflag:s5] =	ssyncadd.s32 $0xFFFFFFF0  }
0x103: {  	_ =	swait.ge [sflag:s6], $0x10  }
0x104: {  	[sflag:s6] =	ssyncset.done $0x0  }
0x105: {  	s7 =	simm.s32 $0x3;
	[sflag:s6] =	ssyncadd.s32 $0xFFFFFFF0  }
0x106: {  	_ =	swait.ge [sflag:s7], $0x10  }
0x107: {  	[sflag:s7] =	ssyncset.done $0x0  }
0x108: {  	s8 =	simm.s32 $0x4;
	[sflag:s7] =	ssyncadd.s32 $0xFFFFFFF0  }
0x109: {  	_ =	swait.ge [sflag:s8], $0x10  }
0x10a: {  	[sflag:s8] =	ssyncset.done $0x0  }
0x10b: {  	s9 =	simm.s32 $0x5;
	[sflag:s8] =	ssyncadd.s32 $0xFFFFFFF0  }
0x10c: {  	_ =	swait.ge [sflag:s9], $0x10  }
0x10d: {  	[sflag:s9] =	ssyncset.done $0x0  }
0x10e: {  	s10 =	simm.s32 $0x6;
	[sflag:s9] =	ssyncadd.s32 $0xFFFFFFF0  }
0x10f: {  	_ =	swait.ge [sflag:s10], $0x10  }
0x110: {  	[sflag:s10] =	ssyncset.done $0x0  }
0x111: {  	s11 =	simm.s32 $0x7;
	[sflag:s10] =	ssyncadd.s32 $0xFFFFFFF0  }
0x112: {  	_ =	swait.ge [sflag:s11], $0x10  }
0x113: {  	[sflag:s11] =	ssyncset.done $0x0  }
0x114: {  	s12 =	simm.s32 $0x8;
	[sflag:s11] =	ssyncadd.s32 $0xFFFFFFF0  }
0x115: {  	_ =	swait.ge [sflag:s12], $0x10  }
0x116: {  	[sflag:s12] =	ssyncset.done $0x0  }
0x117: {  	s13 =	simm.s32 $0x9;
	[sflag:s12] =	ssyncadd.s32 $0xFFFFFFF0  }
0x118: {  	_ =	swait.ge [sflag:s13], $0x10  }
0x119: {  	[sflag:s13] =	ssyncset.done $0x0  }
0x11a: {  	s14 =	simm.s32 $0xA;
	[sflag:s13] =	ssyncadd.s32 $0xFFFFFFF0  }
0x11b: {  	_ =	swait.ge [sflag:s14], $0x10  }
0x11c: {  	[sflag:s14] =	ssyncset.done $0x0  }
0x11d: {  	s15 =	simm.s32 $0xB;
	[sflag:s14] =	ssyncadd.s32 $0xFFFFFFF0  }
0x11e: {  	_ =	swait.ge [sflag:s15], $0x10  }
0x11f: {  	[sflag:s15] =	ssyncset.done $0x0  }
0x120: {  	s16 =	simm.s32 $0xC;
	[sflag:s15] =	ssyncadd.s32 $0xFFFFFFF0  }
0x121: {  	_ =	swait.ge [sflag:s16], $0x10  }
0x122: {  	[sflag:s16] =	ssyncset.done $0x0  }
0x123: {  	s17 =	simm.s32 $0xD;
	[sflag:s16] =	ssyncadd.s32 $0xFFFFFFF0  }
0x124: {  	_ =	swait.ge [sflag:s17], $0x10  }
0x125: {  	[sflag:s17] =	ssyncset.done $0x0  }
0x126: {  	s18 =	simm.s32 $0xE;
	[sflag:s17] =	ssyncadd.s32 $0xFFFFFFF0  }
0x127: {  	_ =	swait.ge [sflag:s18], $0x10  }
0x128: {  	[sflag:s18] =	ssyncset.done $0x0  }
0x129: {  	s19 =	simm.s32 $0xF;
	[sflag:s18] =	ssyncadd.s32 $0xFFFFFFF0  }
0x12a: {  	_ =	swait.ge [sflag:s19], $0x10  }
0x12b: {  	[sflag:s19] =	ssyncset.done $0x0  }
0x12c: {  	s20 =	simm.s32 $0x10;
	[sflag:s19] =	ssyncadd.s32 $0xFFFFFFF0  }
0x12d: {  	_ =	swait.ge [sflag:s20], $0x10  }
0x12e: {  	[sflag:s20] =	ssyncset.done $0x0  }
0x12f: {  	p0 =	por $0x1, $0x1;
	s21 =	simm.s32 $0x200;
	[sflag:s20] =	ssyncadd.s32 $0xFFFFFFF0  }
0x130: {  	s0 =	simm.s32 @!p0 $0x1;
	v0 =	vld [tilespmem:s21+$0x0]  }
0x131: {  	_ =	swait.ge @!p0 [sflag:s0], $0x10  }
0x132: {  	[sflag:s0] =	ssyncset.done @!p0 $0x0  }
0x133: {  	[sflag:s0] =	ssyncadd.s32 @!p0 $0xFFFFFFF0;
	s0 =	simm.s32 @!p0 $0x2  }
0x134: {  	_ =	swait.ge @!p0 [sflag:s0], $0x10  }
0x135: {  	[sflag:s0] =	ssyncset.done @!p0 $0x0;
	v0 =	vshll.u32 v0, $0x4  }
0x136: {  	[sflag:s0] =	ssyncadd.s32 @!p0 $0xFFFFFFF0;
	s0 =	simm.s32 @!p0 $0x3;
	(v2sf) =	vpush v0, $0x0  }
0x137: {  	_ =	swait.ge @!p0 [sflag:s0], $0x10  }
0x138: {  	(v2sf) =	vpush v0, $0x1  }
0x139: {  	[sflag:s0] =	ssyncset.done @!p0 $0x0;
	(v2sf) =	vpush v0, $0x2  }
0x13a: {  	s1 =	simm.s32 @!p0 $0x4;
	[sflag:s0] =	ssyncadd.s32 @!p0 $0xFFFFFFF0;
	(v2sf) =	vpush v0, $0x3  }
0x13b: {  	_ =	swait.ge @!p0 [sflag:s1], $0x10  }
0x13c: {  	(v2sf) =	vpush v0, $0x4  }
0x13d: {  	[sflag:s1] =	ssyncset.done @!p0 $0x0;
	(v2sf) =	vpush v0, $0x5  }
0x13e: {  	s0 =	simm.s32 @!p0 $0x5;
	[sflag:s1] =	ssyncadd.s32 @!p0 $0xFFFFFFF0;
	(v2sf) =	vpush v0, $0x6  }
0x13f: {  	_ =	swait.ge @!p0 [sflag:s0], $0x10  }
0x140: {  	(v2sf) =	vpush v0, $0x7  }
0x141: {  	[sflag:s0] =	ssyncset.done @!p0 $0x0;
	(v2sf) =	vpush v0, $0x8  }
0x142: {  	[sflag:s0] =	ssyncadd.s32 @!p0 $0xFFFFFFF0;
	s0 =	simm.s32 @!p0 $0x6;
	(v2sf) =	vpush v0, $0x9  }
0x143: {  	_ =	swait.ge @!p0 [sflag:s0], $0x10  }
0x144: {  	(v2sf) =	vpush v0, $0xA  }
0x145: {  	[sflag:s0] =	ssyncset.done @!p0 $0x0;
	(v2sf) =	vpush v0, $0xB  }
0x146: {  	[sflag:s0] =	ssyncadd.s32 @!p0 $0xFFFFFFF0;
	s0 =	simm.s32 @!p0 $0x7;
	(v2sf) =	vpush v0, $0xC  }
0x147: {  	_ =	swait.ge @!p0 [sflag:s0], $0x10  }
0x148: {  	(v2sf) =	vpush v0, $0xD  }
0x149: {  	[sflag:s0] =	ssyncset.done @!p0 $0x0;
	(v2sf) =	vpush v0, $0xE  }
0x14a: {  	s22 =	spop (v2sf);
	[sflag:s0] =	ssyncadd.s32 @!p0 $0xFFFFFFF0;
	s0 =	simm.s32 @!p0 $0x8;
	(v2sf) =	vpush v0, $0xF  }
0x14b: {  	_ =	swait.ge @!p0 [sflag:s0], $0x10  }
0x14c: {  	s23 =	spop (v2sf)  }
0x14d: {  	[sflag:s0] =	ssyncset.done @!p0 $0x0;
	s25 =	spop (v2sf)  }
0x14e: {  	s4 =	simm.s32 @!p0 $0x9;
	[sflag:s0] =	ssyncadd.s32 @!p0 $0xFFFFFFF0;
	s5 =	spop (v2sf)  }
0x14f: {  	_ =	swait.ge @!p0 [sflag:s4], $0x10  }
0x150: {  	s6 =	spop (v2sf)  }
0x151: {  	[sflag:s4] =	ssyncset.done @!p0 $0x0;
	s8 =	spop (v2sf)  }
0x152: {  	s7 =	simm.s32 @!p0 $0xA;
	[sflag:s4] =	ssyncadd.s32 @!p0 $0xFFFFFFF0;
	s9 =	spop (v2sf)  }
0x153: {  	_ =	swait.ge @!p0 [sflag:s7], $0x10  }
0x154: {  	s12 =	spop (v2sf)  }
0x155: {  	[sflag:s7] =	ssyncset.done @!p0 $0x0;
	s16 =	spop (v2sf)  }
0x156: {  	s10 =	simm.s32 @!p0 $0xB;
	[sflag:s7] =	ssyncadd.s32 @!p0 $0xFFFFFFF0;
	s20 =	spop (v2sf)  }
0x157: {  	_ =	swait.ge @!p0 [sflag:s10], $0x10  }
0x158: {  	s21 =	spop (v2sf)  }
0x159: {  	s30 =	simm.s32 $0x0;
	[sflag:s10] =	ssyncset.done @!p0 $0x0;
	s26 =	spop (v2sf)  }
0x15a: {  	s13 =	simm.s32 @!p0 $0xC;
	[sflag:s10] =	ssyncadd.s32 @!p0 $0xFFFFFFF0;
	s15 =	spop (v2sf)  }
0x15b: {  	s24 =	simm.s32 $0x100;
	s14 =	simm.s32 @!p0 $0xD;
	_ =	swait.ge @!p0 [sflag:s13], $0x10  }
0x15c: {  	s11 =	sand.u32 $0x1FFFFFF0, s22;
	s2 =	sand.u32 $0x1FFFFFF0, s23;
	s22 =	spop (v2sf)  }
0x15d: {  	s0 =	simm.s32 @!p0 $0xE;
	[sflag:s13] =	ssyncset.done @!p0 $0x0;
	s23 =	spop (v2sf)  }
0x15e: {  	s3 =	sand.u32 $0x1FFFFFF0, s25;
	[sflag:s13] =	ssyncadd.s32 @!p0 $0xFFFFFFF0;
	s25 =	spop (v2sf)  }
0x15f: {  	s17 =	sand.u32 $0x1FFFFFF0, s5;
	s18 =	sand.u32 $0x1FFFFFF0, s6;
	_ =	swait.ge @!p0 [sflag:s14], $0x10  }
0x160: {  	s19 =	sand.u32 $0x1FFFFFF0, s8;
	s4 =	sand.u32 $0x1FFFFFF0, s9;
	[sflag:s14] =	ssyncset.done @!p0 $0x0  }
0x161: {  	s8 =	sand.u32 $0x1FFFFFF0, s12;
	s9 =	sand.u32 $0x1FFFFFF0, s16;
	[sflag:s14] =	ssyncadd.s32 @!p0 $0xFFFFFFF0  }
0x162: {  	s6 =	sand.u32 $0x1FFFFFF0, s20;
	s20 =	sand.u32 $0x1FFFFFF0, s21;
	_ =	swait.ge @!p0 [sflag:s0], $0x10  }
0x163: {  	s21 =	sand.u32 $0x1FFFFFF0, s26;
	s10 =	sand.u32 $0x1FFFFFF0, s15;
	[sflag:s0] =	ssyncset.done @!p0 $0x0  }
0x164: {  	s1 =	sand.u32 $0x1FFFFFF0, s22;
	[sflag:s0] =	ssyncadd.s32 @!p0 $0xFFFFFFF0;
	s0 =	simm.s32 @!p0 $0xF  }
0x165: {  	s22 =	simm.s32 $0x210;
	s26 =	sand.u32 $0x1FFFFFF0, s23;
	_ =	swait.ge @!p0 [sflag:s0], $0x10  }
0x166: {  	s13 =	sand.u32 $0x1FFFFFF0, s25;
	[sflag:s0] =	ssyncset.done @!p0 $0x0;
	s23 =	rddreg [dreg:$0xb]  }
0x167: {  	s14 =	simm.s32 @!p0 $0x10;
	[sflag:s0] =	ssyncadd.s32 @!p0 $0xFFFFFFF0;
	s25 =	sadd.s32 s23, s13  }
0x168: {  	s13 =	sadd.s32 s23, s1;
	s12 =	sadd.s32 s23, s26;
	s29 =	sadd.s32 s23, s21  }
0x169: {  	s28 =	sadd.s32 s23, s10;
	s5 =	sadd.s32 s23, s6;
	s15 =	sadd.s32 s23, s20  }
0x16a: {  	s31 =	sadd.s32 s23, s8;
	s16 =	sadd.s32 s23, s9;
	s20 =	sadd.s32 s23, s4  }
0x16b: {  	s21 =	sadd.s32 s23, s18;
	s18 =	sadd.s32 s23, s19;
	_ =	swait.ge @!p0 [sflag:s14], $0x10  }
0x16c: {  	s19 =	sadd.s32 s23, s2;
	s7 =	sadd.s32 s23, s17;
	[sflag:s14] =	ssyncset.done @!p0 $0x0  }
0x16d: {  	s8 =	rddreg [dreg:$0x7];
	[sflag:s14] =	ssyncadd.s32 @!p0 $0xFFFFFFF0;
	s14 =	sadd.s32 s23, s3  }
.LBB2_4:
0x16e: {  	[smem:$0x7F1] =	sst s28  }
0x16f: {  	[smem:$0x7F2] =	sst s12  }
0x170: {  	[smem:$0x7F3] =	sst s25;
	s3 =	sadd.s32 s30, s8  }
0x171: {  	s2 =	sadd.s32 s23, s11;
	s11 =	rddreg [dreg:$0xd];
	s0 =	sadd.s32 $0xC0, s3  }
0x172: {  	[dreg:$0x1d] =	wrdreg s0  }
0x173: {  	[hbm:s3], [sflag:s11] =	dma.local [hbm:s2], $0x10  }
0x174: {  	s10 =	sadd.s32 $0x10, s3;
	s2 =	rddreg [dreg:$0xe]  }
0x175: {  	[hbm:s10], [sflag:s2] =	dma.local [hbm:s19], $0x10  }
0x176: {  	s26 =	sadd.s32 $0x20, s3;
	s2 =	rddreg [dreg:$0xc]  }
0x177: {  	[hbm:s26], [sflag:s2] =	dma.local [hbm:s14], $0x10  }
0x178: {  	s26 =	rddreg [dreg:$0xc]  }
0x179: {  	s23 =	sadd.s32 $0x30, s3;
	s2 =	rddreg [dreg:$0xf]  }
0x17a: {  	[hbm:s23], [sflag:s2] =	dma.local [hbm:s7], $0x10  }
0x17b: {  	s23 =	rddreg [dreg:$0xb]  }
0x17c: {  	s4 =	sadd.s32 $0x40, s3;
	s2 =	rddreg [dreg:$0x10]  }
0x17d: {  	[hbm:s4], [sflag:s2] =	dma.local [hbm:s21], $0x10  }
0x17e: {  	s30 =	sadd.s32 $0x50, s3;
	s2 =	rddreg [dreg:$0x11]  }
0x17f: {  	[hbm:s30], [sflag:s2] =	dma.local [hbm:s18], $0x10  }
0x180: {  	p0 =	seq.s32 s24, $0x0;
	s17 =	sadd.s32 $0x60, s3;
	s2 =	rddreg [dreg:$0x12]  }
0x181: {  	[hbm:s17], [sflag:s2] =	dma.local [hbm:s20], $0x10  }
0x182: {  	s6 =	smov.u32 s29;
	s29 =	sadd.s32 $0x70, s3;
	s2 =	rddreg [dreg:$0x1a]  }
0x183: {  	[hbm:s29], [sflag:s2] =	dma.local [hbm:s31], $0x10  }
0x184: {  	s12 =	smov.u32 s24;
	s24 =	sadd.s32 $0x80, s3;
	s2 =	rddreg [dreg:$0x1b]  }
0x185: {  	[hbm:s24], [sflag:s2] =	dma.local [hbm:s16], $0x10  }
0x186: {  	s9 =	sadd.s32 $0x90, s3;
	s2 =	rddreg [dreg:$0x19]  }
0x187: {  	[hbm:s9], [sflag:s2] =	dma.local [hbm:s5], $0x10  }
0x188: {  	s28 =	smov.u32 s22;
	s22 =	sadd.s32 $0xA0, s3;
	s2 =	rddreg [dreg:$0x17]  }
0x189: {  	[hbm:s22], [sflag:s2] =	dma.local [hbm:s15], $0x10  }
0x18a: {  	s25 =	sadd.s32 $0xB0, s3;
	s2 =	rddreg [dreg:$0x18]  }
0x18b: {  	[hbm:s25], [sflag:s2] =	dma.local [hbm:s6], $0x10  }
0x18c: {  	s16 =	sld [smem:$0x7F1]  }
0x18d: {  	s2 =	rddreg [dreg:$0x16]  }
0x18e: {  	s15 =	rddreg [dreg:$0x1d]  }
0x18f: {  	[hbm:s15], [sflag:s2] =	dma.local [hbm:s16], $0x10  }
0x190: {  	s0 =	sadd.s32 $0xD0, s3;
	s2 =	rddreg [dreg:$0x15]  }
0x191: {  	[hbm:s0], [sflag:s2] =	dma.local [hbm:s13], $0x10  }
0x192: {  	s2 =	sld [smem:$0x7F2];
	_ =	sdelay $0x1  }
0x193: {  	s8 =	sadd.s32 $0xE0, s3;
	s0 =	rddreg [dreg:$0x14]  }
0x194: {  	[hbm:s8], [sflag:s0] =	dma.local [hbm:s2], $0x10  }
0x195: {  	s2 =	sld [smem:$0x7F3];
	_ =	sdelay $0x1  }
0x196: {  	s1 =	sadd.s32 $0xF0, s3;
	s0 =	rddreg [dreg:$0x13]  }
0x197: {  	[hbm:s1], [sflag:s0] =	dma.local [hbm:s2], $0x10  }
0x198: {  	s0 =	simm.s32 @!p0 $0x1;
	v0 =	vld [tilespmem:s28+$0x0]  }
0x199: {  	_ =	swait.ge @!p0 [sflag:s0], $0x10  }
0x19a: {  	[sflag:s0] =	ssyncset.done @!p0 $0x0  }
0x19b: {  	[sflag:s0] =	ssyncadd.s32 @!p0 $0xFFFFFFF0;
	s0 =	simm.s32 @!p0 $0x2  }
0x19c: {  	_ =	swait.ge @!p0 [sflag:s0], $0x10  }
0x19d: {  	[sflag:s0] =	ssyncset.done @!p0 $0x0;
	v0 =	vshll.u32 v0, $0x4  }
0x19e: {  	[sflag:s0] =	ssyncadd.s32 @!p0 $0xFFFFFFF0;
	s0 =	simm.s32 @!p0 $0x3;
	(v2sf) =	vpush v0, $0x0  }
0x19f: {  	_ =	swait.ge @!p0 [sflag:s0], $0x10  }
0x1a0: {  	(v2sf) =	vpush v0, $0x1  }
0x1a1: {  	[sflag:s0] =	ssyncset.done @!p0 $0x0;
	(v2sf) =	vpush v0, $0x2  }
0x1a2: {  	s1 =	simm.s32 @!p0 $0x4;
	[sflag:s0] =	ssyncadd.s32 @!p0 $0xFFFFFFF0;
	(v2sf) =	vpush v0, $0x3  }
0x1a3: {  	_ =	swait.ge @!p0 [sflag:s1], $0x10  }
0x1a4: {  	(v2sf) =	vpush v0, $0x4  }
0x1a5: {  	[sflag:s1] =	ssyncset.done @!p0 $0x0;
	(v2sf) =	vpush v0, $0x5  }
0x1a6: {  	s0 =	simm.s32 @!p0 $0x5;
	[sflag:s1] =	ssyncadd.s32 @!p0 $0xFFFFFFF0;
	(v2sf) =	vpush v0, $0x6  }
0x1a7: {  	_ =	swait.ge @!p0 [sflag:s0], $0x10  }
0x1a8: {  	(v2sf) =	vpush v0, $0x7  }
0x1a9: {  	[sflag:s0] =	ssyncset.done @!p0 $0x0;
	(v2sf) =	vpush v0, $0x8  }
0x1aa: {  	[sflag:s0] =	ssyncadd.s32 @!p0 $0xFFFFFFF0;
	s0 =	simm.s32 @!p0 $0x6;
	(v2sf) =	vpush v0, $0x9  }
0x1ab: {  	_ =	swait.ge @!p0 [sflag:s0], $0x10  }
0x1ac: {  	(v2sf) =	vpush v0, $0xA  }
0x1ad: {  	[sflag:s0] =	ssyncset.done @!p0 $0x0;
	(v2sf) =	vpush v0, $0xB  }
0x1ae: {  	s2 =	simm.s32 @!p0 $0x7;
	[sflag:s0] =	ssyncadd.s32 @!p0 $0xFFFFFFF0;
	(v2sf) =	vpush v0, $0xC  }
0x1af: {  	_ =	swait.ge @!p0 [sflag:s2], $0x10  }
0x1b0: {  	(v2sf) =	vpush v0, $0xD  }
0x1b1: {  	[sflag:s2] =	ssyncset.done @!p0 $0x0;
	(v2sf) =	vpush v0, $0xE  }
0x1b2: {  	s17 =	spop (v2sf);
	[sflag:s2] =	ssyncadd.s32 @!p0 $0xFFFFFFF0;
	s2 =	simm.s32 @!p0 $0x8;
	(v2sf) =	vpush v0, $0xF  }
0x1b3: {  	_ =	swait.ge @!p0 [sflag:s2], $0x10  }
0x1b4: {  	s18 =	spop (v2sf)  }
0x1b5: {  	[sflag:s2] =	ssyncset.done @!p0 $0x0;
	s19 =	spop (v2sf)  }
0x1b6: {  	s4 =	simm.s32 @!p0 $0x9;
	[sflag:s2] =	ssyncadd.s32 @!p0 $0xFFFFFFF0;
	s20 =	spop (v2sf)  }
0x1b7: {  	_ =	swait.ge @!p0 [sflag:s4], $0x10  }
0x1b8: {  	s21 =	spop (v2sf)  }
0x1b9: {  	[sflag:s4] =	ssyncset.done @!p0 $0x0;
	s22 =	spop (v2sf)  }
0x1ba: {  	s5 =	simm.s32 @!p0 $0xA;
	[sflag:s4] =	ssyncadd.s32 @!p0 $0xFFFFFFF0;
	s25 =	spop (v2sf)  }
0x1bb: {  	_ =	swait.ge @!p0 [sflag:s5], $0x10  }
0x1bc: {  	s3 =	simm.s32 @!p0 $0xB;
	s30 =	smov.u32 s12;
	s4 =	spop (v2sf)  }
0x1bd: {  	s24 =	sadd.s32 $0x100, s12;
	[sflag:s5] =	ssyncset.done @!p0 $0x0;
	s6 =	spop (v2sf)  }
0x1be: {  	p1 =	sne.s32 s24, $0x2000;
	[sflag:s5] =	ssyncadd.s32 @!p0 $0xFFFFFFF0;
	s8 =	spop (v2sf)  }
0x1bf: {  	s1 =	simm.s32 @!p0 $0xC;
	s0 =	simm.s32 @!p0 $0xD;
	_ =	swait.ge @!p0 [sflag:s3], $0x10  }
0x1c0: {  	s11 =	sand.u32 $0x1FFFFFF0, s17;
	s7 =	sand.u32 $0x1FFFFFF0, s18;
	s9 =	spop (v2sf)  }
0x1c1: {  	s14 =	sand.u32 $0x1FFFFFF0, s19;
	[sflag:s3] =	ssyncset.done @!p0 $0x0;
	s10 =	spop (v2sf)  }
0x1c2: {  	s17 =	sand.u32 $0x1FFFFFF0, s20;
	[sflag:s3] =	ssyncadd.s32 @!p0 $0xFFFFFFF0;
	s12 =	spop (v2sf)  }
0x1c3: {  	s14 =	sadd.s32 s23, s14;
	s18 =	sand.u32 $0x1FFFFFF0, s21;
	_ =	swait.ge @!p0 [sflag:s1], $0x10  }
0x1c4: {  	s21 =	simm.s32 @!p0 $0x10;
	s19 =	sand.u32 $0x1FFFFFF0, s22;
	s13 =	spop (v2sf)  }
0x1c5: {  	s22 =	sadd.s32 $0x10, s28;
	[sflag:s1] =	ssyncset.done @!p0 $0x0;
	s15 =	spop (v2sf)  }
0x1c6: {  	s20 =	sand.u32 $0x1FFFFFF0, s25;
	[sflag:s1] =	ssyncadd.s32 @!p0 $0xFFFFFFF0;
	s25 =	spop (v2sf)  }
0x1c7: {  	s20 =	sadd.s32 s23, s20;
	s2 =	sand.u32 $0x1FFFFFF0, s4;
	_ =	swait.ge @!p0 [sflag:s0], $0x10  }
0x1c8: {  	s4 =	sand.u32 $0x1FFFFFF0, s6;
	s31 =	sadd.s32 s23, s2;
	[sflag:s0] =	ssyncset.done @!p0 $0x0  }
0x1c9: {  	s5 =	sand.u32 $0x1FFFFFF0, s8;
	[sflag:s0] =	ssyncadd.s32 @!p0 $0xFFFFFFF0;
	s0 =	simm.s32 @!p0 $0xE  }
0x1ca: {  	s5 =	sadd.s32 s23, s5;
	s6 =	sand.u32 $0x1FFFFFF0, s9;
	_ =	swait.ge @!p0 [sflag:s0], $0x10  }
0x1cb: {  	s3 =	sand.u32 $0x1FFFFFF0, s10;
	s8 =	sand.u32 $0x1FFFFFF0, s12;
	[sflag:s0] =	ssyncset.done @!p0 $0x0  }
0x1cc: {  	s29 =	sadd.s32 s23, s3;
	[sflag:s0] =	ssyncadd.s32 @!p0 $0xFFFFFFF0;
	s0 =	simm.s32 @!p0 $0xF  }
0x1cd: {  	s28 =	sadd.s32 s23, s8;
	s9 =	sand.u32 $0x1FFFFFF0, s13;
	_ =	swait.ge @!p0 [sflag:s0], $0x10  }
0x1ce: {  	s16 =	sand.u32 $0x1FFFFFF0, s15;
	s13 =	sadd.s32 s23, s9;
	[sflag:s0] =	ssyncset.done @!p0 $0x0  }
.Ltmp1:
0x1cf: {  	s15 =	sadd.s32 s23, s6;
	[sflag:s0] =	ssyncadd.s32 @!p0 $0xFFFFFFF0;
	(pc) =	sbr.rel @p1 .LBB2_4-.Ltmp1, $4  }
0x1d0: {  	s10 =	sand.u32 $0x1FFFFFF0, s25;
	s12 =	sadd.s32 s23, s16;
	_ =	swait.ge @!p0 [sflag:s21], $0x10  }
0x1d1: {  	s16 =	sadd.s32 s23, s4;
	s25 =	sadd.s32 s23, s10;
	[sflag:s21] =	ssyncset.done @!p0 $0x0  }
0x1d2: {  	s8 =	rddreg [dreg:$0x7];
	[sflag:s21] =	ssyncadd.s32 @!p0 $0xFFFFFFF0;
	s21 =	sadd.s32 s23, s18  }
0x1d3: {  	s18 =	sadd.s32 s23, s19;
	s19 =	sadd.s32 s23, s7;
	s7 =	sadd.s32 s23, s17  }
0x1d4: {  	s0 =	sadd.s32 s23, s11;
	s1 =	sadd.s32 s30, s8;
	s9 =	rddreg [dreg:$0xd]  }
0x1d5: {  	[hbm:s1], [sflag:s9] =	dma.local [hbm:s0], $0x10  }
0x1d6: {  	s4 =	sadd.s32 $0x10, s1;
	s11 =	sadd.s32 $0x20, s1;
	s0 =	rddreg [dreg:$0xe]  }
0x1d7: {  	[hbm:s4], [sflag:s0] =	dma.local [hbm:s19], $0x10  }
0x1d8: {  	[hbm:s11], [sflag:s26] =	dma.local [hbm:s14], $0x10  }
0x1d9: {  	s10 =	sadd.s32 $0x30, s1;
	s8 =	rddreg [dreg:$0xf]  }
0x1da: {  	[hbm:s10], [sflag:s8] =	dma.local [hbm:s7], $0x10  }
0x1db: {  	s2 =	sadd.s32 $0x40, s1;
	s9 =	rddreg [dreg:$0x10]  }
0x1dc: {  	[hbm:s2], [sflag:s9] =	dma.local [hbm:s21], $0x10  }
0x1dd: {  	s22 =	sadd.s32 $0x50, s1;
	s24 =	rddreg [dreg:$0x11]  }
0x1de: {  	[hbm:s22], [sflag:s24] =	dma.local [hbm:s18], $0x10  }
0x1df: {  	s14 =	sadd.s32 $0x60, s1;
	s11 =	rddreg [dreg:$0x12]  }
0x1e0: {  	[hbm:s14], [sflag:s11] =	dma.local [hbm:s20], $0x10  }
0x1e1: {  	s26 =	sadd.s32 $0x70, s1;
	s4 =	rddreg [dreg:$0x1a]  }
0x1e2: {  	[hbm:s26], [sflag:s4] =	dma.local [hbm:s31], $0x10  }
0x1e3: {  	s19 =	sadd.s32 $0x80, s1;
	s4 =	rddreg [dreg:$0x1b]  }
0x1e4: {  	[hbm:s19], [sflag:s4] =	dma.local [hbm:s16], $0x10  }
0x1e5: {  	s3 =	sadd.s32 $0x90, s1;
	s4 =	rddreg [dreg:$0x19]  }
0x1e6: {  	[hbm:s3], [sflag:s4] =	dma.local [hbm:s5], $0x10  }
0x1e7: {  	s17 =	sadd.s32 $0xA0, s1;
	s3 =	rddreg [dreg:$0x17]  }
0x1e8: {  	[hbm:s17], [sflag:s3] =	dma.local [hbm:s15], $0x10  }
0x1e9: {  	s21 =	sadd.s32 $0xB0, s1;
	s3 =	rddreg [dreg:$0x18]  }
0x1ea: {  	[hbm:s21], [sflag:s3] =	dma.local [hbm:s29], $0x10  }
0x1eb: {  	s0 =	sadd.s32 $0xC0, s1;
	s2 =	rddreg [dreg:$0x16]  }
0x1ec: {  	[hbm:s0], [sflag:s2] =	dma.local [hbm:s28], $0x10  }
0x1ed: {  	s6 =	sadd.s32 $0xD0, s1;
	s0 =	rddreg [dreg:$0x15]  }
0x1ee: {  	[hbm:s6], [sflag:s0] =	dma.local [hbm:s13], $0x10  }
0x1ef: {  	s10 =	sadd.s32 $0xE0, s1;
	s0 =	rddreg [dreg:$0x14]  }
0x1f0: {  	[hbm:s10], [sflag:s0] =	dma.local [hbm:s12], $0x10  }
0x1f1: {  	s1 =	sadd.s32 $0xF0, s1;
	s11 =	simm.s32 $0x1;
	s0 =	rddreg [dreg:$0x13]  }
0x1f2: {  	[hbm:s1], [sflag:s0] =	dma.local [hbm:s25], $0x10  }
0x1f3: {  	_ =	swait.ge [sflag:s11], $0x10  }
0x1f4: {  	[sflag:s11] =	ssyncset.done $0x0  }
0x1f5: {  	s12 =	simm.s32 $0x2;
	[sflag:s11] =	ssyncadd.s32 $0xFFFFFFF0  }
0x1f6: {  	_ =	swait.ge [sflag:s12], $0x10  }
0x1f7: {  	[sflag:s12] =	ssyncset.done $0x0  }
0x1f8: {  	s13 =	simm.s32 $0x3;
	[sflag:s12] =	ssyncadd.s32 $0xFFFFFFF0  }
0x1f9: {  	_ =	swait.ge [sflag:s13], $0x10  }
0x1fa: {  	[sflag:s13] =	ssyncset.done $0x0  }
0x1fb: {  	s14 =	simm.s32 $0x4;
	[sflag:s13] =	ssyncadd.s32 $0xFFFFFFF0  }
0x1fc: {  	_ =	swait.ge [sflag:s14], $0x10  }
0x1fd: {  	[sflag:s14] =	ssyncset.done $0x0  }
0x1fe: {  	s15 =	simm.s32 $0x5;
	[sflag:s14] =	ssyncadd.s32 $0xFFFFFFF0  }
0x1ff: {  	_ =	swait.ge [sflag:s15], $0x10  }
0x200: {  	[sflag:s15] =	ssyncset.done $0x0  }
0x201: {  	s16 =	simm.s32 $0x6;
	[sflag:s15] =	ssyncadd.s32 $0xFFFFFFF0  }
0x202: {  	_ =	swait.ge [sflag:s16], $0x10  }
0x203: {  	[sflag:s16] =	ssyncset.done $0x0  }
0x204: {  	s17 =	simm.s32 $0x7;
	[sflag:s16] =	ssyncadd.s32 $0xFFFFFFF0  }
0x205: {  	_ =	swait.ge [sflag:s17], $0x10  }
0x206: {  	[sflag:s17] =	ssyncset.done $0x0  }
0x207: {  	s18 =	simm.s32 $0x8;
	[sflag:s17] =	ssyncadd.s32 $0xFFFFFFF0  }
0x208: {  	_ =	swait.ge [sflag:s18], $0x10  }
0x209: {  	[sflag:s18] =	ssyncset.done $0x0  }
0x20a: {  	s19 =	simm.s32 $0x9;
	[sflag:s18] =	ssyncadd.s32 $0xFFFFFFF0  }
0x20b: {  	_ =	swait.ge [sflag:s19], $0x10  }
0x20c: {  	[sflag:s19] =	ssyncset.done $0x0  }
0x20d: {  	s20 =	simm.s32 $0xA;
	[sflag:s19] =	ssyncadd.s32 $0xFFFFFFF0  }
0x20e: {  	_ =	swait.ge [sflag:s20], $0x10  }
0x20f: {  	[sflag:s20] =	ssyncset.done $0x0  }
0x210: {  	s21 =	simm.s32 $0xB;
	[sflag:s20] =	ssyncadd.s32 $0xFFFFFFF0  }
0x211: {  	_ =	swait.ge [sflag:s21], $0x10  }
0x212: {  	[sflag:s21] =	ssyncset.done $0x0  }
0x213: {  	s22 =	simm.s32 $0xC;
	[sflag:s21] =	ssyncadd.s32 $0xFFFFFFF0  }
0x214: {  	_ =	swait.ge [sflag:s22], $0x10  }
0x215: {  	[sflag:s22] =	ssyncset.done $0x0  }
0x216: {  	s24 =	simm.s32 $0xD;
	[sflag:s22] =	ssyncadd.s32 $0xFFFFFFF0  }
0x217: {  	_ =	swait.ge [sflag:s24], $0x10  }
0x218: {  	[sflag:s24] =	ssyncset.done $0x0  }
0x219: {  	s25 =	simm.s32 $0xE;
	[sflag:s24] =	ssyncadd.s32 $0xFFFFFFF0  }
0x21a: {  	_ =	swait.ge [sflag:s25], $0x10  }
0x21b: {  	[sflag:s25] =	ssyncset.done $0x0  }
0x21c: {  	s26 =	simm.s32 $0xF;
	[sflag:s25] =	ssyncadd.s32 $0xFFFFFFF0  }
0x21d: {  	_ =	swait.ge [sflag:s26], $0x10  }
0x21e: {  	[sflag:s26] =	ssyncset.done $0x0  }
0x21f: {  	s1 =	simm.s32 $0x10;
	[sflag:s26] =	ssyncadd.s32 $0xFFFFFFF0  }
0x220: {  	_ =	swait.ge [sflag:s1], $0x10  }
0x221: {  	[sflag:s1] =	ssyncset.done $0x0  }
0x222: {  	p0 =	por $0x1, $0x1;
	s2 =	simm.s32 $0x400;
	[sflag:s1] =	ssyncadd.s32 $0xFFFFFFF0  }
0x223: {  	s0 =	simm.s32 @!p0 $0x1;
	v0 =	vld [tilespmem:s2+$0x0]  }
0x224: {  	_ =	swait.ge @!p0 [sflag:s0], $0x10  }
0x225: {  	[sflag:s0] =	ssyncset.done @!p0 $0x0  }
0x226: {  	[sflag:s0] =	ssyncadd.s32 @!p0 $0xFFFFFFF0;
	s0 =	simm.s32 @!p0 $0x2  }
0x227: {  	_ =	swait.ge @!p0 [sflag:s0], $0x10  }
0x228: {  	[sflag:s0] =	ssyncset.done @!p0 $0x0;
	v0 =	vshll.u32 v0, $0x4  }
0x229: {  	[sflag:s0] =	ssyncadd.s32 @!p0 $0xFFFFFFF0;
	s0 =	simm.s32 @!p0 $0x3;
	(v2sf) =	vpush v0, $0x0  }
0x22a: {  	_ =	swait.ge @!p0 [sflag:s0], $0x10  }
0x22b: {  	(v2sf) =	vpush v0, $0x1  }
0x22c: {  	[sflag:s0] =	ssyncset.done @!p0 $0x0;
	(v2sf) =	vpush v0, $0x2  }
0x22d: {  	s1 =	simm.s32 @!p0 $0x4;
	[sflag:s0] =	ssyncadd.s32 @!p0 $0xFFFFFFF0;
	(v2sf) =	vpush v0, $0x3  }
0x22e: {  	_ =	swait.ge @!p0 [sflag:s1], $0x10  }
0x22f: {  	(v2sf) =	vpush v0, $0x4  }
0x230: {  	[sflag:s1] =	ssyncset.done @!p0 $0x0;
	(v2sf) =	vpush v0, $0x5  }
0x231: {  	s0 =	simm.s32 @!p0 $0x5;
	[sflag:s1] =	ssyncadd.s32 @!p0 $0xFFFFFFF0;
	(v2sf) =	vpush v0, $0x6  }
0x232: {  	_ =	swait.ge @!p0 [sflag:s0], $0x10  }
0x233: {  	(v2sf) =	vpush v0, $0x7  }
0x234: {  	[sflag:s0] =	ssyncset.done @!p0 $0x0;
	(v2sf) =	vpush v0, $0x8  }
0x235: {  	[sflag:s0] =	ssyncadd.s32 @!p0 $0xFFFFFFF0;
	s0 =	simm.s32 @!p0 $0x6;
	(v2sf) =	vpush v0, $0x9  }
0x236: {  	_ =	swait.ge @!p0 [sflag:s0], $0x10  }
0x237: {  	(v2sf) =	vpush v0, $0xA  }
0x238: {  	[sflag:s0] =	ssyncset.done @!p0 $0x0;
	(v2sf) =	vpush v0, $0xB  }
0x239: {  	[sflag:s0] =	ssyncadd.s32 @!p0 $0xFFFFFFF0;
	s0 =	simm.s32 @!p0 $0x7;
	(v2sf) =	vpush v0, $0xC  }
0x23a: {  	_ =	swait.ge @!p0 [sflag:s0], $0x10  }
0x23b: {  	(v2sf) =	vpush v0, $0xD  }
0x23c: {  	[sflag:s0] =	ssyncset.done @!p0 $0x0;
	(v2sf) =	vpush v0, $0xE  }
0x23d: {  	s3 =	spop (v2sf);
	[sflag:s0] =	ssyncadd.s32 @!p0 $0xFFFFFFF0;
	s0 =	simm.s32 @!p0 $0x8;
	(v2sf) =	vpush v0, $0xF  }
0x23e: {  	_ =	swait.ge @!p0 [sflag:s0], $0x10  }
0x23f: {  	s5 =	spop (v2sf)  }
0x240: {  	[sflag:s0] =	ssyncset.done @!p0 $0x0;
	s17 =	spop (v2sf)  }
0x241: {  	s4 =	simm.s32 @!p0 $0x9;
	[sflag:s0] =	ssyncadd.s32 @!p0 $0xFFFFFFF0;
	s18 =	spop (v2sf)  }
0x242: {  	_ =	swait.ge @!p0 [sflag:s4], $0x10  }
0x243: {  	s19 =	spop (v2sf)  }
0x244: {  	[sflag:s4] =	ssyncset.done @!p0 $0x0;
	s6 =	spop (v2sf)  }
0x245: {  	s7 =	simm.s32 @!p0 $0xA;
	[sflag:s4] =	ssyncadd.s32 @!p0 $0xFFFFFFF0;
	s8 =	spop (v2sf)  }
0x246: {  	s30 =	simm.s32 $0x0;
	_ =	swait.ge @!p0 [sflag:s7], $0x10  }
0x247: {  	s10 =	simm.s32 @!p0 $0xB;
	s13 =	simm.s32 @!p0 $0xC;
	s9 =	spop (v2sf)  }
0x248: {  	s14 =	simm.s32 @!p0 $0xD;
	[sflag:s7] =	ssyncset.done @!p0 $0x0;
	s12 =	spop (v2sf)  }
0x249: {  	s24 =	simm.s32 $0x100;
	[sflag:s7] =	ssyncadd.s32 @!p0 $0xFFFFFFF0;
	s16 =	spop (v2sf)  }
0x24a: {  	s11 =	sand.u32 $0x1FFFFFF0, s3;
	s2 =	sand.u32 $0x1FFFFFF0, s5;
	_ =	swait.ge @!p0 [sflag:s10], $0x10  }
0x24b: {  	s0 =	simm.s32 @!p0 $0xE;
	s3 =	sand.u32 $0x1FFFFFF0, s17;
	s20 =	spop (v2sf)  }
0x24c: {  	s17 =	sand.u32 $0x1FFFFFF0, s18;
	[sflag:s10] =	ssyncset.done @!p0 $0x0;
	s21 =	spop (v2sf)  }
0x24d: {  	s18 =	sand.u32 $0x1FFFFFF0, s19;
	[sflag:s10] =	ssyncadd.s32 @!p0 $0xFFFFFFF0;
	s26 =	spop (v2sf)  }
0x24e: {  	s19 =	sand.u32 $0x1FFFFFF0, s6;
	s4 =	sand.u32 $0x1FFFFFF0, s8;
	_ =	swait.ge @!p0 [sflag:s13], $0x10  }
0x24f: {  	s8 =	sand.u32 $0x1FFFFFF0, s9;
	s7 =	sadd.s32 s23, s17;
	s15 =	spop (v2sf)  }
0x250: {  	s9 =	sand.u32 $0x1FFFFFF0, s12;
	[sflag:s13] =	ssyncset.done @!p0 $0x0;
	s22 =	spop (v2sf)  }
0x251: {  	s31 =	sadd.s32 s23, s8;
	[sflag:s13] =	ssyncadd.s32 @!p0 $0xFFFFFFF0;
	s25 =	spop (v2sf)  }
0x252: {  	s6 =	sand.u32 $0x1FFFFFF0, s16;
	s16 =	sadd.s32 s23, s9;
	_ =	swait.ge @!p0 [sflag:s14], $0x10  }
0x253: {  	s5 =	sadd.s32 s23, s6;
	s20 =	sand.u32 $0x1FFFFFF0, s20;
	[sflag:s14] =	ssyncset.done @!p0 $0x0  }
0x254: {  	s21 =	sand.u32 $0x1FFFFFF0, s21;
	s10 =	sand.u32 $0x1FFFFFF0, s26;
	[sflag:s14] =	ssyncadd.s32 @!p0 $0xFFFFFFF0  }
0x255: {  	s29 =	sadd.s32 s23, s21;
	s21 =	sadd.s32 s23, s18;
	_ =	swait.ge @!p0 [sflag:s0], $0x10  }
0x256: {  	s18 =	sadd.s32 s23, s19;
	s19 =	sadd.s32 s23, s2;
	[sflag:s0] =	ssyncset.done @!p0 $0x0  }
0x257: {  	s28 =	sadd.s32 s23, s10;
	[sflag:s0] =	ssyncadd.s32 @!p0 $0xFFFFFFF0;
	s0 =	simm.s32 @!p0 $0xF  }
0x258: {  	s1 =	sand.u32 $0x1FFFFFF0, s15;
	s15 =	sadd.s32 s23, s20;
	_ =	swait.ge @!p0 [sflag:s0], $0x10  }
0x259: {  	s20 =	sadd.s32 s23, s4;
	s26 =	sand.u32 $0x1FFFFFF0, s22;
	[sflag:s0] =	ssyncset.done @!p0 $0x0  }
0x25a: {  	s22 =	simm.s32 $0x410;
	s14 =	simm.s32 @!p0 $0x10;
	[sflag:s0] =	ssyncadd.s32 @!p0 $0xFFFFFFF0  }
0x25b: {  	s13 =	sand.u32 $0x1FFFFFF0, s25;
	s12 =	sadd.s32 s23, s26;
	_ =	swait.ge @!p0 [sflag:s14], $0x10  }
0x25c: {  	s25 =	sadd.s32 s23, s13;
	s13 =	sadd.s32 s23, s1;
	[sflag:s14] =	ssyncset.done @!p0 $0x0  }
0x25d: {  	s8 =	rddreg [dreg:$0x8];
	[sflag:s14] =	ssyncadd.s32 @!p0 $0xFFFFFFF0;
	s14 =	sadd.s32 s23, s3  }
.LBB2_6:
0x25e: {  	[smem:$0x7EE] =	sst s28  }
0x25f: {  	[smem:$0x7EF] =	sst s12  }
0x260: {  	[smem:$0x7F0] =	sst s25;
	s3 =	sadd.s32 s30, s8  }
0x261: {  	s2 =	sadd.s32 s23, s11;
	s11 =	rddreg [dreg:$0xd];
	s0 =	sadd.s32 $0xC0, s3  }
0x262: {  	[dreg:$0x1e] =	wrdreg s0  }
0x263: {  	[hbm:s3], [sflag:s11] =	dma.local [hbm:s2], $0x10  }
0x264: {  	s10 =	sadd.s32 $0x10, s3;
	s2 =	rddreg [dreg:$0xe]  }
0x265: {  	[hbm:s10], [sflag:s2] =	dma.local [hbm:s19], $0x10  }
0x266: {  	s26 =	sadd.s32 $0x20, s3;
	s2 =	rddreg [dreg:$0xc]  }
0x267: {  	[hbm:s26], [sflag:s2] =	dma.local [hbm:s14], $0x10  }
0x268: {  	s26 =	rddreg [dreg:$0xc]  }
0x269: {  	s23 =	sadd.s32 $0x30, s3;
	s2 =	rddreg [dreg:$0xf]  }
0x26a: {  	[hbm:s23], [sflag:s2] =	dma.local [hbm:s7], $0x10  }
0x26b: {  	s23 =	rddreg [dreg:$0xb]  }
0x26c: {  	s4 =	sadd.s32 $0x40, s3;
	s2 =	rddreg [dreg:$0x10]  }
0x26d: {  	[hbm:s4], [sflag:s2] =	dma.local [hbm:s21], $0x10  }
0x26e: {  	s30 =	sadd.s32 $0x50, s3;
	s2 =	rddreg [dreg:$0x11]  }
0x26f: {  	[hbm:s30], [sflag:s2] =	dma.local [hbm:s18], $0x10  }
0x270: {  	p0 =	seq.s32 s24, $0x0;
	s17 =	sadd.s32 $0x60, s3;
	s2 =	rddreg [dreg:$0x12]  }
0x271: {  	[hbm:s17], [sflag:s2] =	dma.local [hbm:s20], $0x10  }
0x272: {  	s6 =	smov.u32 s29;
	s29 =	sadd.s32 $0x70, s3;
	s2 =	rddreg [dreg:$0x1a]  }
0x273: {  	[hbm:s29], [sflag:s2] =	dma.local [hbm:s31], $0x10  }
0x274: {  	s12 =	smov.u32 s24;
	s24 =	sadd.s32 $0x80, s3;
	s2 =	rddreg [dreg:$0x1b]  }
0x275: {  	[hbm:s24], [sflag:s2] =	dma.local [hbm:s16], $0x10  }
0x276: {  	s9 =	sadd.s32 $0x90, s3;
	s2 =	rddreg [dreg:$0x19]  }
0x277: {  	[hbm:s9], [sflag:s2] =	dma.local [hbm:s5], $0x10  }
0x278: {  	s28 =	smov.u32 s22;
	s22 =	sadd.s32 $0xA0, s3;
	s2 =	rddreg [dreg:$0x17]  }
0x279: {  	[hbm:s22], [sflag:s2] =	dma.local [hbm:s15], $0x10  }
0x27a: {  	s25 =	sadd.s32 $0xB0, s3;
	s2 =	rddreg [dreg:$0x18]  }
0x27b: {  	[hbm:s25], [sflag:s2] =	dma.local [hbm:s6], $0x10  }
0x27c: {  	s16 =	sld [smem:$0x7EE]  }
0x27d: {  	s2 =	rddreg [dreg:$0x16]  }
0x27e: {  	s15 =	rddreg [dreg:$0x1e]  }
0x27f: {  	[hbm:s15], [sflag:s2] =	dma.local [hbm:s16], $0x10  }
0x280: {  	s0 =	sadd.s32 $0xD0, s3;
	s2 =	rddreg [dreg:$0x15]  }
0x281: {  	[hbm:s0], [sflag:s2] =	dma.local [hbm:s13], $0x10  }
0x282: {  	s2 =	sld [smem:$0x7EF];
	_ =	sdelay $0x1  }
0x283: {  	s8 =	sadd.s32 $0xE0, s3;
	s0 =	rddreg [dreg:$0x14]  }
0x284: {  	[hbm:s8], [sflag:s0] =	dma.local [hbm:s2], $0x10  }
0x285: {  	s2 =	sld [smem:$0x7F0];
	_ =	sdelay $0x1  }
0x286: {  	s1 =	sadd.s32 $0xF0, s3;
	s0 =	rddreg [dreg:$0x13]  }
0x287: {  	[hbm:s1], [sflag:s0] =	dma.local [hbm:s2], $0x10  }
0x288: {  	s0 =	simm.s32 @!p0 $0x1;
	v0 =	vld [tilespmem:s28+$0x0]  }
0x289: {  	_ =	swait.ge @!p0 [sflag:s0], $0x10  }
0x28a: {  	[sflag:s0] =	ssyncset.done @!p0 $0x0  }
0x28b: {  	[sflag:s0] =	ssyncadd.s32 @!p0 $0xFFFFFFF0;
	s0 =	simm.s32 @!p0 $0x2  }
0x28c: {  	_ =	swait.ge @!p0 [sflag:s0], $0x10  }
0x28d: {  	[sflag:s0] =	ssyncset.done @!p0 $0x0;
	v0 =	vshll.u32 v0, $0x4  }
0x28e: {  	[sflag:s0] =	ssyncadd.s32 @!p0 $0xFFFFFFF0;
	s0 =	simm.s32 @!p0 $0x3;
	(v2sf) =	vpush v0, $0x0  }
0x28f: {  	_ =	swait.ge @!p0 [sflag:s0], $0x10  }
0x290: {  	(v2sf) =	vpush v0, $0x1  }
0x291: {  	[sflag:s0] =	ssyncset.done @!p0 $0x0;
	(v2sf) =	vpush v0, $0x2  }
0x292: {  	s1 =	simm.s32 @!p0 $0x4;
	[sflag:s0] =	ssyncadd.s32 @!p0 $0xFFFFFFF0;
	(v2sf) =	vpush v0, $0x3  }
0x293: {  	_ =	swait.ge @!p0 [sflag:s1], $0x10  }
0x294: {  	(v2sf) =	vpush v0, $0x4  }
0x295: {  	[sflag:s1] =	ssyncset.done @!p0 $0x0;
	(v2sf) =	vpush v0, $0x5  }
0x296: {  	s0 =	simm.s32 @!p0 $0x5;
	[sflag:s1] =	ssyncadd.s32 @!p0 $0xFFFFFFF0;
	(v2sf) =	vpush v0, $0x6  }
0x297: {  	_ =	swait.ge @!p0 [sflag:s0], $0x10  }
0x298: {  	(v2sf) =	vpush v0, $0x7  }
0x299: {  	[sflag:s0] =	ssyncset.done @!p0 $0x0;
	(v2sf) =	vpush v0, $0x8  }
0x29a: {  	[sflag:s0] =	ssyncadd.s32 @!p0 $0xFFFFFFF0;
	s0 =	simm.s32 @!p0 $0x6;
	(v2sf) =	vpush v0, $0x9  }
0x29b: {  	_ =	swait.ge @!p0 [sflag:s0], $0x10  }
0x29c: {  	(v2sf) =	vpush v0, $0xA  }
0x29d: {  	[sflag:s0] =	ssyncset.done @!p0 $0x0;
	(v2sf) =	vpush v0, $0xB  }
0x29e: {  	s2 =	simm.s32 @!p0 $0x7;
	[sflag:s0] =	ssyncadd.s32 @!p0 $0xFFFFFFF0;
	(v2sf) =	vpush v0, $0xC  }
0x29f: {  	_ =	swait.ge @!p0 [sflag:s2], $0x10  }
0x2a0: {  	(v2sf) =	vpush v0, $0xD  }
0x2a1: {  	[sflag:s2] =	ssyncset.done @!p0 $0x0;
	(v2sf) =	vpush v0, $0xE  }
0x2a2: {  	s17 =	spop (v2sf);
	[sflag:s2] =	ssyncadd.s32 @!p0 $0xFFFFFFF0;
	s2 =	simm.s32 @!p0 $0x8;
	(v2sf) =	vpush v0, $0xF  }
0x2a3: {  	_ =	swait.ge @!p0 [sflag:s2], $0x10  }
0x2a4: {  	s18 =	spop (v2sf)  }
0x2a5: {  	[sflag:s2] =	ssyncset.done @!p0 $0x0;
	s19 =	spop (v2sf)  }
0x2a6: {  	s4 =	simm.s32 @!p0 $0x9;
	[sflag:s2] =	ssyncadd.s32 @!p0 $0xFFFFFFF0;
	s20 =	spop (v2sf)  }
0x2a7: {  	_ =	swait.ge @!p0 [sflag:s4], $0x10  }
0x2a8: {  	s21 =	spop (v2sf)  }
0x2a9: {  	[sflag:s4] =	ssyncset.done @!p0 $0x0;
	s22 =	spop (v2sf)  }
0x2aa: {  	s5 =	simm.s32 @!p0 $0xA;
	[sflag:s4] =	ssyncadd.s32 @!p0 $0xFFFFFFF0;
	s25 =	spop (v2sf)  }
0x2ab: {  	_ =	swait.ge @!p0 [sflag:s5], $0x10  }
0x2ac: {  	s3 =	simm.s32 @!p0 $0xB;
	s30 =	smov.u32 s12;
	s4 =	spop (v2sf)  }
0x2ad: {  	s24 =	sadd.s32 $0x100, s12;
	[sflag:s5] =	ssyncset.done @!p0 $0x0;
	s6 =	spop (v2sf)  }
0x2ae: {  	p1 =	sne.s32 s24, $0x2000;
	[sflag:s5] =	ssyncadd.s32 @!p0 $0xFFFFFFF0;
	s8 =	spop (v2sf)  }
0x2af: {  	s1 =	simm.s32 @!p0 $0xC;
	s0 =	simm.s32 @!p0 $0xD;
	_ =	swait.ge @!p0 [sflag:s3], $0x10  }
0x2b0: {  	s11 =	sand.u32 $0x1FFFFFF0, s17;
	s7 =	sand.u32 $0x1FFFFFF0, s18;
	s9 =	spop (v2sf)  }
0x2b1: {  	s14 =	sand.u32 $0x1FFFFFF0, s19;
	[sflag:s3] =	ssyncset.done @!p0 $0x0;
	s10 =	spop (v2sf)  }
0x2b2: {  	s17 =	sand.u32 $0x1FFFFFF0, s20;
	[sflag:s3] =	ssyncadd.s32 @!p0 $0xFFFFFFF0;
	s12 =	spop (v2sf)  }
0x2b3: {  	s14 =	sadd.s32 s23, s14;
	s18 =	sand.u32 $0x1FFFFFF0, s21;
	_ =	swait.ge @!p0 [sflag:s1], $0x10  }
0x2b4: {  	s21 =	simm.s32 @!p0 $0x10;
	s19 =	sand.u32 $0x1FFFFFF0, s22;
	s13 =	spop (v2sf)  }
0x2b5: {  	s22 =	sadd.s32 $0x10, s28;
	[sflag:s1] =	ssyncset.done @!p0 $0x0;
	s15 =	spop (v2sf)  }
0x2b6: {  	s20 =	sand.u32 $0x1FFFFFF0, s25;
	[sflag:s1] =	ssyncadd.s32 @!p0 $0xFFFFFFF0;
	s25 =	spop (v2sf)  }
0x2b7: {  	s20 =	sadd.s32 s23, s20;
	s2 =	sand.u32 $0x1FFFFFF0, s4;
	_ =	swait.ge @!p0 [sflag:s0], $0x10  }
0x2b8: {  	s4 =	sand.u32 $0x1FFFFFF0, s6;
	s31 =	sadd.s32 s23, s2;
	[sflag:s0] =	ssyncset.done @!p0 $0x0  }
0x2b9: {  	s5 =	sand.u32 $0x1FFFFFF0, s8;
	[sflag:s0] =	ssyncadd.s32 @!p0 $0xFFFFFFF0;
	s0 =	simm.s32 @!p0 $0xE  }
0x2ba: {  	s5 =	sadd.s32 s23, s5;
	s6 =	sand.u32 $0x1FFFFFF0, s9;
	_ =	swait.ge @!p0 [sflag:s0], $0x10  }
0x2bb: {  	s3 =	sand.u32 $0x1FFFFFF0, s10;
	s8 =	sand.u32 $0x1FFFFFF0, s12;
	[sflag:s0] =	ssyncset.done @!p0 $0x0  }
0x2bc: {  	s29 =	sadd.s32 s23, s3;
	[sflag:s0] =	ssyncadd.s32 @!p0 $0xFFFFFFF0;
	s0 =	simm.s32 @!p0 $0xF  }
0x2bd: {  	s28 =	sadd.s32 s23, s8;
	s9 =	sand.u32 $0x1FFFFFF0, s13;
	_ =	swait.ge @!p0 [sflag:s0], $0x10  }
0x2be: {  	s16 =	sand.u32 $0x1FFFFFF0, s15;
	s13 =	sadd.s32 s23, s9;
	[sflag:s0] =	ssyncset.done @!p0 $0x0  }
.Ltmp2:
0x2bf: {  	s15 =	sadd.s32 s23, s6;
	[sflag:s0] =	ssyncadd.s32 @!p0 $0xFFFFFFF0;
	(pc) =	sbr.rel @p1 .LBB2_6-.Ltmp2, $4  }
0x2c0: {  	s10 =	sand.u32 $0x1FFFFFF0, s25;
	s12 =	sadd.s32 s23, s16;
	_ =	swait.ge @!p0 [sflag:s21], $0x10  }
0x2c1: {  	s16 =	sadd.s32 s23, s4;
	s25 =	sadd.s32 s23, s10;
	[sflag:s21] =	ssyncset.done @!p0 $0x0  }
0x2c2: {  	s8 =	rddreg [dreg:$0x8];
	[sflag:s21] =	ssyncadd.s32 @!p0 $0xFFFFFFF0;
	s21 =	sadd.s32 s23, s18  }
0x2c3: {  	s18 =	sadd.s32 s23, s19;
	s19 =	sadd.s32 s23, s7;
	s7 =	sadd.s32 s23, s17  }
0x2c4: {  	s0 =	sadd.s32 s23, s11;
	s1 =	sadd.s32 s30, s8;
	s9 =	rddreg [dreg:$0xd]  }
0x2c5: {  	[hbm:s1], [sflag:s9] =	dma.local [hbm:s0], $0x10  }
0x2c6: {  	s4 =	sadd.s32 $0x10, s1;
	s11 =	sadd.s32 $0x20, s1;
	s0 =	rddreg [dreg:$0xe]  }
0x2c7: {  	[hbm:s4], [sflag:s0] =	dma.local [hbm:s19], $0x10  }
0x2c8: {  	[hbm:s11], [sflag:s26] =	dma.local [hbm:s14], $0x10  }
0x2c9: {  	s10 =	sadd.s32 $0x30, s1;
	s8 =	rddreg [dreg:$0xf]  }
0x2ca: {  	[hbm:s10], [sflag:s8] =	dma.local [hbm:s7], $0x10  }
0x2cb: {  	s2 =	sadd.s32 $0x40, s1;
	s9 =	rddreg [dreg:$0x10]  }
0x2cc: {  	[hbm:s2], [sflag:s9] =	dma.local [hbm:s21], $0x10  }
0x2cd: {  	s22 =	sadd.s32 $0x50, s1;
	s24 =	rddreg [dreg:$0x11]  }
0x2ce: {  	[hbm:s22], [sflag:s24] =	dma.local [hbm:s18], $0x10  }
0x2cf: {  	s14 =	sadd.s32 $0x60, s1;
	s11 =	rddreg [dreg:$0x12]  }
0x2d0: {  	[hbm:s14], [sflag:s11] =	dma.local [hbm:s20], $0x10  }
0x2d1: {  	s26 =	sadd.s32 $0x70, s1;
	s4 =	rddreg [dreg:$0x1a]  }
0x2d2: {  	[hbm:s26], [sflag:s4] =	dma.local [hbm:s31], $0x10  }
0x2d3: {  	s19 =	sadd.s32 $0x80, s1;
	s4 =	rddreg [dreg:$0x1b]  }
0x2d4: {  	[hbm:s19], [sflag:s4] =	dma.local [hbm:s16], $0x10  }
0x2d5: {  	s3 =	sadd.s32 $0x90, s1;
	s4 =	rddreg [dreg:$0x19]  }
0x2d6: {  	[hbm:s3], [sflag:s4] =	dma.local [hbm:s5], $0x10  }
0x2d7: {  	s17 =	sadd.s32 $0xA0, s1;
	s3 =	rddreg [dreg:$0x17]  }
0x2d8: {  	[hbm:s17], [sflag:s3] =	dma.local [hbm:s15], $0x10  }
0x2d9: {  	s21 =	sadd.s32 $0xB0, s1;
	s3 =	rddreg [dreg:$0x18]  }
0x2da: {  	[hbm:s21], [sflag:s3] =	dma.local [hbm:s29], $0x10  }
0x2db: {  	s0 =	sadd.s32 $0xC0, s1;
	s2 =	rddreg [dreg:$0x16]  }
0x2dc: {  	[hbm:s0], [sflag:s2] =	dma.local [hbm:s28], $0x10  }
0x2dd: {  	s6 =	sadd.s32 $0xD0, s1;
	s0 =	rddreg [dreg:$0x15]  }
0x2de: {  	[hbm:s6], [sflag:s0] =	dma.local [hbm:s13], $0x10  }
0x2df: {  	s10 =	sadd.s32 $0xE0, s1;
	s0 =	rddreg [dreg:$0x14]  }
0x2e0: {  	[hbm:s10], [sflag:s0] =	dma.local [hbm:s12], $0x10  }
0x2e1: {  	s1 =	sadd.s32 $0xF0, s1;
	s11 =	simm.s32 $0x1;
	s0 =	rddreg [dreg:$0x13]  }
0x2e2: {  	[hbm:s1], [sflag:s0] =	dma.local [hbm:s25], $0x10  }
0x2e3: {  	_ =	swait.ge [sflag:s11], $0x10  }
0x2e4: {  	[sflag:s11] =	ssyncset.done $0x0  }
0x2e5: {  	s12 =	simm.s32 $0x2;
	[sflag:s11] =	ssyncadd.s32 $0xFFFFFFF0  }
0x2e6: {  	_ =	swait.ge [sflag:s12], $0x10  }
0x2e7: {  	[sflag:s12] =	ssyncset.done $0x0  }
0x2e8: {  	s13 =	simm.s32 $0x3;
	[sflag:s12] =	ssyncadd.s32 $0xFFFFFFF0  }
0x2e9: {  	_ =	swait.ge [sflag:s13], $0x10  }
0x2ea: {  	[sflag:s13] =	ssyncset.done $0x0  }
0x2eb: {  	s14 =	simm.s32 $0x4;
	[sflag:s13] =	ssyncadd.s32 $0xFFFFFFF0  }
0x2ec: {  	_ =	swait.ge [sflag:s14], $0x10  }
0x2ed: {  	[sflag:s14] =	ssyncset.done $0x0  }
0x2ee: {  	s15 =	simm.s32 $0x5;
	[sflag:s14] =	ssyncadd.s32 $0xFFFFFFF0  }
0x2ef: {  	_ =	swait.ge [sflag:s15], $0x10  }
0x2f0: {  	[sflag:s15] =	ssyncset.done $0x0  }
0x2f1: {  	s16 =	simm.s32 $0x6;
	[sflag:s15] =	ssyncadd.s32 $0xFFFFFFF0  }
0x2f2: {  	_ =	swait.ge [sflag:s16], $0x10  }
0x2f3: {  	[sflag:s16] =	ssyncset.done $0x0  }
0x2f4: {  	s17 =	simm.s32 $0x7;
	[sflag:s16] =	ssyncadd.s32 $0xFFFFFFF0  }
0x2f5: {  	_ =	swait.ge [sflag:s17], $0x10  }
0x2f6: {  	[sflag:s17] =	ssyncset.done $0x0  }
0x2f7: {  	s18 =	simm.s32 $0x8;
	[sflag:s17] =	ssyncadd.s32 $0xFFFFFFF0  }
0x2f8: {  	_ =	swait.ge [sflag:s18], $0x10  }
0x2f9: {  	[sflag:s18] =	ssyncset.done $0x0  }
0x2fa: {  	s19 =	simm.s32 $0x9;
	[sflag:s18] =	ssyncadd.s32 $0xFFFFFFF0  }
0x2fb: {  	_ =	swait.ge [sflag:s19], $0x10  }
0x2fc: {  	[sflag:s19] =	ssyncset.done $0x0  }
0x2fd: {  	s20 =	simm.s32 $0xA;
	[sflag:s19] =	ssyncadd.s32 $0xFFFFFFF0  }
0x2fe: {  	_ =	swait.ge [sflag:s20], $0x10  }
0x2ff: {  	[sflag:s20] =	ssyncset.done $0x0  }
0x300: {  	s21 =	simm.s32 $0xB;
	[sflag:s20] =	ssyncadd.s32 $0xFFFFFFF0  }
0x301: {  	_ =	swait.ge [sflag:s21], $0x10  }
0x302: {  	[sflag:s21] =	ssyncset.done $0x0  }
0x303: {  	s22 =	simm.s32 $0xC;
	[sflag:s21] =	ssyncadd.s32 $0xFFFFFFF0  }
0x304: {  	_ =	swait.ge [sflag:s22], $0x10  }
0x305: {  	[sflag:s22] =	ssyncset.done $0x0  }
0x306: {  	s24 =	simm.s32 $0xD;
	[sflag:s22] =	ssyncadd.s32 $0xFFFFFFF0  }
0x307: {  	_ =	swait.ge [sflag:s24], $0x10  }
0x308: {  	[sflag:s24] =	ssyncset.done $0x0  }
0x309: {  	s25 =	simm.s32 $0xE;
	[sflag:s24] =	ssyncadd.s32 $0xFFFFFFF0  }
0x30a: {  	_ =	swait.ge [sflag:s25], $0x10  }
0x30b: {  	[sflag:s25] =	ssyncset.done $0x0  }
0x30c: {  	s26 =	simm.s32 $0xF;
	[sflag:s25] =	ssyncadd.s32 $0xFFFFFFF0  }
0x30d: {  	_ =	swait.ge [sflag:s26], $0x10  }
0x30e: {  	[sflag:s26] =	ssyncset.done $0x0  }
0x30f: {  	s29 =	simm.s32 $0x10;
	[sflag:s26] =	ssyncadd.s32 $0xFFFFFFF0  }
0x310: {  	_ =	swait.ge [sflag:s29], $0x10  }
0x311: {  	[sflag:s29] =	ssyncset.done $0x0  }
0x312: {  	p0 =	por $0x1, $0x1;
	s1 =	simm.s32 $0x600;
	[sflag:s29] =	ssyncadd.s32 $0xFFFFFFF0  }
0x313: {  	s0 =	simm.s32 @!p0 $0x1;
	v0 =	vld [tilespmem:s1+$0x0]  }
0x314: {  	_ =	swait.ge @!p0 [sflag:s0], $0x10  }
0x315: {  	[sflag:s0] =	ssyncset.done @!p0 $0x0  }
0x316: {  	[sflag:s0] =	ssyncadd.s32 @!p0 $0xFFFFFFF0;
	s0 =	simm.s32 @!p0 $0x2  }
0x317: {  	_ =	swait.ge @!p0 [sflag:s0], $0x10  }
0x318: {  	[sflag:s0] =	ssyncset.done @!p0 $0x0;
	v0 =	vshll.u32 v0, $0x4  }
0x319: {  	[sflag:s0] =	ssyncadd.s32 @!p0 $0xFFFFFFF0;
	s0 =	simm.s32 @!p0 $0x3;
	(v2sf) =	vpush v0, $0x0  }
0x31a: {  	_ =	swait.ge @!p0 [sflag:s0], $0x10  }
0x31b: {  	(v2sf) =	vpush v0, $0x1  }
0x31c: {  	[sflag:s0] =	ssyncset.done @!p0 $0x0;
	(v2sf) =	vpush v0, $0x2  }
0x31d: {  	s1 =	simm.s32 @!p0 $0x4;
	[sflag:s0] =	ssyncadd.s32 @!p0 $0xFFFFFFF0;
	(v2sf) =	vpush v0, $0x3  }
0x31e: {  	_ =	swait.ge @!p0 [sflag:s1], $0x10  }
0x31f: {  	(v2sf) =	vpush v0, $0x4  }
0x320: {  	[sflag:s1] =	ssyncset.done @!p0 $0x0;
	(v2sf) =	vpush v0, $0x5  }
0x321: {  	s0 =	simm.s32 @!p0 $0x5;
	[sflag:s1] =	ssyncadd.s32 @!p0 $0xFFFFFFF0;
	(v2sf) =	vpush v0, $0x6  }
0x322: {  	_ =	swait.ge @!p0 [sflag:s0], $0x10  }
0x323: {  	(v2sf) =	vpush v0, $0x7  }
0x324: {  	[sflag:s0] =	ssyncset.done @!p0 $0x0;
	(v2sf) =	vpush v0, $0x8  }
0x325: {  	[sflag:s0] =	ssyncadd.s32 @!p0 $0xFFFFFFF0;
	s0 =	simm.s32 @!p0 $0x6;
	(v2sf) =	vpush v0, $0x9  }
0x326: {  	_ =	swait.ge @!p0 [sflag:s0], $0x10  }
0x327: {  	(v2sf) =	vpush v0, $0xA  }
0x328: {  	[sflag:s0] =	ssyncset.done @!p0 $0x0;
	(v2sf) =	vpush v0, $0xB  }
0x329: {  	[sflag:s0] =	ssyncadd.s32 @!p0 $0xFFFFFFF0;
	s0 =	simm.s32 @!p0 $0x7;
	(v2sf) =	vpush v0, $0xC  }
0x32a: {  	_ =	swait.ge @!p0 [sflag:s0], $0x10  }
0x32b: {  	(v2sf) =	vpush v0, $0xD  }
0x32c: {  	[sflag:s0] =	ssyncset.done @!p0 $0x0;
	(v2sf) =	vpush v0, $0xE  }
0x32d: {  	s2 =	spop (v2sf);
	[sflag:s0] =	ssyncadd.s32 @!p0 $0xFFFFFFF0;
	s0 =	simm.s32 @!p0 $0x8;
	(v2sf) =	vpush v0, $0xF  }
0x32e: {  	_ =	swait.ge @!p0 [sflag:s0], $0x10  }
0x32f: {  	s3 =	spop (v2sf)  }
0x330: {  	[sflag:s0] =	ssyncset.done @!p0 $0x0;
	s5 =	spop (v2sf)  }
0x331: {  	s4 =	simm.s32 @!p0 $0x9;
	[sflag:s0] =	ssyncadd.s32 @!p0 $0xFFFFFFF0;
	s8 =	spop (v2sf)  }
0x332: {  	_ =	swait.ge @!p0 [sflag:s4], $0x10  }
0x333: {  	s9 =	spop (v2sf)  }
0x334: {  	[sflag:s4] =	ssyncset.done @!p0 $0x0;
	s6 =	spop (v2sf)  }
0x335: {  	s7 =	simm.s32 @!p0 $0xA;
	[sflag:s4] =	ssyncadd.s32 @!p0 $0xFFFFFFF0;
	s11 =	spop (v2sf)  }
0x336: {  	s30 =	simm.s32 $0x0;
	_ =	swait.ge @!p0 [sflag:s7], $0x10  }
0x337: {  	s10 =	simm.s32 @!p0 $0xB;
	s13 =	simm.s32 @!p0 $0xC;
	s12 =	spop (v2sf)  }
0x338: {  	s14 =	simm.s32 @!p0 $0xD;
	[sflag:s7] =	ssyncset.done @!p0 $0x0;
	s16 =	spop (v2sf)  }
0x339: {  	s25 =	simm.s32 $0x100;
	[sflag:s7] =	ssyncadd.s32 @!p0 $0xFFFFFFF0;
	s17 =	spop (v2sf)  }
0x33a: {  	s31 =	sand.u32 $0x1FFFFFF0, s2;
	s2 =	sand.u32 $0x1FFFFFF0, s3;
	_ =	swait.ge @!p0 [sflag:s10], $0x10  }
0x33b: {  	s0 =	simm.s32 @!p0 $0xE;
	s3 =	sand.u32 $0x1FFFFFF0, s5;
	s20 =	spop (v2sf)  }
0x33c: {  	s22 =	sand.u32 $0x1FFFFFF0, s8;
	[sflag:s10] =	ssyncset.done @!p0 $0x0;
	s21 =	spop (v2sf)  }
0x33d: {  	s18 =	sand.u32 $0x1FFFFFF0, s9;
	[sflag:s10] =	ssyncadd.s32 @!p0 $0xFFFFFFF0;
	s15 =	spop (v2sf)  }
0x33e: {  	s19 =	sand.u32 $0x1FFFFFF0, s6;
	s4 =	sand.u32 $0x1FFFFFF0, s11;
	_ =	swait.ge @!p0 [sflag:s13], $0x10  }
0x33f: {  	s8 =	sand.u32 $0x1FFFFFF0, s12;
	s7 =	sadd.s32 s23, s22;
	s24 =	spop (v2sf)  }
0x340: {  	s16 =	sand.u32 $0x1FFFFFF0, s16;
	[sflag:s13] =	ssyncset.done @!p0 $0x0;
	s26 =	spop (v2sf)  }
0x341: {  	s17 =	sand.u32 $0x1FFFFFF0, s17;
	[sflag:s13] =	ssyncadd.s32 @!p0 $0xFFFFFFF0;
	s29 =	spop (v2sf)  }
0x342: {  	s16 =	sadd.s32 s23, s16;
	s6 =	sadd.s32 s23, s17;
	_ =	swait.ge @!p0 [sflag:s14], $0x10  }
0x343: {  	s17 =	sadd.s32 s23, s8;
	s20 =	sand.u32 $0x1FFFFFF0, s20;
	[sflag:s14] =	ssyncset.done @!p0 $0x0  }
0x344: {  	s21 =	sand.u32 $0x1FFFFFF0, s21;
	s5 =	sadd.s32 s23, s20;
	[sflag:s14] =	ssyncadd.s32 @!p0 $0xFFFFFFF0  }
0x345: {  	s20 =	sadd.s32 s23, s4;
	s10 =	sand.u32 $0x1FFFFFF0, s15;
	_ =	swait.ge @!p0 [sflag:s0], $0x10  }
0x346: {  	s9 =	sadd.s32 s23, s21;
	s21 =	sadd.s32 s23, s18;
	[sflag:s0] =	ssyncset.done @!p0 $0x0  }
0x347: {  	s18 =	sadd.s32 s23, s19;
	[sflag:s0] =	ssyncadd.s32 @!p0 $0xFFFFFFF0;
	s0 =	simm.s32 @!p0 $0xF  }
0x348: {  	s19 =	sadd.s32 s23, s2;
	s28 =	sadd.s32 s23, s10;
	_ =	swait.ge @!p0 [sflag:s0], $0x10  }
0x349: {  	s1 =	sand.u32 $0x1FFFFFF0, s24;
	s24 =	simm.s32 $0x610;
	[sflag:s0] =	ssyncset.done @!p0 $0x0  }
0x34a: {  	s26 =	sand.u32 $0x1FFFFFF0, s26;
	s14 =	simm.s32 @!p0 $0x10;
	[sflag:s0] =	ssyncadd.s32 @!p0 $0xFFFFFFF0  }
0x34b: {  	s13 =	sadd.s32 s23, s1;
	s29 =	sand.u32 $0x1FFFFFF0, s29;
	_ =	swait.ge @!p0 [sflag:s14], $0x10  }
0x34c: {  	s12 =	sadd.s32 s23, s26;
	s11 =	sadd.s32 s23, s29;
	[sflag:s14] =	ssyncset.done @!p0 $0x0  }
0x34d: {  	s8 =	rddreg [dreg:$0x9];
	[sflag:s14] =	ssyncadd.s32 @!p0 $0xFFFFFFF0;
	s14 =	sadd.s32 s23, s3  }
.LBB2_8:
0x34e: {  	[smem:$0x7EC] =	sst s28  }
0x34f: {  	[smem:$0x7ED] =	sst s12;
	s3 =	sadd.s32 s30, s8  }
0x350: {  	s1 =	smov.u32 s11;
	s11 =	rddreg [dreg:$0xd];
	s0 =	sadd.s32 $0x90, s3  }
0x351: {  	s15 =	sadd.s32 $0xC0, s3;
	[smem:$0x7EB] =	sst s0  }
0x352: {  	s2 =	sadd.s32 s23, s31;
	[dreg:$0x1f] =	wrdreg s15  }
0x353: {  	[hbm:s3], [sflag:s11] =	dma.local [hbm:s2], $0x10  }
0x354: {  	s10 =	sadd.s32 $0x10, s3;
	s2 =	rddreg [dreg:$0xe]  }
0x355: {  	[hbm:s10], [sflag:s2] =	dma.local [hbm:s19], $0x10  }
0x356: {  	s26 =	sadd.s32 $0x20, s3;
	s2 =	rddreg [dreg:$0xc]  }
0x357: {  	[hbm:s26], [sflag:s2] =	dma.local [hbm:s14], $0x10  }
0x358: {  	s26 =	rddreg [dreg:$0xc]  }
0x359: {  	s23 =	sadd.s32 $0x30, s3;
	s2 =	rddreg [dreg:$0xf]  }
0x35a: {  	[hbm:s23], [sflag:s2] =	dma.local [hbm:s7], $0x10  }
0x35b: {  	s23 =	rddreg [dreg:$0xb]  }
0x35c: {  	s4 =	sadd.s32 $0x40, s3;
	s2 =	rddreg [dreg:$0x10]  }
0x35d: {  	[hbm:s4], [sflag:s2] =	dma.local [hbm:s21], $0x10  }
0x35e: {  	s30 =	sadd.s32 $0x50, s3;
	s2 =	rddreg [dreg:$0x11]  }
0x35f: {  	[hbm:s30], [sflag:s2] =	dma.local [hbm:s18], $0x10  }
0x360: {  	s15 =	sadd.s32 $0x60, s3;
	s2 =	rddreg [dreg:$0x12]  }
0x361: {  	[hbm:s15], [sflag:s2] =	dma.local [hbm:s20], $0x10  }
0x362: {  	s29 =	sadd.s32 $0x70, s3;
	s2 =	rddreg [dreg:$0x1a]  }
0x363: {  	[hbm:s29], [sflag:s2] =	dma.local [hbm:s17], $0x10  }
0x364: {  	s28 =	smov.u32 s24;
	s24 =	sadd.s32 $0x80, s3;
	s2 =	rddreg [dreg:$0x1b]  }
0x365: {  	[hbm:s24], [sflag:s2] =	dma.local [hbm:s16], $0x10  }
0x366: {  	s17 =	sld [smem:$0x7EB];
	_ =	sdelay $0x1  }
0x367: {  	s2 =	rddreg [dreg:$0x19]  }
0x368: {  	[hbm:s17], [sflag:s2] =	dma.local [hbm:s6], $0x10  }
0x369: {  	p0 =	seq.s32 s25, $0x0;
	s22 =	sadd.s32 $0xA0, s3;
	s2 =	rddreg [dreg:$0x17]  }
0x36a: {  	[hbm:s22], [sflag:s2] =	dma.local [hbm:s5], $0x10  }
0x36b: {  	s12 =	smov.u32 s25;
	s25 =	sadd.s32 $0xB0, s3;
	s2 =	rddreg [dreg:$0x18]  }
0x36c: {  	[hbm:s25], [sflag:s2] =	dma.local [hbm:s9], $0x10  }
0x36d: {  	s19 =	sld [smem:$0x7EC]  }
0x36e: {  	s2 =	rddreg [dreg:$0x16]  }
0x36f: {  	s18 =	rddreg [dreg:$0x1f]  }
0x370: {  	[hbm:s18], [sflag:s2] =	dma.local [hbm:s19], $0x10  }
0x371: {  	s0 =	sadd.s32 $0xD0, s3;
	s2 =	rddreg [dreg:$0x15]  }
0x372: {  	[hbm:s0], [sflag:s2] =	dma.local [hbm:s13], $0x10  }
0x373: {  	s2 =	sld [smem:$0x7ED];
	_ =	sdelay $0x1  }
0x374: {  	s31 =	sadd.s32 $0xE0, s3;
	s0 =	rddreg [dreg:$0x14]  }
0x375: {  	[hbm:s31], [sflag:s0] =	dma.local [hbm:s2], $0x10  }
0x376: {  	s8 =	sadd.s32 $0xF0, s3;
	s0 =	rddreg [dreg:$0x13]  }
0x377: {  	[hbm:s8], [sflag:s0] =	dma.local [hbm:s1], $0x10  }
0x378: {  	s0 =	simm.s32 @!p0 $0x1;
	v0 =	vld [tilespmem:s28+$0x0]  }
0x379: {  	_ =	swait.ge @!p0 [sflag:s0], $0x10  }
0x37a: {  	[sflag:s0] =	ssyncset.done @!p0 $0x0  }
0x37b: {  	[sflag:s0] =	ssyncadd.s32 @!p0 $0xFFFFFFF0;
	s0 =	simm.s32 @!p0 $0x2  }
0x37c: {  	_ =	swait.ge @!p0 [sflag:s0], $0x10  }
0x37d: {  	[sflag:s0] =	ssyncset.done @!p0 $0x0;
	v0 =	vshll.u32 v0, $0x4  }
0x37e: {  	[sflag:s0] =	ssyncadd.s32 @!p0 $0xFFFFFFF0;
	s0 =	simm.s32 @!p0 $0x3;
	(v2sf) =	vpush v0, $0x0  }
0x37f: {  	_ =	swait.ge @!p0 [sflag:s0], $0x10  }
0x380: {  	(v2sf) =	vpush v0, $0x1  }
0x381: {  	[sflag:s0] =	ssyncset.done @!p0 $0x0;
	(v2sf) =	vpush v0, $0x2  }
0x382: {  	s1 =	simm.s32 @!p0 $0x4;
	[sflag:s0] =	ssyncadd.s32 @!p0 $0xFFFFFFF0;
	(v2sf) =	vpush v0, $0x3  }
0x383: {  	_ =	swait.ge @!p0 [sflag:s1], $0x10  }
0x384: {  	(v2sf) =	vpush v0, $0x4  }
0x385: {  	[sflag:s1] =	ssyncset.done @!p0 $0x0;
	(v2sf) =	vpush v0, $0x5  }
0x386: {  	s0 =	simm.s32 @!p0 $0x5;
	[sflag:s1] =	ssyncadd.s32 @!p0 $0xFFFFFFF0;
	(v2sf) =	vpush v0, $0x6  }
0x387: {  	_ =	swait.ge @!p0 [sflag:s0], $0x10  }
0x388: {  	(v2sf) =	vpush v0, $0x7  }
0x389: {  	[sflag:s0] =	ssyncset.done @!p0 $0x0;
	(v2sf) =	vpush v0, $0x8  }
0x38a: {  	[sflag:s0] =	ssyncadd.s32 @!p0 $0xFFFFFFF0;
	s0 =	simm.s32 @!p0 $0x6;
	(v2sf) =	vpush v0, $0x9  }
0x38b: {  	_ =	swait.ge @!p0 [sflag:s0], $0x10  }
0x38c: {  	(v2sf) =	vpush v0, $0xA  }
0x38d: {  	[sflag:s0] =	ssyncset.done @!p0 $0x0;
	(v2sf) =	vpush v0, $0xB  }
0x38e: {  	s2 =	simm.s32 @!p0 $0x7;
	[sflag:s0] =	ssyncadd.s32 @!p0 $0xFFFFFFF0;
	(v2sf) =	vpush v0, $0xC  }
0x38f: {  	_ =	swait.ge @!p0 [sflag:s2], $0x10  }
0x390: {  	(v2sf) =	vpush v0, $0xD  }
0x391: {  	[sflag:s2] =	ssyncset.done @!p0 $0x0;
	(v2sf) =	vpush v0, $0xE  }
0x392: {  	s20 =	spop (v2sf);
	[sflag:s2] =	ssyncadd.s32 @!p0 $0xFFFFFFF0;
	s2 =	simm.s32 @!p0 $0x8;
	(v2sf) =	vpush v0, $0xF  }
0x393: {  	_ =	swait.ge @!p0 [sflag:s2], $0x10  }
0x394: {  	s21 =	spop (v2sf)  }
0x395: {  	[sflag:s2] =	ssyncset.done @!p0 $0x0;
	s22 =	spop (v2sf)  }
0x396: {  	s4 =	simm.s32 @!p0 $0x9;
	[sflag:s2] =	ssyncadd.s32 @!p0 $0xFFFFFFF0;
	s24 =	spop (v2sf)  }
0x397: {  	_ =	swait.ge @!p0 [sflag:s4], $0x10  }
0x398: {  	s29 =	spop (v2sf)  }
0x399: {  	[sflag:s4] =	ssyncset.done @!p0 $0x0;
	s6 =	spop (v2sf)  }
0x39a: {  	s5 =	simm.s32 @!p0 $0xA;
	[sflag:s4] =	ssyncadd.s32 @!p0 $0xFFFFFFF0;
	s8 =	spop (v2sf)  }
0x39b: {  	_ =	swait.ge @!p0 [sflag:s5], $0x10  }
0x39c: {  	s3 =	simm.s32 @!p0 $0xB;
	s30 =	smov.u32 s12;
	s9 =	spop (v2sf)  }
0x39d: {  	s25 =	sadd.s32 $0x100, s12;
	[sflag:s5] =	ssyncset.done @!p0 $0x0;
	s10 =	spop (v2sf)  }
0x39e: {  	p1 =	sne.s32 s25, $0x2000;
	[sflag:s5] =	ssyncadd.s32 @!p0 $0xFFFFFFF0;
	s11 =	spop (v2sf)  }
0x39f: {  	s1 =	simm.s32 @!p0 $0xC;
	s0 =	simm.s32 @!p0 $0xD;
	_ =	swait.ge @!p0 [sflag:s3], $0x10  }
0x3a0: {  	s31 =	sand.u32 $0x1FFFFFF0, s20;
	s7 =	sand.u32 $0x1FFFFFF0, s21;
	s12 =	spop (v2sf)  }
0x3a1: {  	s14 =	sand.u32 $0x1FFFFFF0, s22;
	[sflag:s3] =	ssyncset.done @!p0 $0x0;
	s13 =	spop (v2sf)  }
0x3a2: {  	s15 =	sand.u32 $0x1FFFFFF0, s24;
	[sflag:s3] =	ssyncadd.s32 @!p0 $0xFFFFFFF0;
	s16 =	spop (v2sf)  }
0x3a3: {  	s24 =	sadd.s32 $0x10, s28;
	s14 =	sadd.s32 s23, s14;
	_ =	swait.ge @!p0 [sflag:s1], $0x10  }
0x3a4: {  	s18 =	sand.u32 $0x1FFFFFF0, s29;
	s19 =	sand.u32 $0x1FFFFFF0, s6;
	s17 =	spop (v2sf)  }
0x3a5: {  	s20 =	sand.u32 $0x1FFFFFF0, s8;
	[sflag:s1] =	ssyncset.done @!p0 $0x0;
	s21 =	spop (v2sf)  }
0x3a6: {  	s20 =	sadd.s32 s23, s20;
	[sflag:s1] =	ssyncadd.s32 @!p0 $0xFFFFFFF0;
	s29 =	spop (v2sf)  }
0x3a7: {  	s2 =	sand.u32 $0x1FFFFFF0, s9;
	s4 =	sand.u32 $0x1FFFFFF0, s10;
	_ =	swait.ge @!p0 [sflag:s0], $0x10  }
0x3a8: {  	s5 =	sand.u32 $0x1FFFFFF0, s11;
	s8 =	sand.u32 $0x1FFFFFF0, s12;
	[sflag:s0] =	ssyncset.done @!p0 $0x0  }
0x3a9: {  	s3 =	sand.u32 $0x1FFFFFF0, s13;
	[sflag:s0] =	ssyncadd.s32 @!p0 $0xFFFFFFF0;
	s0 =	simm.s32 @!p0 $0xE  }
0x3aa: {  	s6 =	sand.u32 $0x1FFFFFF0, s16;
	s16 =	sadd.s32 s23, s4;
	_ =	swait.ge @!p0 [sflag:s0], $0x10  }
0x3ab: {  	s28 =	sadd.s32 s23, s6;
	s6 =	sadd.s32 s23, s5;
	[sflag:s0] =	ssyncset.done @!p0 $0x0  }
0x3ac: {  	s5 =	sadd.s32 s23, s8;
	[sflag:s0] =	ssyncadd.s32 @!p0 $0xFFFFFFF0;
	s0 =	simm.s32 @!p0 $0xF  }
0x3ad: {  	s9 =	sand.u32 $0x1FFFFFF0, s17;
	s17 =	sadd.s32 s23, s2;
	_ =	swait.ge @!p0 [sflag:s0], $0x10  }
0x3ae: {  	s22 =	sand.u32 $0x1FFFFFF0, s21;
	s21 =	simm.s32 @!p0 $0x10;
	[sflag:s0] =	ssyncset.done @!p0 $0x0  }
.Ltmp3:
0x3af: {  	s13 =	sadd.s32 s23, s9;
	[sflag:s0] =	ssyncadd.s32 @!p0 $0xFFFFFFF0;
	(pc) =	sbr.rel @p1 .LBB2_8-.Ltmp3, $4  }
0x3b0: {  	s9 =	sadd.s32 s23, s3;
	s10 =	sand.u32 $0x1FFFFFF0, s29;
	_ =	swait.ge @!p0 [sflag:s21], $0x10  }
0x3b1: {  	s12 =	sadd.s32 s23, s22;
	s11 =	sadd.s32 s23, s10;
	[sflag:s21] =	ssyncset.done @!p0 $0x0  }
0x3b2: {  	s8 =	rddreg [dreg:$0x9];
	[sflag:s21] =	ssyncadd.s32 @!p0 $0xFFFFFFF0;
	s21 =	sadd.s32 s23, s18  }
0x3b3: {  	s18 =	sadd.s32 s23, s19;
	s19 =	sadd.s32 s23, s7;
	s7 =	sadd.s32 s23, s15  }
0x3b4: {  	s0 =	sadd.s32 s30, s8;
	s1 =	sadd.s32 s23, s31;
	s2 =	rddreg [dreg:$0xd]  }
0x3b5: {  	[hbm:s0], [sflag:s2] =	dma.local [hbm:s1], $0x10  }
0x3b6: {  	s15 =	sadd.s32 $0x10, s0;
	s22 =	sadd.s32 $0x20, s0;
	s3 =	rddreg [dreg:$0xe]  }
0x3b7: {  	[hbm:s15], [sflag:s3] =	dma.local [hbm:s19], $0x10  }
0x3b8: {  	[hbm:s22], [sflag:s26] =	dma.local [hbm:s14], $0x10  }
0x3b9: {  	s23 =	sadd.s32 $0x30, s0;
	s24 =	rddreg [dreg:$0xf]  }
0x3ba: {  	[hbm:s23], [sflag:s24] =	dma.local [hbm:s7], $0x10  }
0x3bb: {  	s25 =	sadd.s32 $0x40, s0;
	s7 =	rddreg [dreg:$0x10]  }
0x3bc: {  	[hbm:s25], [sflag:s7] =	dma.local [hbm:s21], $0x10  }
0x3bd: {  	s26 =	sadd.s32 $0x50, s0;
	s29 =	rddreg [dreg:$0x11]  }
0x3be: {  	[hbm:s26], [sflag:s29] =	dma.local [hbm:s18], $0x10  }
0x3bf: {  	s30 =	sadd.s32 $0x60, s0;
	s10 =	rddreg [dreg:$0x12]  }
0x3c0: {  	[hbm:s30], [sflag:s10] =	dma.local [hbm:s20], $0x10  }
0x3c1: {  	s31 =	sadd.s32 $0x70, s0;
	s4 =	rddreg [dreg:$0x1a]  }
0x3c2: {  	[hbm:s31], [sflag:s4] =	dma.local [hbm:s17], $0x10  }
0x3c3: {  	s2 =	sadd.s32 $0x80, s0;
	s4 =	rddreg [dreg:$0x1b]  }
0x3c4: {  	[hbm:s2], [sflag:s4] =	dma.local [hbm:s16], $0x10  }
0x3c5: {  	s3 =	sadd.s32 $0x90, s0;
	s4 =	rddreg [dreg:$0x19]  }
0x3c6: {  	[hbm:s3], [sflag:s4] =	dma.local [hbm:s6], $0x10  }
0x3c7: {  	s6 =	sadd.s32 $0xA0, s0;
	s4 =	rddreg [dreg:$0x17]  }
0x3c8: {  	[hbm:s6], [sflag:s4] =	dma.local [hbm:s5], $0x10  }
0x3c9: {  	s7 =	sadd.s32 $0xB0, s0;
	s4 =	rddreg [dreg:$0x18]  }
0x3ca: {  	[hbm:s7], [sflag:s4] =	dma.local [hbm:s9], $0x10  }
0x3cb: {  	s8 =	sadd.s32 $0xC0, s0;
	s4 =	rddreg [dreg:$0x16]  }
0x3cc: {  	[hbm:s8], [sflag:s4] =	dma.local [hbm:s28], $0x10  }
0x3cd: {  	s9 =	sadd.s32 $0xD0, s0;
	s4 =	rddreg [dreg:$0x15]  }
0x3ce: {  	[hbm:s9], [sflag:s4] =	dma.local [hbm:s13], $0x10  }
0x3cf: {  	s10 =	sadd.s32 $0xE0, s0;
	s4 =	rddreg [dreg:$0x14]  }
0x3d0: {  	[hbm:s10], [sflag:s4] =	dma.local [hbm:s12], $0x10  }
0x3d1: {  	s0 =	sadd.s32 $0xF0, s0;
	s13 =	simm.s32 $0x1;
	s1 =	rddreg [dreg:$0x13]  }
0x3d2: {  	[hbm:s0], [sflag:s1] =	dma.local [hbm:s11], $0x10  }
0x3d3: {  	_ =	swait.ge [sflag:s13], $0x10  }
0x3d4: {  	[sflag:s13] =	ssyncset.done $0x0  }
0x3d5: {  	s14 =	simm.s32 $0x2;
	[sflag:s13] =	ssyncadd.s32 $0xFFFFFFF0  }
0x3d6: {  	_ =	swait.ge [sflag:s14], $0x10  }
0x3d7: {  	[sflag:s14] =	ssyncset.done $0x0  }
0x3d8: {  	s15 =	simm.s32 $0x3;
	[sflag:s14] =	ssyncadd.s32 $0xFFFFFFF0  }
0x3d9: {  	_ =	swait.ge [sflag:s15], $0x10  }
0x3da: {  	[sflag:s15] =	ssyncset.done $0x0  }
0x3db: {  	s16 =	simm.s32 $0x4;
	[sflag:s15] =	ssyncadd.s32 $0xFFFFFFF0  }
0x3dc: {  	_ =	swait.ge [sflag:s16], $0x10  }
0x3dd: {  	[sflag:s16] =	ssyncset.done $0x0  }
0x3de: {  	s17 =	simm.s32 $0x5;
	[sflag:s16] =	ssyncadd.s32 $0xFFFFFFF0  }
0x3df: {  	_ =	swait.ge [sflag:s17], $0x10  }
0x3e0: {  	[sflag:s17] =	ssyncset.done $0x0  }
0x3e1: {  	s18 =	simm.s32 $0x6;
	[sflag:s17] =	ssyncadd.s32 $0xFFFFFFF0  }
0x3e2: {  	_ =	swait.ge [sflag:s18], $0x10  }
0x3e3: {  	[sflag:s18] =	ssyncset.done $0x0  }
0x3e4: {  	s19 =	simm.s32 $0x7;
	[sflag:s18] =	ssyncadd.s32 $0xFFFFFFF0  }
0x3e5: {  	_ =	swait.ge [sflag:s19], $0x10  }
0x3e6: {  	[sflag:s19] =	ssyncset.done $0x0  }
0x3e7: {  	s20 =	simm.s32 $0x8;
	[sflag:s19] =	ssyncadd.s32 $0xFFFFFFF0  }
0x3e8: {  	_ =	swait.ge [sflag:s20], $0x10  }
0x3e9: {  	[sflag:s20] =	ssyncset.done $0x0  }
0x3ea: {  	s21 =	simm.s32 $0x9;
	[sflag:s20] =	ssyncadd.s32 $0xFFFFFFF0  }
0x3eb: {  	_ =	swait.ge [sflag:s21], $0x10  }
0x3ec: {  	[sflag:s21] =	ssyncset.done $0x0  }
0x3ed: {  	s22 =	simm.s32 $0xA;
	[sflag:s21] =	ssyncadd.s32 $0xFFFFFFF0  }
0x3ee: {  	_ =	swait.ge [sflag:s22], $0x10  }
0x3ef: {  	[sflag:s22] =	ssyncset.done $0x0  }
0x3f0: {  	s23 =	simm.s32 $0xB;
	[sflag:s22] =	ssyncadd.s32 $0xFFFFFFF0  }
0x3f1: {  	_ =	swait.ge [sflag:s23], $0x10  }
0x3f2: {  	[sflag:s23] =	ssyncset.done $0x0  }
0x3f3: {  	s24 =	simm.s32 $0xC;
	[sflag:s23] =	ssyncadd.s32 $0xFFFFFFF0  }
0x3f4: {  	_ =	swait.ge [sflag:s24], $0x10  }
0x3f5: {  	[sflag:s24] =	ssyncset.done $0x0  }
0x3f6: {  	s25 =	simm.s32 $0xD;
	[sflag:s24] =	ssyncadd.s32 $0xFFFFFFF0  }
0x3f7: {  	_ =	swait.ge [sflag:s25], $0x10  }
0x3f8: {  	[sflag:s25] =	ssyncset.done $0x0  }
0x3f9: {  	s26 =	simm.s32 $0xE;
	[sflag:s25] =	ssyncadd.s32 $0xFFFFFFF0  }
0x3fa: {  	_ =	swait.ge [sflag:s26], $0x10  }
0x3fb: {  	[sflag:s26] =	ssyncset.done $0x0  }
0x3fc: {  	s28 =	simm.s32 $0xF;
	[sflag:s26] =	ssyncadd.s32 $0xFFFFFFF0  }
0x3fd: {  	_ =	swait.ge [sflag:s28], $0x10  }
0x3fe: {  	[sflag:s28] =	ssyncset.done $0x0  }
0x3ff: {  	s29 =	simm.s32 $0x10;
	[sflag:s28] =	ssyncadd.s32 $0xFFFFFFF0  }
0x400: {  	_ =	swait.ge [sflag:s29], $0x10  }
0x401: {  	s30 =	sld [smem:$0x7F7]  }
0x402: {  	s31 =	sld [smem:$0x7FC];
	_ =	sdelay $0x1  }
0x403: {  	s5 =	sadd.s32 $0x1, s30  }
0x404: {  	p0 =	sne.s32 s5, s31  }
.Ltmp4:
0x405: {  	_ = 	snop;
	(pc) =	sbr.rel @p0 .LBB2_1-.Ltmp4, $3  }
0x406: {  	_ =	sdelay $0x1  }
0x407: {  	[sflag:s29] =	ssyncset.done $0x0  }
0x408: {  	s4 =	rddreg [dreg:$0xa];
	[sflag:s29] =	ssyncadd.s32 $0xFFFFFFF0  }
0x409: {  	_ =	sfence.sel $0x180000  }
0x40a: {  	[bflag:$0x0] =	sbarrier.arrive $0xFFFF  }
0x40b: {  	_ =	strace $0x90000047  }
0x40c: {  	s0 =	stileid.u32;
	[bflag:$0x2] =	sbarrier.arrive $0xFFFF  }
0x40d: {  	p0 =	sne.s32 s0, $0x0;
	s0 =	rddreg [dreg:$0x5]  }
0x40e: {  	s0 =	sadd.s32 @!p0 $0x100000, s0  }
0x40f: {  	[sflag:s0] =	ssyncadd.tile.s32 @!p0 $0x1;
	_ =	shalt  }
.Lfunc_end2:
_tile_overlayer_lowered:
.L_overlay_start_2:
0x410: {  	(tag) =	ssettag $0x2  }
0x411: {  	s0 =	rddreg [dreg:$0x0];
	s2 =	stileid.u32  }
0x412: {  	s1 =	rddreg [dreg:$0x1];
	p0 =	sne.s32 s2, $0x0  }
0x413: {  	s3 =	rddreg [dreg:$0x2];
	[bflag:$0x3] =	sbarrier.arrive $0xFFFF;
	s2 =	simm.s32 @!p0 $0x1C11  }
0x414: {  	[timem:s3], [sflag:s2] =	dma.local @!p0 [hbm:s0], s1  }
0x415: {  	s0 =	simm.s32 @!p0 $0x11  }
0x416: {  	_ =	swait.ge @!p0 [sflag:s0], s1  }
0x417: {  	s1 =	ssub.s32 @!p0 $0x0, s1;
	[sflag:s0] =	ssyncset.done @!p0 $0x0  }
0x418: {  	[sflag:s0] =	ssyncadd.s32 @!p0 s1  }
0x419: {  	[bflag:$0x3] =	sbarrier.arrive $0xFFFF  }
0x41a: {  	_ =	shalt  }

</sc_bundles>
